<compile_context>
chip_gen: v7x
topology: tpu7x:2x2x1
jax: 0.10.2.dev20260603
libtpu: 0.0.44.dev20260713+nightly
codegen_flags: <defaults>
</compile_context>

<pallas_src>
import jax
import jax.numpy as jnp
from jax import lax
from jax.experimental import pallas as pl
from jax.experimental.pallas import tpu as pltpu
from jax.experimental.pallas import tpu_sc as plsc

N_NODES = 10000
IN_CH = 128
HID_CH = 128
N_EDGES = 320000

_NC = 2
_NS = 16
_NW = _NC * _NS
_EPW = N_EDGES // _NW
_C = 80
_NCHUNK = _EPW // _C
_RPT = 1000
_NDRAIN = N_NODES // _RPT



def _encode_body(x_ref, w_ref, asr_ref, adr_ref, h_ref, als_ref, ald_ref,
                 m_ref, mx_ref):
    h = jnp.dot(x_ref[...], w_ref[...], preferred_element_type=jnp.float32)
    h_ref[...] = h
    a_s = jnp.sum(h * asr_ref[...], axis=1, keepdims=True)
    a_d = jnp.sum(h * adr_ref[...], axis=1, keepdims=True)
    als_ref[...] = jnp.broadcast_to(a_s, a_s.shape[:1] + (16,))
    ald_ref[...] = jnp.broadcast_to(a_d, a_d.shape[:1] + (16,))

    i = pl.program_id(0)

    @pl.when(i == 0)
    def _():
        mx_ref[...] = jnp.full((2, 128), -jnp.inf, jnp.float32)

    bs = jnp.max(a_s)
    bd = jnp.max(a_d)
    upd = jnp.concatenate([jnp.full((1, 128), bs, jnp.float32),
                           jnp.full((1, 128), bd, jnp.float32)], axis=0)
    mx_ref[...] = jnp.maximum(mx_ref[...], upd)

    @pl.when(i == pl.num_programs(0) - 1)
    def _():
        mb = mx_ref[0:1, :] + mx_ref[1:2, :]
        m = jnp.where(mb > 0, mb, 0.2 * mb)
        m_ref[...] = m[:, :16]


def _encode(x, w_enc, a_src, a_dst):
    blk = 1000
    grid = (N_NODES // blk,)
    return pl.pallas_call(
        _encode_body,
        grid=grid,
        in_specs=[
            pl.BlockSpec((blk, IN_CH), lambda i: (i, 0)),
            pl.BlockSpec((IN_CH, HID_CH), lambda i: (0, 0)),
            pl.BlockSpec((1, HID_CH), lambda i: (0, 0)),
            pl.BlockSpec((1, HID_CH), lambda i: (0, 0)),
        ],
        out_specs=[
            pl.BlockSpec((blk, HID_CH), lambda i: (i, 0)),
            pl.BlockSpec((blk, 16), lambda i: (i, 0)),
            pl.BlockSpec((blk, 16), lambda i: (i, 0)),
            pl.BlockSpec((1, 16), lambda i: (0, 0)),
            pl.BlockSpec((2, 128), lambda i: (0, 0)),
        ],
        out_shape=[
            jax.ShapeDtypeStruct((N_NODES, HID_CH), jnp.float32),
            jax.ShapeDtypeStruct((N_NODES, 16), jnp.float32),
            jax.ShapeDtypeStruct((N_NODES, 16), jnp.float32),
            jax.ShapeDtypeStruct((1, 16), jnp.float32),
            jax.ShapeDtypeStruct((2, 128), jnp.float32),
        ],
    )(x, w_enc, a_src.reshape(1, HID_CH), a_dst.reshape(1, HID_CH))



def _sc_body(h_hbm, ei_hbm, als_hbm, ald_hbm, m_hbm,
             num_out, den_out,
             m_v, ei3, asr2, adr2, rows2, wden2, w_v,
             num_sh, den_sh, sem_i, sem_g, sem_a, sem_s):
    cid = lax.axis_index("c")
    sid = lax.axis_index("s")
    wid = cid * _NS + sid

    pltpu.sync_copy(m_hbm, m_v)

    @pl.loop(0, _C)
    def _zrow(r):
        for c in range(8):
            rows2[0, r, pl.ds(c * 16, 16)] = jnp.zeros((16,), jnp.float32)
        wden2[0, r, pl.ds(0, 16)] = jnp.zeros((16,), jnp.float32)
        wden2[1, r, pl.ds(0, 16)] = jnp.zeros((16,), jnp.float32)

    @pl.when(sid < _NDRAIN)
    def _():
        base_r = sid * _RPT
        for k in range(12):
            pltpu.async_copy(rows2.at[0],
                             num_sh.at[pl.ds(base_r + k * _C, _C)], sem_i)
            pltpu.async_copy(wden2.at[0],
                             den_sh.at[pl.ds(base_r + k * _C, _C)], sem_i)
        pltpu.async_copy(rows2.at[0, pl.ds(0, 40)],
                         num_sh.at[pl.ds(base_r + 960, 40)], sem_i)
        pltpu.async_copy(wden2.at[0, pl.ds(0, 40)],
                         den_sh.at[pl.ds(base_r + 960, 40)], sem_i)
        for k in range(12):
            pltpu.make_async_copy(
                rows2.at[0], num_sh.at[pl.ds(base_r + k * _C, _C)],
                sem_i).wait()
            pltpu.make_async_copy(
                wden2.at[0], den_sh.at[pl.ds(base_r + k * _C, _C)],
                sem_i).wait()
        pltpu.make_async_copy(rows2.at[0, pl.ds(0, 40)],
                              num_sh.at[pl.ds(base_r + 960, 40)],
                              sem_i).wait()
        pltpu.make_async_copy(wden2.at[0, pl.ds(0, 40)],
                              den_sh.at[pl.ds(base_r + 960, 40)],
                              sem_i).wait()

    plsc.subcore_barrier()

    m16 = m_v[0, :]
    base = wid * _EPW

    def idx_start(g, slot):
        off = base + g * _C
        pltpu.async_copy(ei_hbm.at[:, pl.ds(off, _C)], ei3.at[slot], sem_i)

    def idx_wait(slot):
        pltpu.make_async_copy(ei_hbm.at[:, pl.ds(0, _C)], ei3.at[slot],
                              sem_i).wait()

    def gath_start(slot, b):
        pltpu.async_copy(h_hbm.at[ei3.at[slot, 0]], rows2.at[b], sem_g.at[b])
        pltpu.async_copy(als_hbm.at[ei3.at[slot, 0]], asr2.at[b], sem_a.at[b])
        pltpu.async_copy(ald_hbm.at[ei3.at[slot, 1]], adr2.at[b], sem_a.at[b])

    def rows_wait(slot, b):
        pltpu.make_async_copy(h_hbm.at[ei3.at[slot, 0]], rows2.at[b],
                              sem_g.at[b]).wait()

    def alpha_wait(slot, b):
        pltpu.make_async_copy(als_hbm.at[ei3.at[slot, 0]], asr2.at[b],
                              sem_a.at[b]).wait()
        pltpu.make_async_copy(ald_hbm.at[ei3.at[slot, 1]], adr2.at[b],
                              sem_a.at[b]).wait()

    def dscat_start(slot, b):
        pltpu.async_copy(wden2.at[b], den_sh.at[ei3.at[slot, 1]],
                         sem_s.at[b], add=True)

    def scat_start(slot, b):
        pltpu.async_copy(rows2.at[b], num_sh.at[ei3.at[slot, 1]],
                         sem_s.at[b], add=True)

    def scat_wait(slot, b):
        pltpu.make_async_copy(rows2.at[b], num_sh.at[ei3.at[slot, 1]],
                              sem_s.at[b]).wait()
        pltpu.make_async_copy(wden2.at[b], den_sh.at[ei3.at[slot, 1]],
                              sem_s.at[b]).wait()

    idx_start(0, 0)
    idx_wait(0)
    idx_start(1, 1)
    gath_start(0, 0)

    z16 = jnp.zeros((16,), jnp.int32)
    i16 = lax.iota(jnp.int32, 16)

    @pl.loop(0, _NCHUNK)
    def _chunk(g):
        p = lax.rem(g, 2)
        slot = lax.rem(g, 3)

        @pl.when(g > 0)
        def _():
            scat_wait(lax.rem(g + 2, 3), 1 - p)

        @pl.when(g < _NCHUNK - 1)
        def _():
            idx_wait(lax.rem(g + 1, 3))
            gath_start(lax.rem(g + 1, 3), 1 - p)

        @pl.when(g < _NCHUNK - 2)
        def _():
            idx_start(g + 2, lax.rem(g + 2, 3))

        alpha_wait(slot, p)
        for j in range(_C // 16):
            r16 = i16 + (j * 16)
            e = (plsc.load_gather(asr2.at[p], [r16, z16])
                 + plsc.load_gather(adr2.at[p], [r16, z16]))
            e = jnp.where(e > 0, e, e * 0.2)
            w16 = jnp.exp(e - m16)
            w_v[pl.ds(j * 16, 16)] = w16
            plsc.store_scatter(wden2.at[p], [r16, z16], w16)

        dscat_start(slot, p)

        rows_wait(slot, p)

        @plsc.parallel_loop(0, _C, 1, unroll=8)
        def _row(r):
            wb = plsc.load_gather(w_v, [jnp.full((16,), r, jnp.int32)])
            for c in range(8):
                sl = pl.ds(c * 16, 16)
                rows2[p, r, sl] = rows2[p, r, sl] * wb

        scat_start(slot, p)

    scat_wait(lax.rem(_NCHUNK - 1, 3), lax.rem(_NCHUNK - 1, 2))
    plsc.subcore_barrier()

    @pl.when(sid < _NDRAIN)
    def _():
        r0 = sid * _RPT
        pltpu.sync_copy(num_sh.at[pl.ds(r0, _RPT)],
                        num_out.at[cid, pl.ds(r0, _RPT)])
        pltpu.sync_copy(den_sh.at[pl.ds(r0, _RPT)],
                        den_out.at[cid, pl.ds(r0, _RPT)])


def _sc_edge_pass(h, edge_index, alpha_s, alpha_d, m_vec):
    mesh = plsc.VectorSubcoreMesh(core_axis_name="c", subcore_axis_name="s")
    f32 = jnp.float32
    k = pl.kernel(
        _sc_body,
        compiler_params=pltpu.CompilerParams(needs_layout_passes=False,
                                             use_tc_tiling_on_sc=False),
        out_type=(
            jax.ShapeDtypeStruct((_NC, N_NODES, HID_CH), f32),
            jax.ShapeDtypeStruct((_NC, N_NODES, 16), f32),
        ),
        mesh=mesh,
        scratch_types=[
            pltpu.VMEM((1, 16), f32),
            pltpu.VMEM((3, 2, _C), jnp.int32),
            pltpu.VMEM((2, _C, 16), f32),
            pltpu.VMEM((2, _C, 16), f32),
            pltpu.VMEM((2, _C, HID_CH), f32),
            pltpu.VMEM((2, _C, 16), f32),
            pltpu.VMEM((_C,), f32),
            pltpu.VMEM_SHARED((N_NODES, HID_CH), f32),
            pltpu.VMEM_SHARED((N_NODES, 16), f32),
            pltpu.SemaphoreType.DMA,
            pltpu.SemaphoreType.DMA((2,)),
            pltpu.SemaphoreType.DMA((2,)),
            pltpu.SemaphoreType.DMA((2,)),
        ],
    )
    return k(h, edge_index, alpha_s, alpha_d, m_vec)



def _decode_body(n0_ref, n1_ref, d0_ref, d1_ref, be_ref, wd_ref, bd_ref,
                 rec_ref, z_ref):
    num = n0_ref[0] + n1_ref[0]
    den = d0_ref[0, :, 0:1] + d1_ref[0, :, 0:1]
    z = num / (den + 1e-16) + be_ref[...]
    z_ref[...] = z
    rec_ref[...] = jnp.tanh(
        jnp.dot(z, wd_ref[...], preferred_element_type=jnp.float32)
        + bd_ref[...])


def _decode(num, den, b_enc, w_dec, b_dec):
    blk = 1000
    grid = (N_NODES // blk,)
    return pl.pallas_call(
        _decode_body,
        grid=grid,
        in_specs=[
            pl.BlockSpec((1, blk, HID_CH), lambda i: (0, i, 0)),
            pl.BlockSpec((1, blk, HID_CH), lambda i: (1, i, 0)),
            pl.BlockSpec((1, blk, 16), lambda i: (0, i, 0)),
            pl.BlockSpec((1, blk, 16), lambda i: (1, i, 0)),
            pl.BlockSpec((1, HID_CH), lambda i: (0, 0)),
            pl.BlockSpec((HID_CH, IN_CH), lambda i: (0, 0)),
            pl.BlockSpec((1, IN_CH), lambda i: (0, 0)),
        ],
        out_specs=[
            pl.BlockSpec((blk, IN_CH), lambda i: (i, 0)),
            pl.BlockSpec((blk, HID_CH), lambda i: (i, 0)),
        ],
        out_shape=[
            jax.ShapeDtypeStruct((N_NODES, IN_CH), jnp.float32),
            jax.ShapeDtypeStruct((N_NODES, HID_CH), jnp.float32),
        ],
    )(num, num, den, den, b_enc.reshape(1, HID_CH), w_dec,
      b_dec.reshape(1, IN_CH))


def kernel(x, edge_index, W_enc, a_src, a_dst, b_enc, W_dec, b_dec):
    h, als, ald, m_vec, _ = _encode(x, W_enc, a_src, a_dst)
    num, den = _sc_edge_pass(h, edge_index, als, ald, m_vec)
    recon, z = _decode(num, den, b_enc, W_dec, b_dec)
    return (recon, z)

# --- scband reference (transcript-rebuilt; emitter-appended) ---
"""Pipeline reference for scband-gatanomaly-detector-4853313045131 (READ-ONLY COPY).

The authoritative reference and input builder live on the scoring server;
editing this copy changes nothing except your own understanding.
"""

import jax, jax.numpy as jnp
import numpy as np

N_NODES = 10000
IN_CH = 128
HID_CH = 128
N_EDGES = 320000


def setup_inputs(seed: int = 0) -> dict:
    key = jax.random.key(seed)
    ks = jax.random.split(key, 8)
    x = jax.random.normal(ks[0], (N_NODES, IN_CH), dtype=jnp.float32)
    edge_index = jax.random.randint(ks[1], (2, N_EDGES), 0, N_NODES, dtype=jnp.int32)
    s = 1.0 / np.sqrt(IN_CH)
    W_enc = jax.random.uniform(ks[2], (IN_CH, HID_CH), jnp.float32, -s, s)
    a_src = jax.random.uniform(ks[3], (HID_CH,), jnp.float32, -s, s)
    a_dst = jax.random.uniform(ks[4], (HID_CH,), jnp.float32, -s, s)
    b_enc = jnp.zeros((HID_CH,), jnp.float32)
    sd = 1.0 / np.sqrt(HID_CH)
    W_dec = jax.random.uniform(ks[5], (HID_CH, IN_CH), jnp.float32, -sd, sd)
    b_dec = jax.random.uniform(ks[6], (IN_CH,), jnp.float32, -sd, sd)
    return {"x": x, "edge_index": edge_index, "W_enc": W_enc, "a_src": a_src,
            "a_dst": a_dst, "b_enc": b_enc, "W_dec": W_dec, "b_dec": b_dec}


def reference(x, edge_index, W_enc, a_src, a_dst, b_enc, W_dec, b_dec):
    # Encoder: single-head GAT conv (GATv1 attention, softmax over incoming edges)
    N = x.shape[0]
    src = edge_index[0]
    dst = edge_index[1]
    h = x @ W_enc                                  # [N, HID]
    alpha_s = h @ a_src                            # [N]
    alpha_d = h @ a_dst                            # [N]
    e = jax.nn.leaky_relu(alpha_s[src] + alpha_d[dst], negative_slope=0.2)  # [E]
    e_max = jax.ops.segment_max(e, dst, num_segments=N)
    e_exp = jnp.exp(e - e_max[dst])
    denom = jax.ops.segment_sum(e_exp, dst, num_segments=N)
    attn = e_exp / (denom[dst] + 1e-16)            # [E]
    msg = h[src] * attn[:, None]                   # [E, HID] gather + weight
    z = jax.ops.segment_sum(msg, dst, num_segments=N) + b_enc  # [N, HID]
    # Decoder: linear back to input space + tanh
    recon = jnp.tanh(z @ W_dec + b_dec)            # [N, IN]
    return (recon, z)

if __name__ == "__main__":
    import jax
    _d = setup_inputs()
    print(jax.jit(kernel)(*tuple(_d.values())))

</pallas_src>

<mosaic_0001>
#map = affine_map<(d0, d1) -> (0, 0)>
#map1 = affine_map<(d0, d1) -> (0, 0, 0)>
module attributes {stable_mosaic.version = 14 : i64} {
  func.func @_sc_body(%arg0: i32, %arg1: i32, %arg2: memref<10000x128xf32, #tpu.memory_space<hbm>>, %arg3: memref<2x320000xi32, #tpu.memory_space<hbm>>, %arg4: memref<10000x16xf32, #tpu.memory_space<hbm>>, %arg5: memref<10000x16xf32, #tpu.memory_space<hbm>>, %arg6: memref<1x16xf32, #tpu.memory_space<hbm>>, %arg7: memref<2x10000x128xf32, #tpu.memory_space<hbm>>, %arg8: memref<2x10000x16xf32, #tpu.memory_space<hbm>>, %arg9: memref<1x16xf32, #tpu.memory_space<vmem>>, %arg10: memref<3x2x80xi32, #tpu.memory_space<vmem>>, %arg11: memref<2x80x16xf32, #tpu.memory_space<vmem>>, %arg12: memref<2x80x16xf32, #tpu.memory_space<vmem>>, %arg13: memref<2x80x128xf32, #tpu.memory_space<vmem>>, %arg14: memref<2x80x16xf32, #tpu.memory_space<vmem>>, %arg15: memref<80xf32, #tpu.memory_space<vmem>>, %arg16: memref<10000x128xf32, #tpu.memory_space<vmem_shared>>, %arg17: memref<10000x16xf32, #tpu.memory_space<vmem_shared>>, %arg18: memref<!tpu.dma_semaphore, #tpu.memory_space<semaphore_mem>>, %arg19: memref<2x!tpu.dma_semaphore, #tpu.memory_space<semaphore_mem>>, %arg20: memref<2x!tpu.dma_semaphore, #tpu.memory_space<semaphore_mem>>, %arg21: memref<2x!tpu.dma_semaphore, #tpu.memory_space<semaphore_mem>>) attributes {dimension_semantics = [#tpu.dimension_semantics<core_parallel>, #tpu.dimension_semantics<subcore_parallel>], iteration_bounds = array<i64: 2, 16>, scalar_prefetch = 0 : i64, scratch_operands = 13 : i64, tpu.core_type = #tpu.core_type<sc_vector_subcore>, window_params = [{transform_indices = #map}, {transform_indices = #map}, {transform_indices = #map}, {transform_indices = #map}, {transform_indices = #map}, {transform_indices = #map1}, {transform_indices = #map1}]} {
    %mul3A = arith.constant 16 : i32
    %mul3A_0 = arith.muli %arg0, %mul3A : i32
    %add3A = arith.addi %mul3A_0, %arg1 : i32
    "tpu.region"() ({
      %run_scoped3A = tpu.sem_alloc : memref<!tpu.dma_semaphore, #tpu.memory_space<semaphore_mem>>
      tpu.enqueue_dma source(%arg6 : memref<1x16xf32, #tpu.memory_space<hbm>>) target(%arg9 : memref<1x16xf32, #tpu.memory_space<vmem>>) target_semaphore(%run_scoped3A : memref<!tpu.dma_semaphore, #tpu.memory_space<semaphore_mem>>)
      tpu.wait_dma2 semaphore(%run_scoped3A : memref<!tpu.dma_semaphore, #tpu.memory_space<semaphore_mem>>) src(%arg6 : memref<1x16xf32, #tpu.memory_space<hbm>>) dst(%arg9 : memref<1x16xf32, #tpu.memory_space<vmem>>)
      tpu.yield
    }) : () -> ()
    %scan3A = arith.constant 0 : i32
    %scan3A_1 = arith.constant 80 : i32
    %scan3A_2 = arith.addi %scan3A, %scan3A_1 : i32
    %scan3A_3 = arith.constant 1 : i32
    scf.for %scan3A_146 = %scan3A to %scan3A_2 step %scan3A_3  : i32 {
      %mul3A_147 = arith.constant 1 : i32
      %mul3A_148 = arith.muli %scan3A_146, %mul3A_147 : i32
      %add3A_149 = arith.constant 0 : i32
      %add3A_150 = arith.addi %add3A_149, %mul3A_148 : i32
      %broadcast_in_dim3A_151 = arith.constant 0.000000e+00 : f32
      %broadcast_in_dim3A_152 = vector.broadcast %broadcast_in_dim3A_151 : f32 to vector<16xf32>
      %swap3A = arith.constant 0 : i32
      %swap3A_153 = arith.index_cast %swap3A : i32 to index
      %swap3A_154 = arith.index_cast %add3A_150 : i32 to index
      %swap3A_155 = arith.constant 0 : index
      %swap3A_156 = tpu.vector_load %arg13[%swap3A_153, %swap3A_154, %swap3A_155] {strides = array<i32>} : memref<2x80x128xf32, #tpu.memory_space<vmem>>, vector<16xf32>,
      tpu.vector_store %arg13[%swap3A_153, %swap3A_154, %swap3A_155], %broadcast_in_dim3A_152 {strides = array<i32>} : memref<2x80x128xf32, #tpu.memory_space<vmem>>, vector<16xf32>,
      %broadcast_in_dim3A_157 = arith.constant 0.000000e+00 : f32
      %broadcast_in_dim3A_158 = vector.broadcast %broadcast_in_dim3A_157 : f32 to vector<16xf32>
      %swap3A_159 = arith.constant 0 : i32
      %swap3A_160 = arith.index_cast %swap3A_159 : i32 to index
      %swap3A_161 = arith.index_cast %add3A_150 : i32 to index
      %swap3A_162 = arith.constant 16 : index
      %swap3A_163 = tpu.vector_load %arg13[%swap3A_160, %swap3A_161, %swap3A_162] {strides = array<i32>} : memref<2x80x128xf32, #tpu.memory_space<vmem>>, vector<16xf32>,
      tpu.vector_store %arg13[%swap3A_160, %swap3A_161, %swap3A_162], %broadcast_in_dim3A_158 {strides = array<i32>} : memref<2x80x128xf32, #tpu.memory_space<vmem>>, vector<16xf32>,
      %broadcast_in_dim3A_164 = arith.constant 0.000000e+00 : f32
      %broadcast_in_dim3A_165 = vector.broadcast %broadcast_in_dim3A_164 : f32 to vector<16xf32>
      %swap3A_166 = arith.constant 0 : i32
      %swap3A_167 = arith.index_cast %swap3A_166 : i32 to index
      %swap3A_168 = arith.index_cast %add3A_150 : i32 to index
      %swap3A_169 = arith.constant 32 : index
      %swap3A_170 = tpu.vector_load %arg13[%swap3A_167, %swap3A_168, %swap3A_169] {strides = array<i32>} : memref<2x80x128xf32, #tpu.memory_space<vmem>>, vector<16xf32>,
      tpu.vector_store %arg13[%swap3A_167, %swap3A_168, %swap3A_169], %broadcast_in_dim3A_165 {strides = array<i32>} : memref<2x80x128xf32, #tpu.memory_space<vmem>>, vector<16xf32>,
      %broadcast_in_dim3A_171 = arith.constant 0.000000e+00 : f32
      %broadcast_in_dim3A_172 = vector.broadcast %broadcast_in_dim3A_171 : f32 to vector<16xf32>
      %swap3A_173 = arith.constant 0 : i32
      %swap3A_174 = arith.index_cast %swap3A_173 : i32 to index
      %swap3A_175 = arith.index_cast %add3A_150 : i32 to index
      %swap3A_176 = arith.constant 48 : index
      %swap3A_177 = tpu.vector_load %arg13[%swap3A_174, %swap3A_175, %swap3A_176] {strides = array<i32>} : memref<2x80x128xf32, #tpu.memory_space<vmem>>, vector<16xf32>,
      tpu.vector_store %arg13[%swap3A_174, %swap3A_175, %swap3A_176], %broadcast_in_dim3A_172 {strides = array<i32>} : memref<2x80x128xf32, #tpu.memory_space<vmem>>, vector<16xf32>,
      %broadcast_in_dim3A_178 = arith.constant 0.000000e+00 : f32
      %broadcast_in_dim3A_179 = vector.broadcast %broadcast_in_dim3A_178 : f32 to vector<16xf32>
      %swap3A_180 = arith.constant 0 : i32
      %swap3A_181 = arith.index_cast %swap3A_180 : i32 to index
      %swap3A_182 = arith.index_cast %add3A_150 : i32 to index
      %swap3A_183 = arith.constant 64 : index
      %swap3A_184 = tpu.vector_load %arg13[%swap3A_181, %swap3A_182, %swap3A_183] {strides = array<i32>} : memref<2x80x128xf32, #tpu.memory_space<vmem>>, vector<16xf32>,
      tpu.vector_store %arg13[%swap3A_181, %swap3A_182, %swap3A_183], %broadcast_in_dim3A_179 {strides = array<i32>} : memref<2x80x128xf32, #tpu.memory_space<vmem>>, vector<16xf32>,
      %broadcast_in_dim3A_185 = arith.constant 0.000000e+00 : f32
      %broadcast_in_dim3A_186 = vector.broadcast %broadcast_in_dim3A_185 : f32 to vector<16xf32>
      %swap3A_187 = arith.constant 0 : i32
      %swap3A_188 = arith.index_cast %swap3A_187 : i32 to index
      %swap3A_189 = arith.index_cast %add3A_150 : i32 to index
      %swap3A_190 = arith.constant 80 : index
      %swap3A_191 = tpu.vector_load %arg13[%swap3A_188, %swap3A_189, %swap3A_190] {strides = array<i32>} : memref<2x80x128xf32, #tpu.memory_space<vmem>>, vector<16xf32>,
      tpu.vector_store %arg13[%swap3A_188, %swap3A_189, %swap3A_190], %broadcast_in_dim3A_186 {strides = array<i32>} : memref<2x80x128xf32, #tpu.memory_space<vmem>>, vector<16xf32>,
      %broadcast_in_dim3A_192 = arith.constant 0.000000e+00 : f32
      %broadcast_in_dim3A_193 = vector.broadcast %broadcast_in_dim3A_192 : f32 to vector<16xf32>
      %swap3A_194 = arith.constant 0 : i32
      %swap3A_195 = arith.index_cast %swap3A_194 : i32 to index
      %swap3A_196 = arith.index_cast %add3A_150 : i32 to index
      %swap3A_197 = arith.constant 96 : index
      %swap3A_198 = tpu.vector_load %arg13[%swap3A_195, %swap3A_196, %swap3A_197] {strides = array<i32>} : memref<2x80x128xf32, #tpu.memory_space<vmem>>, vector<16xf32>,
      tpu.vector_store %arg13[%swap3A_195, %swap3A_196, %swap3A_197], %broadcast_in_dim3A_193 {strides = array<i32>} : memref<2x80x128xf32, #tpu.memory_space<vmem>>, vector<16xf32>,
      %broadcast_in_dim3A_199 = arith.constant 0.000000e+00 : f32
      %broadcast_in_dim3A_200 = vector.broadcast %broadcast_in_dim3A_199 : f32 to vector<16xf32>
      %swap3A_201 = arith.constant 0 : i32
      %swap3A_202 = arith.index_cast %swap3A_201 : i32 to index
      %swap3A_203 = arith.index_cast %add3A_150 : i32 to index
      %swap3A_204 = arith.constant 112 : index
      %swap3A_205 = tpu.vector_load %arg13[%swap3A_202, %swap3A_203, %swap3A_204] {strides = array<i32>} : memref<2x80x128xf32, #tpu.memory_space<vmem>>, vector<16xf32>,
      tpu.vector_store %arg13[%swap3A_202, %swap3A_203, %swap3A_204], %broadcast_in_dim3A_200 {strides = array<i32>} : memref<2x80x128xf32, #tpu.memory_space<vmem>>, vector<16xf32>,
      %broadcast_in_dim3A_206 = arith.constant 0.000000e+00 : f32
      %broadcast_in_dim3A_207 = vector.broadcast %broadcast_in_dim3A_206 : f32 to vector<16xf32>
      %swap3A_208 = arith.constant 0 : i32
      %swap3A_209 = arith.index_cast %swap3A_208 : i32 to index
      %swap3A_210 = arith.index_cast %add3A_150 : i32 to index
      %swap3A_211 = arith.constant 0 : index
      %swap3A_212 = tpu.vector_load %arg14[%swap3A_209, %swap3A_210, %swap3A_211] {strides = array<i32>} : memref<2x80x16xf32, #tpu.memory_space<vmem>>, vector<16xf32>,
      tpu.vector_store %arg14[%swap3A_209, %swap3A_210, %swap3A_211], %broadcast_in_dim3A_207 {strides = array<i32>} : memref<2x80x16xf32, #tpu.memory_space<vmem>>, vector<16xf32>,
      %broadcast_in_dim3A_213 = arith.constant 0.000000e+00 : f32
      %broadcast_in_dim3A_214 = vector.broadcast %broadcast_in_dim3A_213 : f32 to vector<16xf32>
      %swap3A_215 = arith.constant 1 : i32
      %swap3A_216 = arith.index_cast %swap3A_215 : i32 to index
      %swap3A_217 = arith.index_cast %add3A_150 : i32 to index
      %swap3A_218 = arith.constant 0 : index
      %swap3A_219 = tpu.vector_load %arg14[%swap3A_216, %swap3A_217, %swap3A_218] {strides = array<i32>} : memref<2x80x16xf32, #tpu.memory_space<vmem>>, vector<16xf32>,
      tpu.vector_store %arg14[%swap3A_216, %swap3A_217, %swap3A_218], %broadcast_in_dim3A_214 {strides = array<i32>} : memref<2x80x16xf32, #tpu.memory_space<vmem>>, vector<16xf32>,
    }
    %scan3A_4 = arith.constant 80 : i32
    %lt3A = arith.constant 10 : i32
    %lt3A_5 = arith.cmpi slt, %arg1, %lt3A : i32
    %convert_element_type3A = arith.extui %lt3A_5 : i1 to i32
    %cond3A = arith.constant 0 : i32
    %cond3A_6 = arith.cmpi ne, %convert_element_type3A, %cond3A : i32
    scf.if %cond3A_6 {
      %mul3A_146 = arith.constant 1000 : i32
      %mul3A_147 = arith.muli %arg1, %mul3A_146 : i32
      %add3A_148 = arith.constant 0 : i32
      %add3A_149 = arith.addi %mul3A_147, %add3A_148 : i32
      %dma_start3A_150 = arith.constant 0 : i32
      %dma_start3A_151 = arith.constant 0 : i32
      %dma_start3A_152 = arith.constant 0 : i32
      %dma_start3A_153 = tpu.memref_slice %arg13[%dma_start3A_150, %dma_start3A_151, %dma_start3A_152] : memref<2x80x128xf32, #tpu.memory_space<vmem>> -> memref<1x80x128xf32, #tpu.memory_space<vmem>>
      %dma_start3A_154 = tpu.memref_squeeze %dma_start3A_153 : memref<1x80x128xf32, #tpu.memory_space<vmem>> -> memref<80x128xf32, #tpu.memory_space<vmem>>
      %dma_start3A_155 = arith.constant 0 : i32
      %dma_start3A_156 = tpu.memref_slice %arg16[%add3A_149, %dma_start3A_155] : memref<10000x128xf32, #tpu.memory_space<vmem_shared>> -> memref<80x128xf32, #tpu.memory_space<vmem_shared>>
      %dma_start3A_157 = arith.constant 0 : i32
      %dma_start3A_158 = tpu.memref_slice %arg16[%add3A_149, %dma_start3A_157] : memref<10000x128xf32, #tpu.memory_space<vmem_shared>> -> memref<80x128xf32, #tpu.memory_space<vmem_shared>>
      %dma_start3A_159 = arith.constant 0 : i32
      %dma_start3A_160 = arith.constant 0 : i32
      %dma_start3A_161 = tpu.memref_slice %arg13[%dma_start3A_150, %dma_start3A_159, %dma_start3A_160] : memref<2x80x128xf32, #tpu.memory_space<vmem>> -> memref<1x80x128xf32, #tpu.memory_space<vmem>>
      %dma_start3A_162 = tpu.memref_squeeze %dma_start3A_161 : memref<1x80x128xf32, #tpu.memory_space<vmem>> -> memref<80x128xf32, #tpu.memory_space<vmem>>
      tpu.enqueue_dma source(%dma_start3A_162 : memref<80x128xf32, #tpu.memory_space<vmem>>) target(%dma_start3A_158 : memref<80x128xf32, #tpu.memory_space<vmem_shared>>) target_semaphore(%arg18 : memref<!tpu.dma_semaphore, #tpu.memory_space<semaphore_mem>>)
      %add3A_163 = arith.constant 0 : i32
      %add3A_164 = arith.addi %mul3A_147, %add3A_163 : i32
      %dma_start3A_165 = arith.constant 0 : i32
      %dma_start3A_166 = arith.constant 0 : i32
      %dma_start3A_167 = arith.constant 0 : i32
      %dma_start3A_168 = tpu.memref_slice %arg14[%dma_start3A_165, %dma_start3A_166, %dma_start3A_167] : memref<2x80x16xf32, #tpu.memory_space<vmem>> -> memref<1x80x16xf32, #tpu.memory_space<vmem>>
      %dma_start3A_169 = tpu.memref_squeeze %dma_start3A_168 : memref<1x80x16xf32, #tpu.memory_space<vmem>> -> memref<80x16xf32, #tpu.memory_space<vmem>>
      %dma_start3A_170 = arith.constant 0 : i32
      %dma_start3A_171 = tpu.memref_slice %arg17[%add3A_164, %dma_start3A_170] : memref<10000x16xf32, #tpu.memory_space<vmem_shared>> -> memref<80x16xf32, #tpu.memory_space<vmem_shared>>
      %dma_start3A_172 = arith.constant 0 : i32
      %dma_start3A_173 = tpu.memref_slice %arg17[%add3A_164, %dma_start3A_172] : memref<10000x16xf32, #tpu.memory_space<vmem_shared>> -> memref<80x16xf32, #tpu.memory_space<vmem_shared>>
      %dma_start3A_174 = arith.constant 0 : i32
      %dma_start3A_175 = arith.constant 0 : i32
      %dma_start3A_176 = tpu.memref_slice %arg14[%dma_start3A_165, %dma_start3A_174, %dma_start3A_175] : memref<2x80x16xf32, #tpu.memory_space<vmem>> -> memref<1x80x16xf32, #tpu.memory_space<vmem>>
      %dma_start3A_177 = tpu.memref_squeeze %dma_start3A_176 : memref<1x80x16xf32, #tpu.memory_space<vmem>> -> memref<80x16xf32, #tpu.memory_space<vmem>>
      tpu.enqueue_dma source(%dma_start3A_177 : memref<80x16xf32, #tpu.memory_space<vmem>>) target(%dma_start3A_173 : memref<80x16xf32, #tpu.memory_space<vmem_shared>>) target_semaphore(%arg18 : memref<!tpu.dma_semaphore, #tpu.memory_space<semaphore_mem>>)
      %add3A_178 = arith.constant 80 : i32
      %add3A_179 = arith.addi %mul3A_147, %add3A_178 : i32
      %dma_start3A_180 = arith.constant 0 : i32
      %dma_start3A_181 = arith.constant 0 : i32
      %dma_start3A_182 = arith.constant 0 : i32
      %dma_start3A_183 = tpu.memref_slice %arg13[%dma_start3A_180, %dma_start3A_181, %dma_start3A_182] : memref<2x80x128xf32, #tpu.memory_space<vmem>> -> memref<1x80x128xf32, #tpu.memory_space<vmem>>
      %dma_start3A_184 = tpu.memref_squeeze %dma_start3A_183 : memref<1x80x128xf32, #tpu.memory_space<vmem>> -> memref<80x128xf32, #tpu.memory_space<vmem>>
      %dma_start3A_185 = arith.constant 0 : i32
      %dma_start3A_186 = tpu.memref_slice %arg16[%add3A_179, %dma_start3A_185] : memref<10000x128xf32, #tpu.memory_space<vmem_shared>> -> memref<80x128xf32, #tpu.memory_space<vmem_shared>>
      %dma_start3A_187 = arith.constant 0 : i32
      %dma_start3A_188 = tpu.memref_slice %arg16[%add3A_179, %dma_start3A_187] : memref<10000x128xf32, #tpu.memory_space<vmem_shared>> -> memref<80x128xf32, #tpu.memory_space<vmem_shared>>
      %dma_start3A_189 = arith.constant 0 : i32
      %dma_start3A_190 = arith.constant 0 : i32
      %dma_start3A_191 = tpu.memref_slice %arg13[%dma_start3A_180, %dma_start3A_189, %dma_start3A_190] : memref<2x80x128xf32, #tpu.memory_space<vmem>> -> memref<1x80x128xf32, #tpu.memory_space<vmem>>
      %dma_start3A_192 = tpu.memref_squeeze %dma_start3A_191 : memref<1x80x128xf32, #tpu.memory_space<vmem>> -> memref<80x128xf32, #tpu.memory_space<vmem>>
      tpu.enqueue_dma source(%dma_start3A_192 : memref<80x128xf32, #tpu.memory_space<vmem>>) target(%dma_start3A_188 : memref<80x128xf32, #tpu.memory_space<vmem_shared>>) target_semaphore(%arg18 : memref<!tpu.dma_semaphore, #tpu.memory_space<semaphore_mem>>)
      %add3A_193 = arith.constant 80 : i32
      %add3A_194 = arith.addi %mul3A_147, %add3A_193 : i32
      %dma_start3A_195 = arith.constant 0 : i32
      %dma_start3A_196 = arith.constant 0 : i32
      %dma_start3A_197 = arith.constant 0 : i32
      %dma_start3A_198 = tpu.memref_slice %arg14[%dma_start3A_195, %dma_start3A_196, %dma_start3A_197] : memref<2x80x16xf32, #tpu.memory_space<vmem>> -> memref<1x80x16xf32, #tpu.memory_space<vmem>>
      %dma_start3A_199 = tpu.memref_squeeze %dma_start3A_198 : memref<1x80x16xf32, #tpu.memory_space<vmem>> -> memref<80x16xf32, #tpu.memory_space<vmem>>
      %dma_start3A_200 = arith.constant 0 : i32
      %dma_start3A_201 = tpu.memref_slice %arg17[%add3A_194, %dma_start3A_200] : memref<10000x16xf32, #tpu.memory_space<vmem_shared>> -> memref<80x16xf32, #tpu.memory_space<vmem_shared>>
      %dma_start3A_202 = arith.constant 0 : i32
      %dma_start3A_203 = tpu.memref_slice %arg17[%add3A_194, %dma_start3A_202] : memref<10000x16xf32, #tpu.memory_space<vmem_shared>> -> memref<80x16xf32, #tpu.memory_space<vmem_shared>>
      %dma_start3A_204 = arith.constant 0 : i32
      %dma_start3A_205 = arith.constant 0 : i32
      %dma_start3A_206 = tpu.memref_slice %arg14[%dma_start3A_195, %dma_start3A_204, %dma_start3A_205] : memref<2x80x16xf32, #tpu.memory_space<vmem>> -> memref<1x80x16xf32, #tpu.memory_space<vmem>>
      %dma_start3A_207 = tpu.memref_squeeze %dma_start3A_206 : memref<1x80x16xf32, #tpu.memory_space<vmem>> -> memref<80x16xf32, #tpu.memory_space<vmem>>
      tpu.enqueue_dma source(%dma_start3A_207 : memref<80x16xf32, #tpu.memory_space<vmem>>) target(%dma_start3A_203 : memref<80x16xf32, #tpu.memory_space<vmem_shared>>) target_semaphore(%arg18 : memref<!tpu.dma_semaphore, #tpu.memory_space<semaphore_mem>>)
      %add3A_208 = arith.constant 160 : i32
      %add3A_209 = arith.addi %mul3A_147, %add3A_208 : i32
      %dma_start3A_210 = arith.constant 0 : i32
      %dma_start3A_211 = arith.constant 0 : i32
      %dma_start3A_212 = arith.constant 0 : i32
      %dma_start3A_213 = tpu.memref_slice %arg13[%dma_start3A_210, %dma_start3A_211, %dma_start3A_212] : memref<2x80x128xf32, #tpu.memory_space<vmem>> -> memref<1x80x128xf32, #tpu.memory_space<vmem>>
      %dma_start3A_214 = tpu.memref_squeeze %dma_start3A_213 : memref<1x80x128xf32, #tpu.memory_space<vmem>> -> memref<80x128xf32, #tpu.memory_space<vmem>>
      %dma_start3A_215 = arith.constant 0 : i32
      %dma_start3A_216 = tpu.memref_slice %arg16[%add3A_209, %dma_start3A_215] : memref<10000x128xf32, #tpu.memory_space<vmem_shared>> -> memref<80x128xf32, #tpu.memory_space<vmem_shared>>
      %dma_start3A_217 = arith.constant 0 : i32
      %dma_start3A_218 = tpu.memref_slice %arg16[%add3A_209, %dma_start3A_217] : memref<10000x128xf32, #tpu.memory_space<vmem_shared>> -> memref<80x128xf32, #tpu.memory_space<vmem_shared>>
      %dma_start3A_219 = arith.constant 0 : i32
      %dma_start3A_220 = arith.constant 0 : i32
      %dma_start3A_221 = tpu.memref_slice %arg13[%dma_start3A_210, %dma_start3A_219, %dma_start3A_220] : memref<2x80x128xf32, #tpu.memory_space<vmem>> -> memref<1x80x128xf32, #tpu.memory_space<vmem>>
      %dma_start3A_222 = tpu.memref_squeeze %dma_start3A_221 : memref<1x80x128xf32, #tpu.memory_space<vmem>> -> memref<80x128xf32, #tpu.memory_space<vmem>>
      tpu.enqueue_dma source(%dma_start3A_222 : memref<80x128xf32, #tpu.memory_space<vmem>>) target(%dma_start3A_218 : memref<80x128xf32, #tpu.memory_space<vmem_shared>>) target_semaphore(%arg18 : memref<!tpu.dma_semaphore, #tpu.memory_space<semaphore_mem>>)
      %add3A_223 = arith.constant 160 : i32
      %add3A_224 = arith.addi %mul3A_147, %add3A_223 : i32
      %dma_start3A_225 = arith.constant 0 : i32
      %dma_start3A_226 = arith.constant 0 : i32
      %dma_start3A_227 = arith.constant 0 : i32
      %dma_start3A_228 = tpu.memref_slice %arg14[%dma_start3A_225, %dma_start3A_226, %dma_start3A_227] : memref<2x80x16xf32, #tpu.memory_space<vmem>> -> memref<1x80x16xf32, #tpu.memory_space<vmem>>
      %dma_start3A_229 = tpu.memref_squeeze %dma_start3A_228 : memref<1x80x16xf32, #tpu.memory_space<vmem>> -> memref<80x16xf32, #tpu.memory_space<vmem>>
      %dma_start3A_230 = arith.constant 0 : i32
      %dma_start3A_231 = tpu.memref_slice %arg17[%add3A_224, %dma_start3A_230] : memref<10000x16xf32, #tpu.memory_space<vmem_shared>> -> memref<80x16xf32, #tpu.memory_space<vmem_shared>>
      %dma_start3A_232 = arith.constant 0 : i32
      %dma_start3A_233 = tpu.memref_slice %arg17[%add3A_224, %dma_start3A_232] : memref<10000x16xf32, #tpu.memory_space<vmem_shared>> -> memref<80x16xf32, #tpu.memory_space<vmem_shared>>
      %dma_start3A_234 = arith.constant 0 : i32
      %dma_start3A_235 = arith.constant 0 : i32
      %dma_start3A_236 = tpu.memref_slice %arg14[%dma_start3A_225, %dma_start3A_234, %dma_start3A_235] : memref<2x80x16xf32, #tpu.memory_space<vmem>> -> memref<1x80x16xf32, #tpu.memory_space<vmem>>
      %dma_start3A_237 = tpu.memref_squeeze %dma_start3A_236 : memref<1x80x16xf32, #tpu.memory_space<vmem>> -> memref<80x16xf32, #tpu.memory_space<vmem>>
      tpu.enqueue_dma source(%dma_start3A_237 : memref<80x16xf32, #tpu.memory_space<vmem>>) target(%dma_start3A_233 : memref<80x16xf32, #tpu.memory_space<vmem_shared>>) target_semaphore(%arg18 : memref<!tpu.dma_semaphore, #tpu.memory_space<semaphore_mem>>)
      %add3A_238 = arith.constant 240 : i32
      %add3A_239 = arith.addi %mul3A_147, %add3A_238 : i32
      %dma_start3A_240 = arith.constant 0 : i32
      %dma_start3A_241 = arith.constant 0 : i32
      %dma_start3A_242 = arith.constant 0 : i32
      %dma_start3A_243 = tpu.memref_slice %arg13[%dma_start3A_240, %dma_start3A_241, %dma_start3A_242] : memref<2x80x128xf32, #tpu.memory_space<vmem>> -> memref<1x80x128xf32, #tpu.memory_space<vmem>>
      %dma_start3A_244 = tpu.memref_squeeze %dma_start3A_243 : memref<1x80x128xf32, #tpu.memory_space<vmem>> -> memref<80x128xf32, #tpu.memory_space<vmem>>
      %dma_start3A_245 = arith.constant 0 : i32
      %dma_start3A_246 = tpu.memref_slice %arg16[%add3A_239, %dma_start3A_245] : memref<10000x128xf32, #tpu.memory_space<vmem_shared>> -> memref<80x128xf32, #tpu.memory_space<vmem_shared>>
      %dma_start3A_247 = arith.constant 0 : i32
      %dma_start3A_248 = tpu.memref_slice %arg16[%add3A_239, %dma_start3A_247] : memref<10000x128xf32, #tpu.memory_space<vmem_shared>> -> memref<80x128xf32, #tpu.memory_space<vmem_shared>>
      %dma_start3A_249 = arith.constant 0 : i32
      %dma_start3A_250 = arith.constant 0 : i32
      %dma_start3A_251 = tpu.memref_slice %arg13[%dma_start3A_240, %dma_start3A_249, %dma_start3A_250] : memref<2x80x128xf32, #tpu.memory_space<vmem>> -> memref<1x80x128xf32, #tpu.memory_space<vmem>>
      %dma_start3A_252 = tpu.memref_squeeze %dma_start3A_251 : memref<1x80x128xf32, #tpu.memory_space<vmem>> -> memref<80x128xf32, #tpu.memory_space<vmem>>
      tpu.enqueue_dma source(%dma_start3A_252 : memref<80x128xf32, #tpu.memory_space<vmem>>) target(%dma_start3A_248 : memref<80x128xf32, #tpu.memory_space<vmem_shared>>) target_semaphore(%arg18 : memref<!tpu.dma_semaphore, #tpu.memory_space<semaphore_mem>>)
      %add3A_253 = arith.constant 240 : i32
      %add3A_254 = arith.addi %mul3A_147, %add3A_253 : i32
      %dma_start3A_255 = arith.constant 0 : i32
      %dma_start3A_256 = arith.constant 0 : i32
      %dma_start3A_257 = arith.constant 0 : i32
      %dma_start3A_258 = tpu.memref_slice %arg14[%dma_start3A_255, %dma_start3A_256, %dma_start3A_257] : memref<2x80x16xf32, #tpu.memory_space<vmem>> -> memref<1x80x16xf32, #tpu.memory_space<vmem>>
      %dma_start3A_259 = tpu.memref_squeeze %dma_start3A_258 : memref<1x80x16xf32, #tpu.memory_space<vmem>> -> memref<80x16xf32, #tpu.memory_space<vmem>>
      %dma_start3A_260 = arith.constant 0 : i32
      %dma_start3A_261 = tpu.memref_slice %arg17[%add3A_254, %dma_start3A_260] : memref<10000x16xf32, #tpu.memory_space<vmem_shared>> -> memref<80x16xf32, #tpu.memory_space<vmem_shared>>
      %dma_start3A_262 = arith.constant 0 : i32
      %dma_start3A_263 = tpu.memref_slice %arg17[%add3A_254, %dma_start3A_262] : memref<10000x16xf32, #tpu.memory_space<vmem_shared>> -> memref<80x16xf32, #tpu.memory_space<vmem_shared>>
      %dma_start3A_264 = arith.constant 0 : i32
      %dma_start3A_265 = arith.constant 0 : i32
      %dma_start3A_266 = tpu.memref_slice %arg14[%dma_start3A_255, %dma_start3A_264, %dma_start3A_265] : memref<2x80x16xf32, #tpu.memory_space<vmem>> -> memref<1x80x16xf32, #tpu.memory_space<vmem>>
      %dma_start3A_267 = tpu.memref_squeeze %dma_start3A_266 : memref<1x80x16xf32, #tpu.memory_space<vmem>> -> memref<80x16xf32, #tpu.memory_space<vmem>>
      tpu.enqueue_dma source(%dma_start3A_267 : memref<80x16xf32, #tpu.memory_space<vmem>>) target(%dma_start3A_263 : memref<80x16xf32, #tpu.memory_space<vmem_shared>>) target_semaphore(%arg18 : memref<!tpu.dma_semaphore, #tpu.memory_space<semaphore_mem>>)
      %add3A_268 = arith.constant 320 : i32
      %add3A_269 = arith.addi %mul3A_147, %add3A_268 : i32
      %dma_start3A_270 = arith.constant 0 : i32
      %dma_start3A_271 = arith.constant 0 : i32
      %dma_start3A_272 = arith.constant 0 : i32
      %dma_start3A_273 = tpu.memref_slice %arg13[%dma_start3A_270, %dma_start3A_271, %dma_start3A_272] : memref<2x80x128xf32, #tpu.memory_space<vmem>> -> memref<1x80x128xf32, #tpu.memory_space<vmem>>
      %dma_start3A_274 = tpu.memref_squeeze %dma_start3A_273 : memref<1x80x128xf32, #tpu.memory_space<vmem>> -> memref<80x128xf32, #tpu.memory_space<vmem>>
      %dma_start3A_275 = arith.constant 0 : i32
      %dma_start3A_276 = tpu.memref_slice %arg16[%add3A_269, %dma_start3A_275] : memref<10000x128xf32, #tpu.memory_space<vmem_shared>> -> memref<80x128xf32, #tpu.memory_space<vmem_shared>>
      %dma_start3A_277 = arith.constant 0 : i32
      %dma_start3A_278 = tpu.memref_slice %arg16[%add3A_269, %dma_start3A_277] : memref<10000x128xf32, #tpu.memory_space<vmem_shared>> -> memref<80x128xf32, #tpu.memory_space<vmem_shared>>
      %dma_start3A_279 = arith.constant 0 : i32
      %dma_start3A_280 = arith.constant 0 : i32
      %dma_start3A_281 = tpu.memref_slice %arg13[%dma_start3A_270, %dma_start3A_279, %dma_start3A_280] : memref<2x80x128xf32, #tpu.memory_space<vmem>> -> memref<1x80x128xf32, #tpu.memory_space<vmem>>
      %dma_start3A_282 = tpu.memref_squeeze %dma_start3A_281 : memref<1x80x128xf32, #tpu.memory_space<vmem>> -> memref<80x128xf32, #tpu.memory_space<vmem>>
      tpu.enqueue_dma source(%dma_start3A_282 : memref<80x128xf32, #tpu.memory_space<vmem>>) target(%dma_start3A_278 : memref<80x128xf32, #tpu.memory_space<vmem_shared>>) target_semaphore(%arg18 : memref<!tpu.dma_semaphore, #tpu.memory_space<semaphore_mem>>)
      %add3A_283 = arith.constant 320 : i32
      %add3A_284 = arith.addi %mul3A_147, %add3A_283 : i32
      %dma_start3A_285 = arith.constant 0 : i32
      %dma_start3A_286 = arith.constant 0 : i32
      %dma_start3A_287 = arith.constant 0 : i32
      %dma_start3A_288 = tpu.memref_slice %arg14[%dma_start3A_285, %dma_start3A_286, %dma_start3A_287] : memref<2x80x16xf32, #tpu.memory_space<vmem>> -> memref<1x80x16xf32, #tpu.memory_space<vmem>>
      %dma_start3A_289 = tpu.memref_squeeze %dma_start3A_288 : memref<1x80x16xf32, #tpu.memory_space<vmem>> -> memref<80x16xf32, #tpu.memory_space<vmem>>
      %dma_start3A_290 = arith.constant 0 : i32
      %dma_start3A_291 = tpu.memref_slice %arg17[%add3A_284, %dma_start3A_290] : memref<10000x16xf32, #tpu.memory_space<vmem_shared>> -> memref<80x16xf32, #tpu.memory_space<vmem_shared>>
      %dma_start3A_292 = arith.constant 0 : i32
      %dma_start3A_293 = tpu.memref_slice %arg17[%add3A_284, %dma_start3A_292] : memref<10000x16xf32, #tpu.memory_space<vmem_shared>> -> memref<80x16xf32, #tpu.memory_space<vmem_shared>>
      %dma_start3A_294 = arith.constant 0 : i32
      %dma_start3A_295 = arith.constant 0 : i32
      %dma_start3A_296 = tpu.memref_slice %arg14[%dma_start3A_285, %dma_start3A_294, %dma_start3A_295] : memref<2x80x16xf32, #tpu.memory_space<vmem>> -> memref<1x80x16xf32, #tpu.memory_space<vmem>>
      %dma_start3A_297 = tpu.memref_squeeze %dma_start3A_296 : memref<1x80x16xf32, #tpu.memory_space<vmem>> -> memref<80x16xf32, #tpu.memory_space<vmem>>
      tpu.enqueue_dma source(%dma_start3A_297 : memref<80x16xf32, #tpu.memory_space<vmem>>) target(%dma_start3A_293 : memref<80x16xf32, #tpu.memory_space<vmem_shared>>) target_semaphore(%arg18 : memref<!tpu.dma_semaphore, #tpu.memory_space<semaphore_mem>>)
      %add3A_298 = arith.constant 400 : i32
      %add3A_299 = arith.addi %mul3A_147, %add3A_298 : i32
      %dma_start3A_300 = arith.constant 0 : i32
      %dma_start3A_301 = arith.constant 0 : i32
      %dma_start3A_302 = arith.constant 0 : i32
      %dma_start3A_303 = tpu.memref_slice %arg13[%dma_start3A_300, %dma_start3A_301, %dma_start3A_302] : memref<2x80x128xf32, #tpu.memory_space<vmem>> -> memref<1x80x128xf32, #tpu.memory_space<vmem>>
      %dma_start3A_304 = tpu.memref_squeeze %dma_start3A_303 : memref<1x80x128xf32, #tpu.memory_space<vmem>> -> memref<80x128xf32, #tpu.memory_space<vmem>>
      %dma_start3A_305 = arith.constant 0 : i32
      %dma_start3A_306 = tpu.memref_slice %arg16[%add3A_299, %dma_start3A_305] : memref<10000x128xf32, #tpu.memory_space<vmem_shared>> -> memref<80x128xf32, #tpu.memory_space<vmem_shared>>
      %dma_start3A_307 = arith.constant 0 : i32
      %dma_start3A_308 = tpu.memref_slice %arg16[%add3A_299, %dma_start3A_307] : memref<10000x128xf32, #tpu.memory_space<vmem_shared>> -> memref<80x128xf32, #tpu.memory_space<vmem_shared>>
      %dma_start3A_309 = arith.constant 0 : i32
      %dma_start3A_310 = arith.constant 0 : i32
      %dma_start3A_311 = tpu.memref_slice %arg13[%dma_start3A_300, %dma_start3A_309, %dma_start3A_310] : memref<2x80x128xf32, #tpu.memory_space<vmem>> -> memref<1x80x128xf32, #tpu.memory_space<vmem>>
      %dma_start3A_312 = tpu.memref_squeeze %dma_start3A_311 : memref<1x80x128xf32, #tpu.memory_space<vmem>> -> memref<80x128xf32, #tpu.memory_space<vmem>>
      tpu.enqueue_dma source(%dma_start3A_312 : memref<80x128xf32, #tpu.memory_space<vmem>>) target(%dma_start3A_308 : memref<80x128xf32, #tpu.memory_space<vmem_shared>>) target_semaphore(%arg18 : memref<!tpu.dma_semaphore, #tpu.memory_space<semaphore_mem>>)
      %add3A_313 = arith.constant 400 : i32
      %add3A_314 = arith.addi %mul3A_147, %add3A_313 : i32
      %dma_start3A_315 = arith.constant 0 : i32
      %dma_start3A_316 = arith.constant 0 : i32
      %dma_start3A_317 = arith.constant 0 : i32
      %dma_start3A_318 = tpu.memref_slice %arg14[%dma_start3A_315, %dma_start3A_316, %dma_start3A_317] : memref<2x80x16xf32, #tpu.memory_space<vmem>> -> memref<1x80x16xf32, #tpu.memory_space<vmem>>
      %dma_start3A_319 = tpu.memref_squeeze %dma_start3A_318 : memref<1x80x16xf32, #tpu.memory_space<vmem>> -> memref<80x16xf32, #tpu.memory_space<vmem>>
      %dma_start3A_320 = arith.constant 0 : i32
      %dma_start3A_321 = tpu.memref_slice %arg17[%add3A_314, %dma_start3A_320] : memref<10000x16xf32, #tpu.memory_space<vmem_shared>> -> memref<80x16xf32, #tpu.memory_space<vmem_shared>>
      %dma_start3A_322 = arith.constant 0 : i32
      %dma_start3A_323 = tpu.memref_slice %arg17[%add3A_314, %dma_start3A_322] : memref<10000x16xf32, #tpu.memory_space<vmem_shared>> -> memref<80x16xf32, #tpu.memory_space<vmem_shared>>
      %dma_start3A_324 = arith.constant 0 : i32
      %dma_start3A_325 = arith.constant 0 : i32
      %dma_start3A_326 = tpu.memref_slice %arg14[%dma_start3A_315, %dma_start3A_324, %dma_start3A_325] : memref<2x80x16xf32, #tpu.memory_space<vmem>> -> memref<1x80x16xf32, #tpu.memory_space<vmem>>
      %dma_start3A_327 = tpu.memref_squeeze %dma_start3A_326 : memref<1x80x16xf32, #tpu.memory_space<vmem>> -> memref<80x16xf32, #tpu.memory_space<vmem>>
      tpu.enqueue_dma source(%dma_start3A_327 : memref<80x16xf32, #tpu.memory_space<vmem>>) target(%dma_start3A_323 : memref<80x16xf32, #tpu.memory_space<vmem_shared>>) target_semaphore(%arg18 : memref<!tpu.dma_semaphore, #tpu.memory_space<semaphore_mem>>)
      %add3A_328 = arith.constant 480 : i32
      %add3A_329 = arith.addi %mul3A_147, %add3A_328 : i32
      %dma_start3A_330 = arith.constant 0 : i32
      %dma_start3A_331 = arith.constant 0 : i32
      %dma_start3A_332 = arith.constant 0 : i32
      %dma_start3A_333 = tpu.memref_slice %arg13[%dma_start3A_330, %dma_start3A_331, %dma_start3A_332] : memref<2x80x128xf32, #tpu.memory_space<vmem>> -> memref<1x80x128xf32, #tpu.memory_space<vmem>>
      %dma_start3A_334 = tpu.memref_squeeze %dma_start3A_333 : memref<1x80x128xf32, #tpu.memory_space<vmem>> -> memref<80x128xf32, #tpu.memory_space<vmem>>
      %dma_start3A_335 = arith.constant 0 : i32
      %dma_start3A_336 = tpu.memref_slice %arg16[%add3A_329, %dma_start3A_335] : memref<10000x128xf32, #tpu.memory_space<vmem_shared>> -> memref<80x128xf32, #tpu.memory_space<vmem_shared>>
      %dma_start3A_337 = arith.constant 0 : i32
      %dma_start3A_338 = tpu.memref_slice %arg16[%add3A_329, %dma_start3A_337] : memref<10000x128xf32, #tpu.memory_space<vmem_shared>> -> memref<80x128xf32, #tpu.memory_space<vmem_shared>>
      %dma_start3A_339 = arith.constant 0 : i32
      %dma_start3A_340 = arith.constant 0 : i32
      %dma_start3A_341 = tpu.memref_slice %arg13[%dma_start3A_330, %dma_start3A_339, %dma_start3A_340] : memref<2x80x128xf32, #tpu.memory_space<vmem>> -> memref<1x80x128xf32, #tpu.memory_space<vmem>>
      %dma_start3A_342 = tpu.memref_squeeze %dma_start3A_341 : memref<1x80x128xf32, #tpu.memory_space<vmem>> -> memref<80x128xf32, #tpu.memory_space<vmem>>
      tpu.enqueue_dma source(%dma_start3A_342 : memref<80x128xf32, #tpu.memory_space<vmem>>) target(%dma_start3A_338 : memref<80x128xf32, #tpu.memory_space<vmem_shared>>) target_semaphore(%arg18 : memref<!tpu.dma_semaphore, #tpu.memory_space<semaphore_mem>>)
      %add3A_343 = arith.constant 480 : i32
      %add3A_344 = arith.addi %mul3A_147, %add3A_343 : i32
      %dma_start3A_345 = arith.constant 0 : i32
      %dma_start3A_346 = arith.constant 0 : i32
      %dma_start3A_347 = arith.constant 0 : i32
      %dma_start3A_348 = tpu.memref_slice %arg14[%dma_start3A_345, %dma_start3A_346, %dma_start3A_347] : memref<2x80x16xf32, #tpu.memory_space<vmem>> -> memref<1x80x16xf32, #tpu.memory_space<vmem>>
      %dma_start3A_349 = tpu.memref_squeeze %dma_start3A_348 : memref<1x80x16xf32, #tpu.memory_space<vmem>> -> memref<80x16xf32, #tpu.memory_space<vmem>>
      %dma_start3A_350 = arith.constant 0 : i32
      %dma_start3A_351 = tpu.memref_slice %arg17[%add3A_344, %dma_start3A_350] : memref<10000x16xf32, #tpu.memory_space<vmem_shared>> -> memref<80x16xf32, #tpu.memory_space<vmem_shared>>
      %dma_start3A_352 = arith.constant 0 : i32
      %dma_start3A_353 = tpu.memref_slice %arg17[%add3A_344, %dma_start3A_352] : memref<10000x16xf32, #tpu.memory_space<vmem_shared>> -> memref<80x16xf32, #tpu.memory_space<vmem_shared>>
      %dma_start3A_354 = arith.constant 0 : i32
      %dma_start3A_355 = arith.constant 0 : i32
      %dma_start3A_356 = tpu.memref_slice %arg14[%dma_start3A_345, %dma_start3A_354, %dma_start3A_355] : memref<2x80x16xf32, #tpu.memory_space<vmem>> -> memref<1x80x16xf32, #tpu.memory_space<vmem>>
      %dma_start3A_357 = tpu.memref_squeeze %dma_start3A_356 : memref<1x80x16xf32, #tpu.memory_space<vmem>> -> memref<80x16xf32, #tpu.memory_space<vmem>>
      tpu.enqueue_dma source(%dma_start3A_357 : memref<80x16xf32, #tpu.memory_space<vmem>>) target(%dma_start3A_353 : memref<80x16xf32, #tpu.memory_space<vmem_shared>>) target_semaphore(%arg18 : memref<!tpu.dma_semaphore, #tpu.memory_space<semaphore_mem>>)
      %add3A_358 = arith.constant 560 : i32
      %add3A_359 = arith.addi %mul3A_147, %add3A_358 : i32
      %dma_start3A_360 = arith.constant 0 : i32
      %dma_start3A_361 = arith.constant 0 : i32
      %dma_start3A_362 = arith.constant 0 : i32
      %dma_start3A_363 = tpu.memref_slice %arg13[%dma_start3A_360, %dma_start3A_361, %dma_start3A_362] : memref<2x80x128xf32, #tpu.memory_space<vmem>> -> memref<1x80x128xf32, #tpu.memory_space<vmem>>
      %dma_start3A_364 = tpu.memref_squeeze %dma_start3A_363 : memref<1x80x128xf32, #tpu.memory_space<vmem>> -> memref<80x128xf32, #tpu.memory_space<vmem>>
      %dma_start3A_365 = arith.constant 0 : i32
      %dma_start3A_366 = tpu.memref_slice %arg16[%add3A_359, %dma_start3A_365] : memref<10000x128xf32, #tpu.memory_space<vmem_shared>> -> memref<80x128xf32, #tpu.memory_space<vmem_shared>>
      %dma_start3A_367 = arith.constant 0 : i32
      %dma_start3A_368 = tpu.memref_slice %arg16[%add3A_359, %dma_start3A_367] : memref<10000x128xf32, #tpu.memory_space<vmem_shared>> -> memref<80x128xf32, #tpu.memory_space<vmem_shared>>
      %dma_start3A_369 = arith.constant 0 : i32
      %dma_start3A_370 = arith.constant 0 : i32
      %dma_start3A_371 = tpu.memref_slice %arg13[%dma_start3A_360, %dma_start3A_369, %dma_start3A_370] : memref<2x80x128xf32, #tpu.memory_space<vmem>> -> memref<1x80x128xf32, #tpu.memory_space<vmem>>
      %dma_start3A_372 = tpu.memref_squeeze %dma_start3A_371 : memref<1x80x128xf32, #tpu.memory_space<vmem>> -> memref<80x128xf32, #tpu.memory_space<vmem>>
      tpu.enqueue_dma source(%dma_start3A_372 : memref<80x128xf32, #tpu.memory_space<vmem>>) target(%dma_start3A_368 : memref<80x128xf32, #tpu.memory_space<vmem_shared>>) target_semaphore(%arg18 : memref<!tpu.dma_semaphore, #tpu.memory_space<semaphore_mem>>)
      %add3A_373 = arith.constant 560 : i32
      %add3A_374 = arith.addi %mul3A_147, %add3A_373 : i32
      %dma_start3A_375 = arith.constant 0 : i32
      %dma_start3A_376 = arith.constant 0 : i32
      %dma_start3A_377 = arith.constant 0 : i32
      %dma_start3A_378 = tpu.memref_slice %arg14[%dma_start3A_375, %dma_start3A_376, %dma_start3A_377] : memref<2x80x16xf32, #tpu.memory_space<vmem>> -> memref<1x80x16xf32, #tpu.memory_space<vmem>>
      %dma_start3A_379 = tpu.memref_squeeze %dma_start3A_378 : memref<1x80x16xf32, #tpu.memory_space<vmem>> -> memref<80x16xf32, #tpu.memory_space<vmem>>
      %dma_start3A_380 = arith.constant 0 : i32
      %dma_start3A_381 = tpu.memref_slice %arg17[%add3A_374, %dma_start3A_380] : memref<10000x16xf32, #tpu.memory_space<vmem_shared>> -> memref<80x16xf32, #tpu.memory_space<vmem_shared>>
      %dma_start3A_382 = arith.constant 0 : i32
      %dma_start3A_383 = tpu.memref_slice %arg17[%add3A_374, %dma_start3A_382] : memref<10000x16xf32, #tpu.memory_space<vmem_shared>> -> memref<80x16xf32, #tpu.memory_space<vmem_shared>>
      %dma_start3A_384 = arith.constant 0 : i32
      %dma_start3A_385 = arith.constant 0 : i32
      %dma_start3A_386 = tpu.memref_slice %arg14[%dma_start3A_375, %dma_start3A_384, %dma_start3A_385] : memref<2x80x16xf32, #tpu.memory_space<vmem>> -> memref<1x80x16xf32, #tpu.memory_space<vmem>>
      %dma_start3A_387 = tpu.memref_squeeze %dma_start3A_386 : memref<1x80x16xf32, #tpu.memory_space<vmem>> -> memref<80x16xf32, #tpu.memory_space<vmem>>
      tpu.enqueue_dma source(%dma_start3A_387 : memref<80x16xf32, #tpu.memory_space<vmem>>) target(%dma_start3A_383 : memref<80x16xf32, #tpu.memory_space<vmem_shared>>) target_semaphore(%arg18 : memref<!tpu.dma_semaphore, #tpu.memory_space<semaphore_mem>>)
      %add3A_388 = arith.constant 640 : i32
      %add3A_389 = arith.addi %mul3A_147, %add3A_388 : i32
      %dma_start3A_390 = arith.constant 0 : i32
      %dma_start3A_391 = arith.constant 0 : i32
      %dma_start3A_392 = arith.constant 0 : i32
      %dma_start3A_393 = tpu.memref_slice %arg13[%dma_start3A_390, %dma_start3A_391, %dma_start3A_392] : memref<2x80x128xf32, #tpu.memory_space<vmem>> -> memref<1x80x128xf32, #tpu.memory_space<vmem>>
      %dma_start3A_394 = tpu.memref_squeeze %dma_start3A_393 : memref<1x80x128xf32, #tpu.memory_space<vmem>> -> memref<80x128xf32, #tpu.memory_space<vmem>>
      %dma_start3A_395 = arith.constant 0 : i32
      %dma_start3A_396 = tpu.memref_slice %arg16[%add3A_389, %dma_start3A_395] : memref<10000x128xf32, #tpu.memory_space<vmem_shared>> -> memref<80x128xf32, #tpu.memory_space<vmem_shared>>
      %dma_start3A_397 = arith.constant 0 : i32
      %dma_start3A_398 = tpu.memref_slice %arg16[%add3A_389, %dma_start3A_397] : memref<10000x128xf32, #tpu.memory_space<vmem_shared>> -> memref<80x128xf32, #tpu.memory_space<vmem_shared>>
      %dma_start3A_399 = arith.constant 0 : i32
      %dma_start3A_400 = arith.constant 0 : i32
      %dma_start3A_401 = tpu.memref_slice %arg13[%dma_start3A_390, %dma_start3A_399, %dma_start3A_400] : memref<2x80x128xf32, #tpu.memory_space<vmem>> -> memref<1x80x128xf32, #tpu.memory_space<vmem>>
      %dma_start3A_402 = tpu.memref_squeeze %dma_start3A_401 : memref<1x80x128xf32, #tpu.memory_space<vmem>> -> memref<80x128xf32, #tpu.memory_space<vmem>>
      tpu.enqueue_dma source(%dma_start3A_402 : memref<80x128xf32, #tpu.memory_space<vmem>>) target(%dma_start3A_398 : memref<80x128xf32, #tpu.memory_space<vmem_shared>>) target_semaphore(%arg18 : memref<!tpu.dma_semaphore, #tpu.memory_space<semaphore_mem>>)
      %add3A_403 = arith.constant 640 : i32
      %add3A_404 = arith.addi %mul3A_147, %add3A_403 : i32
      %dma_start3A_405 = arith.constant 0 : i32
      %dma_start3A_406 = arith.constant 0 : i32
      %dma_start3A_407 = arith.constant 0 : i32
      %dma_start3A_408 = tpu.memref_slice %arg14[%dma_start3A_405, %dma_start3A_406, %dma_start3A_407] : memref<2x80x16xf32, #tpu.memory_space<vmem>> -> memref<1x80x16xf32, #tpu.memory_space<vmem>>
      %dma_start3A_409 = tpu.memref_squeeze %dma_start3A_408 : memref<1x80x16xf32, #tpu.memory_space<vmem>> -> memref<80x16xf32, #tpu.memory_space<vmem>>
      %dma_start3A_410 = arith.constant 0 : i32
      %dma_start3A_411 = tpu.memref_slice %arg17[%add3A_404, %dma_start3A_410] : memref<10000x16xf32, #tpu.memory_space<vmem_shared>> -> memref<80x16xf32, #tpu.memory_space<vmem_shared>>
      %dma_start3A_412 = arith.constant 0 : i32
      %dma_start3A_413 = tpu.memref_slice %arg17[%add3A_404, %dma_start3A_412] : memref<10000x16xf32, #tpu.memory_space<vmem_shared>> -> memref<80x16xf32, #tpu.memory_space<vmem_shared>>
      %dma_start3A_414 = arith.constant 0 : i32
      %dma_start3A_415 = arith.constant 0 : i32
      %dma_start3A_416 = tpu.memref_slice %arg14[%dma_start3A_405, %dma_start3A_414, %dma_start3A_415] : memref<2x80x16xf32, #tpu.memory_space<vmem>> -> memref<1x80x16xf32, #tpu.memory_space<vmem>>
      %dma_start3A_417 = tpu.memref_squeeze %dma_start3A_416 : memref<1x80x16xf32, #tpu.memory_space<vmem>> -> memref<80x16xf32, #tpu.memory_space<vmem>>
      tpu.enqueue_dma source(%dma_start3A_417 : memref<80x16xf32, #tpu.memory_space<vmem>>) target(%dma_start3A_413 : memref<80x16xf32, #tpu.memory_space<vmem_shared>>) target_semaphore(%arg18 : memref<!tpu.dma_semaphore, #tpu.memory_space<semaphore_mem>>)
      %add3A_418 = arith.constant 720 : i32
      %add3A_419 = arith.addi %mul3A_147, %add3A_418 : i32
      %dma_start3A_420 = arith.constant 0 : i32
      %dma_start3A_421 = arith.constant 0 : i32
      %dma_start3A_422 = arith.constant 0 : i32
      %dma_start3A_423 = tpu.memref_slice %arg13[%dma_start3A_420, %dma_start3A_421, %dma_start3A_422] : memref<2x80x128xf32, #tpu.memory_space<vmem>> -> memref<1x80x128xf32, #tpu.memory_space<vmem>>
      %dma_start3A_424 = tpu.memref_squeeze %dma_start3A_423 : memref<1x80x128xf32, #tpu.memory_space<vmem>> -> memref<80x128xf32, #tpu.memory_space<vmem>>
      %dma_start3A_425 = arith.constant 0 : i32
      %dma_start3A_426 = tpu.memref_slice %arg16[%add3A_419, %dma_start3A_425] : memref<10000x128xf32, #tpu.memory_space<vmem_shared>> -> memref<80x128xf32, #tpu.memory_space<vmem_shared>>
      %dma_start3A_427 = arith.constant 0 : i32
      %dma_start3A_428 = tpu.memref_slice %arg16[%add3A_419, %dma_start3A_427] : memref<10000x128xf32, #tpu.memory_space<vmem_shared>> -> memref<80x128xf32, #tpu.memory_space<vmem_shared>>
      %dma_start3A_429 = arith.constant 0 : i32
      %dma_start3A_430 = arith.constant 0 : i32
      %dma_start3A_431 = tpu.memref_slice %arg13[%dma_start3A_420, %dma_start3A_429, %dma_start3A_430] : memref<2x80x128xf32, #tpu.memory_space<vmem>> -> memref<1x80x128xf32, #tpu.memory_space<vmem>>
      %dma_start3A_432 = tpu.memref_squeeze %dma_start3A_431 : memref<1x80x128xf32, #tpu.memory_space<vmem>> -> memref<80x128xf32, #tpu.memory_space<vmem>>
      tpu.enqueue_dma source(%dma_start3A_432 : memref<80x128xf32, #tpu.memory_space<vmem>>) target(%dma_start3A_428 : memref<80x128xf32, #tpu.memory_space<vmem_shared>>) target_semaphore(%arg18 : memref<!tpu.dma_semaphore, #tpu.memory_space<semaphore_mem>>)
      %add3A_433 = arith.constant 720 : i32
      %add3A_434 = arith.addi %mul3A_147, %add3A_433 : i32
      %dma_start3A_435 = arith.constant 0 : i32
      %dma_start3A_436 = arith.constant 0 : i32
      %dma_start3A_437 = arith.constant 0 : i32
      %dma_start3A_438 = tpu.memref_slice %arg14[%dma_start3A_435, %dma_start3A_436, %dma_start3A_437] : memref<2x80x16xf32, #tpu.memory_space<vmem>> -> memref<1x80x16xf32, #tpu.memory_space<vmem>>
      %dma_start3A_439 = tpu.memref_squeeze %dma_start3A_438 : memref<1x80x16xf32, #tpu.memory_space<vmem>> -> memref<80x16xf32, #tpu.memory_space<vmem>>
      %dma_start3A_440 = arith.constant 0 : i32
      %dma_start3A_441 = tpu.memref_slice %arg17[%add3A_434, %dma_start3A_440] : memref<10000x16xf32, #tpu.memory_space<vmem_shared>> -> memref<80x16xf32, #tpu.memory_space<vmem_shared>>
      %dma_start3A_442 = arith.constant 0 : i32
      %dma_start3A_443 = tpu.memref_slice %arg17[%add3A_434, %dma_start3A_442] : memref<10000x16xf32, #tpu.memory_space<vmem_shared>> -> memref<80x16xf32, #tpu.memory_space<vmem_shared>>
      %dma_start3A_444 = arith.constant 0 : i32
      %dma_start3A_445 = arith.constant 0 : i32
      %dma_start3A_446 = tpu.memref_slice %arg14[%dma_start3A_435, %dma_start3A_444, %dma_start3A_445] : memref<2x80x16xf32, #tpu.memory_space<vmem>> -> memref<1x80x16xf32, #tpu.memory_space<vmem>>
      %dma_start3A_447 = tpu.memref_squeeze %dma_start3A_446 : memref<1x80x16xf32, #tpu.memory_space<vmem>> -> memref<80x16xf32, #tpu.memory_space<vmem>>
      tpu.enqueue_dma source(%dma_start3A_447 : memref<80x16xf32, #tpu.memory_space<vmem>>) target(%dma_start3A_443 : memref<80x16xf32, #tpu.memory_space<vmem_shared>>) target_semaphore(%arg18 : memref<!tpu.dma_semaphore, #tpu.memory_space<semaphore_mem>>)
      %add3A_448 = arith.constant 800 : i32
      %add3A_449 = arith.addi %mul3A_147, %add3A_448 : i32
      %dma_start3A_450 = arith.constant 0 : i32
      %dma_start3A_451 = arith.constant 0 : i32
      %dma_start3A_452 = arith.constant 0 : i32
      %dma_start3A_453 = tpu.memref_slice %arg13[%dma_start3A_450, %dma_start3A_451, %dma_start3A_452] : memref<2x80x128xf32, #tpu.memory_space<vmem>> -> memref<1x80x128xf32, #tpu.memory_space<vmem>>
      %dma_start3A_454 = tpu.memref_squeeze %dma_start3A_453 : memref<1x80x128xf32, #tpu.memory_space<vmem>> -> memref<80x128xf32, #tpu.memory_space<vmem>>
      %dma_start3A_455 = arith.constant 0 : i32
      %dma_start3A_456 = tpu.memref_slice %arg16[%add3A_449, %dma_start3A_455] : memref<10000x128xf32, #tpu.memory_space<vmem_shared>> -> memref<80x128xf32, #tpu.memory_space<vmem_shared>>
      %dma_start3A_457 = arith.constant 0 : i32
      %dma_start3A_458 = tpu.memref_slice %arg16[%add3A_449, %dma_start3A_457] : memref<10000x128xf32, #tpu.memory_space<vmem_shared>> -> memref<80x128xf32, #tpu.memory_space<vmem_shared>>
      %dma_start3A_459 = arith.constant 0 : i32
      %dma_start3A_460 = arith.constant 0 : i32
      %dma_start3A_461 = tpu.memref_slice %arg13[%dma_start3A_450, %dma_start3A_459, %dma_start3A_460] : memref<2x80x128xf32, #tpu.memory_space<vmem>> -> memref<1x80x128xf32, #tpu.memory_space<vmem>>
      %dma_start3A_462 = tpu.memref_squeeze %dma_start3A_461 : memref<1x80x128xf32, #tpu.memory_space<vmem>> -> memref<80x128xf32, #tpu.memory_space<vmem>>
      tpu.enqueue_dma source(%dma_start3A_462 : memref<80x128xf32, #tpu.memory_space<vmem>>) target(%dma_start3A_458 : memref<80x128xf32, #tpu.memory_space<vmem_shared>>) target_semaphore(%arg18 : memref<!tpu.dma_semaphore, #tpu.memory_space<semaphore_mem>>)
      %add3A_463 = arith.constant 800 : i32
      %add3A_464 = arith.addi %mul3A_147, %add3A_463 : i32
      %dma_start3A_465 = arith.constant 0 : i32
      %dma_start3A_466 = arith.constant 0 : i32
      %dma_start3A_467 = arith.constant 0 : i32
      %dma_start3A_468 = tpu.memref_slice %arg14[%dma_start3A_465, %dma_start3A_466, %dma_start3A_467] : memref<2x80x16xf32, #tpu.memory_space<vmem>> -> memref<1x80x16xf32, #tpu.memory_space<vmem>>
      %dma_start3A_469 = tpu.memref_squeeze %dma_start3A_468 : memref<1x80x16xf32, #tpu.memory_space<vmem>> -> memref<80x16xf32, #tpu.memory_space<vmem>>
      %dma_start3A_470 = arith.constant 0 : i32
      %dma_start3A_471 = tpu.memref_slice %arg17[%add3A_464, %dma_start3A_470] : memref<10000x16xf32, #tpu.memory_space<vmem_shared>> -> memref<80x16xf32, #tpu.memory_space<vmem_shared>>
      %dma_start3A_472 = arith.constant 0 : i32
      %dma_start3A_473 = tpu.memref_slice %arg17[%add3A_464, %dma_start3A_472] : memref<10000x16xf32, #tpu.memory_space<vmem_shared>> -> memref<80x16xf32, #tpu.memory_space<vmem_shared>>
      %dma_start3A_474 = arith.constant 0 : i32
      %dma_start3A_475 = arith.constant 0 : i32
      %dma_start3A_476 = tpu.memref_slice %arg14[%dma_start3A_465, %dma_start3A_474, %dma_start3A_475] : memref<2x80x16xf32, #tpu.memory_space<vmem>> -> memref<1x80x16xf32, #tpu.memory_space<vmem>>
      %dma_start3A_477 = tpu.memref_squeeze %dma_start3A_476 : memref<1x80x16xf32, #tpu.memory_space<vmem>> -> memref<80x16xf32, #tpu.memory_space<vmem>>
      tpu.enqueue_dma source(%dma_start3A_477 : memref<80x16xf32, #tpu.memory_space<vmem>>) target(%dma_start3A_473 : memref<80x16xf32, #tpu.memory_space<vmem_shared>>) target_semaphore(%arg18 : memref<!tpu.dma_semaphore, #tpu.memory_space<semaphore_mem>>)
      %add3A_478 = arith.constant 880 : i32
      %add3A_479 = arith.addi %mul3A_147, %add3A_478 : i32
      %dma_start3A_480 = arith.constant 0 : i32
      %dma_start3A_481 = arith.constant 0 : i32
      %dma_start3A_482 = arith.constant 0 : i32
      %dma_start3A_483 = tpu.memref_slice %arg13[%dma_start3A_480, %dma_start3A_481, %dma_start3A_482] : memref<2x80x128xf32, #tpu.memory_space<vmem>> -> memref<1x80x128xf32, #tpu.memory_space<vmem>>
      %dma_start3A_484 = tpu.memref_squeeze %dma_start3A_483 : memref<1x80x128xf32, #tpu.memory_space<vmem>> -> memref<80x128xf32, #tpu.memory_space<vmem>>
      %dma_start3A_485 = arith.constant 0 : i32
      %dma_start3A_486 = tpu.memref_slice %arg16[%add3A_479, %dma_start3A_485] : memref<10000x128xf32, #tpu.memory_space<vmem_shared>> -> memref<80x128xf32, #tpu.memory_space<vmem_shared>>
      %dma_start3A_487 = arith.constant 0 : i32
      %dma_start3A_488 = tpu.memref_slice %arg16[%add3A_479, %dma_start3A_487] : memref<10000x128xf32, #tpu.memory_space<vmem_shared>> -> memref<80x128xf32, #tpu.memory_space<vmem_shared>>
      %dma_start3A_489 = arith.constant 0 : i32
      %dma_start3A_490 = arith.constant 0 : i32
      %dma_start3A_491 = tpu.memref_slice %arg13[%dma_start3A_480, %dma_start3A_489, %dma_start3A_490] : memref<2x80x128xf32, #tpu.memory_space<vmem>> -> memref<1x80x128xf32, #tpu.memory_space<vmem>>
      %dma_start3A_492 = tpu.memref_squeeze %dma_start3A_491 : memref<1x80x128xf32, #tpu.memory_space<vmem>> -> memref<80x128xf32, #tpu.memory_space<vmem>>
      tpu.enqueue_dma source(%dma_start3A_492 : memref<80x128xf32, #tpu.memory_space<vmem>>) target(%dma_start3A_488 : memref<80x128xf32, #tpu.memory_space<vmem_shared>>) target_semaphore(%arg18 : memref<!tpu.dma_semaphore, #tpu.memory_space<semaphore_mem>>)
      %add3A_493 = arith.constant 880 : i32
      %add3A_494 = arith.addi %mul3A_147, %add3A_493 : i32
      %dma_start3A_495 = arith.constant 0 : i32
      %dma_start3A_496 = arith.constant 0 : i32
      %dma_start3A_497 = arith.constant 0 : i32
      %dma_start3A_498 = tpu.memref_slice %arg14[%dma_start3A_495, %dma_start3A_496, %dma_start3A_497] : memref<2x80x16xf32, #tpu.memory_space<vmem>> -> memref<1x80x16xf32, #tpu.memory_space<vmem>>
      %dma_start3A_499 = tpu.memref_squeeze %dma_start3A_498 : memref<1x80x16xf32, #tpu.memory_space<vmem>> -> memref<80x16xf32, #tpu.memory_space<vmem>>
      %dma_start3A_500 = arith.constant 0 : i32
      %dma_start3A_501 = tpu.memref_slice %arg17[%add3A_494, %dma_start3A_500] : memref<10000x16xf32, #tpu.memory_space<vmem_shared>> -> memref<80x16xf32, #tpu.memory_space<vmem_shared>>
      %dma_start3A_502 = arith.constant 0 : i32
      %dma_start3A_503 = tpu.memref_slice %arg17[%add3A_494, %dma_start3A_502] : memref<10000x16xf32, #tpu.memory_space<vmem_shared>> -> memref<80x16xf32, #tpu.memory_space<vmem_shared>>
      %dma_start3A_504 = arith.constant 0 : i32
      %dma_start3A_505 = arith.constant 0 : i32
      %dma_start3A_506 = tpu.memref_slice %arg14[%dma_start3A_495, %dma_start3A_504, %dma_start3A_505] : memref<2x80x16xf32, #tpu.memory_space<vmem>> -> memref<1x80x16xf32, #tpu.memory_space<vmem>>
      %dma_start3A_507 = tpu.memref_squeeze %dma_start3A_506 : memref<1x80x16xf32, #tpu.memory_space<vmem>> -> memref<80x16xf32, #tpu.memory_space<vmem>>
      tpu.enqueue_dma source(%dma_start3A_507 : memref<80x16xf32, #tpu.memory_space<vmem>>) target(%dma_start3A_503 : memref<80x16xf32, #tpu.memory_space<vmem_shared>>) target_semaphore(%arg18 : memref<!tpu.dma_semaphore, #tpu.memory_space<semaphore_mem>>)
      %add3A_508 = arith.constant 960 : i32
      %add3A_509 = arith.addi %mul3A_147, %add3A_508 : i32
      %dma_start3A_510 = arith.constant 0 : i32
      %dma_start3A_511 = arith.constant 0 : i32
      %dma_start3A_512 = arith.constant 0 : i32
      %dma_start3A_513 = tpu.memref_slice %arg13[%dma_start3A_510, %dma_start3A_511, %dma_start3A_512] : memref<2x80x128xf32, #tpu.memory_space<vmem>> -> memref<1x40x128xf32, #tpu.memory_space<vmem>>
      %dma_start3A_514 = tpu.memref_squeeze %dma_start3A_513 : memref<1x40x128xf32, #tpu.memory_space<vmem>> -> memref<40x128xf32, #tpu.memory_space<vmem>>
      %dma_start3A_515 = arith.constant 0 : i32
      %dma_start3A_516 = tpu.memref_slice %arg16[%add3A_509, %dma_start3A_515] : memref<10000x128xf32, #tpu.memory_space<vmem_shared>> -> memref<40x128xf32, #tpu.memory_space<vmem_shared>>
      %dma_start3A_517 = arith.constant 0 : i32
      %dma_start3A_518 = tpu.memref_slice %arg16[%add3A_509, %dma_start3A_517] : memref<10000x128xf32, #tpu.memory_space<vmem_shared>> -> memref<40x128xf32, #tpu.memory_space<vmem_shared>>
      %dma_start3A_519 = arith.constant 0 : i32
      %dma_start3A_520 = arith.constant 0 : i32
      %dma_start3A_521 = tpu.memref_slice %arg13[%dma_start3A_510, %dma_start3A_519, %dma_start3A_520] : memref<2x80x128xf32, #tpu.memory_space<vmem>> -> memref<1x40x128xf32, #tpu.memory_space<vmem>>
      %dma_start3A_522 = tpu.memref_squeeze %dma_start3A_521 : memref<1x40x128xf32, #tpu.memory_space<vmem>> -> memref<40x128xf32, #tpu.memory_space<vmem>>
      tpu.enqueue_dma source(%dma_start3A_522 : memref<40x128xf32, #tpu.memory_space<vmem>>) target(%dma_start3A_518 : memref<40x128xf32, #tpu.memory_space<vmem_shared>>) target_semaphore(%arg18 : memref<!tpu.dma_semaphore, #tpu.memory_space<semaphore_mem>>)
      %add3A_523 = arith.constant 960 : i32
      %add3A_524 = arith.addi %mul3A_147, %add3A_523 : i32
      %dma_start3A_525 = arith.constant 0 : i32
      %dma_start3A_526 = arith.constant 0 : i32
      %dma_start3A_527 = arith.constant 0 : i32
      %dma_start3A_528 = tpu.memref_slice %arg14[%dma_start3A_525, %dma_start3A_526, %dma_start3A_527] : memref<2x80x16xf32, #tpu.memory_space<vmem>> -> memref<1x40x16xf32, #tpu.memory_space<vmem>>
      %dma_start3A_529 = tpu.memref_squeeze %dma_start3A_528 : memref<1x40x16xf32, #tpu.memory_space<vmem>> -> memref<40x16xf32, #tpu.memory_space<vmem>>
      %dma_start3A_530 = arith.constant 0 : i32
      %dma_start3A_531 = tpu.memref_slice %arg17[%add3A_524, %dma_start3A_530] : memref<10000x16xf32, #tpu.memory_space<vmem_shared>> -> memref<40x16xf32, #tpu.memory_space<vmem_shared>>
      %dma_start3A_532 = arith.constant 0 : i32
      %dma_start3A_533 = tpu.memref_slice %arg17[%add3A_524, %dma_start3A_532] : memref<10000x16xf32, #tpu.memory_space<vmem_shared>> -> memref<40x16xf32, #tpu.memory_space<vmem_shared>>
      %dma_start3A_534 = arith.constant 0 : i32
      %dma_start3A_535 = arith.constant 0 : i32
      %dma_start3A_536 = tpu.memref_slice %arg14[%dma_start3A_525, %dma_start3A_534, %dma_start3A_535] : memref<2x80x16xf32, #tpu.memory_space<vmem>> -> memref<1x40x16xf32, #tpu.memory_space<vmem>>
      %dma_start3A_537 = tpu.memref_squeeze %dma_start3A_536 : memref<1x40x16xf32, #tpu.memory_space<vmem>> -> memref<40x16xf32, #tpu.memory_space<vmem>>
      tpu.enqueue_dma source(%dma_start3A_537 : memref<40x16xf32, #tpu.memory_space<vmem>>) target(%dma_start3A_533 : memref<40x16xf32, #tpu.memory_space<vmem_shared>>) target_semaphore(%arg18 : memref<!tpu.dma_semaphore, #tpu.memory_space<semaphore_mem>>)
      %add3A_538 = arith.constant 0 : i32
      %add3A_539 = arith.addi %mul3A_147, %add3A_538 : i32
      %dma_wait3A_540 = arith.constant 0 : i32
      %dma_wait3A_541 = arith.constant 0 : i32
      %dma_wait3A_542 = arith.constant 0 : i32
      %dma_wait3A_543 = tpu.memref_slice %arg13[%dma_wait3A_540, %dma_wait3A_541, %dma_wait3A_542] : memref<2x80x128xf32, #tpu.memory_space<vmem>> -> memref<1x80x128xf32, #tpu.memory_space<vmem>>
      %dma_wait3A_544 = tpu.memref_squeeze %dma_wait3A_543 : memref<1x80x128xf32, #tpu.memory_space<vmem>> -> memref<80x128xf32, #tpu.memory_space<vmem>>
      %dma_wait3A_545 = arith.constant 0 : i32
      %dma_wait3A_546 = tpu.memref_slice %arg16[%add3A_539, %dma_wait3A_545] : memref<10000x128xf32, #tpu.memory_space<vmem_shared>> -> memref<80x128xf32, #tpu.memory_space<vmem_shared>>
      %dma_wait3A_547 = arith.constant 0 : i32
      %dma_wait3A_548 = tpu.memref_slice %arg16[%add3A_539, %dma_wait3A_547] : memref<10000x128xf32, #tpu.memory_space<vmem_shared>> -> memref<80x128xf32, #tpu.memory_space<vmem_shared>>
      %dma_wait3A_549 = arith.constant 0 : i32
      %dma_wait3A_550 = arith.constant 0 : i32
      %dma_wait3A_551 = tpu.memref_slice %arg13[%dma_wait3A_540, %dma_wait3A_549, %dma_wait3A_550] : memref<2x80x128xf32, #tpu.memory_space<vmem>> -> memref<1x80x128xf32, #tpu.memory_space<vmem>>
      %dma_wait3A_552 = tpu.memref_squeeze %dma_wait3A_551 : memref<1x80x128xf32, #tpu.memory_space<vmem>> -> memref<80x128xf32, #tpu.memory_space<vmem>>
      tpu.wait_dma2 semaphore(%arg18 : memref<!tpu.dma_semaphore, #tpu.memory_space<semaphore_mem>>) src(%dma_wait3A_552 : memref<80x128xf32, #tpu.memory_space<vmem>>) dst(%dma_wait3A_548 : memref<80x128xf32, #tpu.memory_space<vmem_shared>>)
      %add3A_553 = arith.constant 0 : i32
      %add3A_554 = arith.addi %mul3A_147, %add3A_553 : i32
      %dma_wait3A_555 = arith.constant 0 : i32
      %dma_wait3A_556 = arith.constant 0 : i32
      %dma_wait3A_557 = arith.constant 0 : i32
      %dma_wait3A_558 = tpu.memref_slice %arg14[%dma_wait3A_555, %dma_wait3A_556, %dma_wait3A_557] : memref<2x80x16xf32, #tpu.memory_space<vmem>> -> memref<1x80x16xf32, #tpu.memory_space<vmem>>
      %dma_wait3A_559 = tpu.memref_squeeze %dma_wait3A_558 : memref<1x80x16xf32, #tpu.memory_space<vmem>> -> memref<80x16xf32, #tpu.memory_space<vmem>>
      %dma_wait3A_560 = arith.constant 0 : i32
      %dma_wait3A_561 = tpu.memref_slice %arg17[%add3A_554, %dma_wait3A_560] : memref<10000x16xf32, #tpu.memory_space<vmem_shared>> -> memref<80x16xf32, #tpu.memory_space<vmem_shared>>
      %dma_wait3A_562 = arith.constant 0 : i32
      %dma_wait3A_563 = tpu.memref_slice %arg17[%add3A_554, %dma_wait3A_562] : memref<10000x16xf32, #tpu.memory_space<vmem_shared>> -> memref<80x16xf32, #tpu.memory_space<vmem_shared>>
      %dma_wait3A_564 = arith.constant 0 : i32
      %dma_wait3A_565 = arith.constant 0 : i32
      %dma_wait3A_566 = tpu.memref_slice %arg14[%dma_wait3A_555, %dma_wait3A_564, %dma_wait3A_565] : memref<2x80x16xf32, #tpu.memory_space<vmem>> -> memref<1x80x16xf32, #tpu.memory_space<vmem>>
      %dma_wait3A_567 = tpu.memref_squeeze %dma_wait3A_566 : memref<1x80x16xf32, #tpu.memory_space<vmem>> -> memref<80x16xf32, #tpu.memory_space<vmem>>
      tpu.wait_dma2 semaphore(%arg18 : memref<!tpu.dma_semaphore, #tpu.memory_space<semaphore_mem>>) src(%dma_wait3A_567 : memref<80x16xf32, #tpu.memory_space<vmem>>) dst(%dma_wait3A_563 : memref<80x16xf32, #tpu.memory_space<vmem_shared>>)
      %add3A_568 = arith.constant 80 : i32
      %add3A_569 = arith.addi %mul3A_147, %add3A_568 : i32
      %dma_wait3A_570 = arith.constant 0 : i32
      %dma_wait3A_571 = arith.constant 0 : i32
      %dma_wait3A_572 = arith.constant 0 : i32
      %dma_wait3A_573 = tpu.memref_slice %arg13[%dma_wait3A_570, %dma_wait3A_571, %dma_wait3A_572] : memref<2x80x128xf32, #tpu.memory_space<vmem>> -> memref<1x80x128xf32, #tpu.memory_space<vmem>>
      %dma_wait3A_574 = tpu.memref_squeeze %dma_wait3A_573 : memref<1x80x128xf32, #tpu.memory_space<vmem>> -> memref<80x128xf32, #tpu.memory_space<vmem>>
      %dma_wait3A_575 = arith.constant 0 : i32
      %dma_wait3A_576 = tpu.memref_slice %arg16[%add3A_569, %dma_wait3A_575] : memref<10000x128xf32, #tpu.memory_space<vmem_shared>> -> memref<80x128xf32, #tpu.memory_space<vmem_shared>>
      %dma_wait3A_577 = arith.constant 0 : i32
      %dma_wait3A_578 = tpu.memref_slice %arg16[%add3A_569, %dma_wait3A_577] : memref<10000x128xf32, #tpu.memory_space<vmem_shared>> -> memref<80x128xf32, #tpu.memory_space<vmem_shared>>
      %dma_wait3A_579 = arith.constant 0 : i32
      %dma_wait3A_580 = arith.constant 0 : i32
      %dma_wait3A_581 = tpu.memref_slice %arg13[%dma_wait3A_570, %dma_wait3A_579, %dma_wait3A_580] : memref<2x80x128xf32, #tpu.memory_space<vmem>> -> memref<1x80x128xf32, #tpu.memory_space<vmem>>
      %dma_wait3A_582 = tpu.memref_squeeze %dma_wait3A_581 : memref<1x80x128xf32, #tpu.memory_space<vmem>> -> memref<80x128xf32, #tpu.memory_space<vmem>>
      tpu.wait_dma2 semaphore(%arg18 : memref<!tpu.dma_semaphore, #tpu.memory_space<semaphore_mem>>) src(%dma_wait3A_582 : memref<80x128xf32, #tpu.memory_space<vmem>>) dst(%dma_wait3A_578 : memref<80x128xf32, #tpu.memory_space<vmem_shared>>)
      %add3A_583 = arith.constant 80 : i32
      %add3A_584 = arith.addi %mul3A_147, %add3A_583 : i32
      %dma_wait3A_585 = arith.constant 0 : i32
      %dma_wait3A_586 = arith.constant 0 : i32
      %dma_wait3A_587 = arith.constant 0 : i32
      %dma_wait3A_588 = tpu.memref_slice %arg14[%dma_wait3A_585, %dma_wait3A_586, %dma_wait3A_587] : memref<2x80x16xf32, #tpu.memory_space<vmem>> -> memref<1x80x16xf32, #tpu.memory_space<vmem>>
      %dma_wait3A_589 = tpu.memref_squeeze %dma_wait3A_588 : memref<1x80x16xf32, #tpu.memory_space<vmem>> -> memref<80x16xf32, #tpu.memory_space<vmem>>
      %dma_wait3A_590 = arith.constant 0 : i32
      %dma_wait3A_591 = tpu.memref_slice %arg17[%add3A_584, %dma_wait3A_590] : memref<10000x16xf32, #tpu.memory_space<vmem_shared>> -> memref<80x16xf32, #tpu.memory_space<vmem_shared>>
      %dma_wait3A_592 = arith.constant 0 : i32
      %dma_wait3A_593 = tpu.memref_slice %arg17[%add3A_584, %dma_wait3A_592] : memref<10000x16xf32, #tpu.memory_space<vmem_shared>> -> memref<80x16xf32, #tpu.memory_space<vmem_shared>>
      %dma_wait3A_594 = arith.constant 0 : i32
      %dma_wait3A_595 = arith.constant 0 : i32
      %dma_wait3A_596 = tpu.memref_slice %arg14[%dma_wait3A_585, %dma_wait3A_594, %dma_wait3A_595] : memref<2x80x16xf32, #tpu.memory_space<vmem>> -> memref<1x80x16xf32, #tpu.memory_space<vmem>>
      %dma_wait3A_597 = tpu.memref_squeeze %dma_wait3A_596 : memref<1x80x16xf32, #tpu.memory_space<vmem>> -> memref<80x16xf32, #tpu.memory_space<vmem>>
      tpu.wait_dma2 semaphore(%arg18 : memref<!tpu.dma_semaphore, #tpu.memory_space<semaphore_mem>>) src(%dma_wait3A_597 : memref<80x16xf32, #tpu.memory_space<vmem>>) dst(%dma_wait3A_593 : memref<80x16xf32, #tpu.memory_space<vmem_shared>>)
      %add3A_598 = arith.constant 160 : i32
      %add3A_599 = arith.addi %mul3A_147, %add3A_598 : i32
      %dma_wait3A_600 = arith.constant 0 : i32
      %dma_wait3A_601 = arith.constant 0 : i32
      %dma_wait3A_602 = arith.constant 0 : i32
      %dma_wait3A_603 = tpu.memref_slice %arg13[%dma_wait3A_600, %dma_wait3A_601, %dma_wait3A_602] : memref<2x80x128xf32, #tpu.memory_space<vmem>> -> memref<1x80x128xf32, #tpu.memory_space<vmem>>
      %dma_wait3A_604 = tpu.memref_squeeze %dma_wait3A_603 : memref<1x80x128xf32, #tpu.memory_space<vmem>> -> memref<80x128xf32, #tpu.memory_space<vmem>>
      %dma_wait3A_605 = arith.constant 0 : i32
      %dma_wait3A_606 = tpu.memref_slice %arg16[%add3A_599, %dma_wait3A_605] : memref<10000x128xf32, #tpu.memory_space<vmem_shared>> -> memref<80x128xf32, #tpu.memory_space<vmem_shared>>
      %dma_wait3A_607 = arith.constant 0 : i32
      %dma_wait3A_608 = tpu.memref_slice %arg16[%add3A_599, %dma_wait3A_607] : memref<10000x128xf32, #tpu.memory_space<vmem_shared>> -> memref<80x128xf32, #tpu.memory_space<vmem_shared>>
      %dma_wait3A_609 = arith.constant 0 : i32
      %dma_wait3A_610 = arith.constant 0 : i32
      %dma_wait3A_611 = tpu.memref_slice %arg13[%dma_wait3A_600, %dma_wait3A_609, %dma_wait3A_610] : memref<2x80x128xf32, #tpu.memory_space<vmem>> -> memref<1x80x128xf32, #tpu.memory_space<vmem>>
      %dma_wait3A_612 = tpu.memref_squeeze %dma_wait3A_611 : memref<1x80x128xf32, #tpu.memory_space<vmem>> -> memref<80x128xf32, #tpu.memory_space<vmem>>
      tpu.wait_dma2 semaphore(%arg18 : memref<!tpu.dma_semaphore, #tpu.memory_space<semaphore_mem>>) src(%dma_wait3A_612 : memref<80x128xf32, #tpu.memory_space<vmem>>) dst(%dma_wait3A_608 : memref<80x128xf32, #tpu.memory_space<vmem_shared>>)
      %add3A_613 = arith.constant 160 : i32
      %add3A_614 = arith.addi %mul3A_147, %add3A_613 : i32
      %dma_wait3A_615 = arith.constant 0 : i32
      %dma_wait3A_616 = arith.constant 0 : i32
      %dma_wait3A_617 = arith.constant 0 : i32
      %dma_wait3A_618 = tpu.memref_slice %arg14[%dma_wait3A_615, %dma_wait3A_616, %dma_wait3A_617] : memref<2x80x16xf32, #tpu.memory_space<vmem>> -> memref<1x80x16xf32, #tpu.memory_space<vmem>>
      %dma_wait3A_619 = tpu.memref_squeeze %dma_wait3A_618 : memref<1x80x16xf32, #tpu.memory_space<vmem>> -> memref<80x16xf32, #tpu.memory_space<vmem>>
      %dma_wait3A_620 = arith.constant 0 : i32
      %dma_wait3A_621 = tpu.memref_slice %arg17[%add3A_614, %dma_wait3A_620] : memref<10000x16xf32, #tpu.memory_space<vmem_shared>> -> memref<80x16xf32, #tpu.memory_space<vmem_shared>>
      %dma_wait3A_622 = arith.constant 0 : i32
      %dma_wait3A_623 = tpu.memref_slice %arg17[%add3A_614, %dma_wait3A_622] : memref<10000x16xf32, #tpu.memory_space<vmem_shared>> -> memref<80x16xf32, #tpu.memory_space<vmem_shared>>
      %dma_wait3A_624 = arith.constant 0 : i32
      %dma_wait3A_625 = arith.constant 0 : i32
      %dma_wait3A_626 = tpu.memref_slice %arg14[%dma_wait3A_615, %dma_wait3A_624, %dma_wait3A_625] : memref<2x80x16xf32, #tpu.memory_space<vmem>> -> memref<1x80x16xf32, #tpu.memory_space<vmem>>
      %dma_wait3A_627 = tpu.memref_squeeze %dma_wait3A_626 : memref<1x80x16xf32, #tpu.memory_space<vmem>> -> memref<80x16xf32, #tpu.memory_space<vmem>>
      tpu.wait_dma2 semaphore(%arg18 : memref<!tpu.dma_semaphore, #tpu.memory_space<semaphore_mem>>) src(%dma_wait3A_627 : memref<80x16xf32, #tpu.memory_space<vmem>>) dst(%dma_wait3A_623 : memref<80x16xf32, #tpu.memory_space<vmem_shared>>)
      %add3A_628 = arith.constant 240 : i32
      %add3A_629 = arith.addi %mul3A_147, %add3A_628 : i32
      %dma_wait3A_630 = arith.constant 0 : i32
      %dma_wait3A_631 = arith.constant 0 : i32
      %dma_wait3A_632 = arith.constant 0 : i32
      %dma_wait3A_633 = tpu.memref_slice %arg13[%dma_wait3A_630, %dma_wait3A_631, %dma_wait3A_632] : memref<2x80x128xf32, #tpu.memory_space<vmem>> -> memref<1x80x128xf32, #tpu.memory_space<vmem>>
      %dma_wait3A_634 = tpu.memref_squeeze %dma_wait3A_633 : memref<1x80x128xf32, #tpu.memory_space<vmem>> -> memref<80x128xf32, #tpu.memory_space<vmem>>
      %dma_wait3A_635 = arith.constant 0 : i32
      %dma_wait3A_636 = tpu.memref_slice %arg16[%add3A_629, %dma_wait3A_635] : memref<10000x128xf32, #tpu.memory_space<vmem_shared>> -> memref<80x128xf32, #tpu.memory_space<vmem_shared>>
      %dma_wait3A_637 = arith.constant 0 : i32
      %dma_wait3A_638 = tpu.memref_slice %arg16[%add3A_629, %dma_wait3A_637] : memref<10000x128xf32, #tpu.memory_space<vmem_shared>> -> memref<80x128xf32, #tpu.memory_space<vmem_shared>>
      %dma_wait3A_639 = arith.constant 0 : i32
      %dma_wait3A_640 = arith.constant 0 : i32
      %dma_wait3A_641 = tpu.memref_slice %arg13[%dma_wait3A_630, %dma_wait3A_639, %dma_wait3A_640] : memref<2x80x128xf32, #tpu.memory_space<vmem>> -> memref<1x80x128xf32, #tpu.memory_space<vmem>>
      %dma_wait3A_642 = tpu.memref_squeeze %dma_wait3A_641 : memref<1x80x128xf32, #tpu.memory_space<vmem>> -> memref<80x128xf32, #tpu.memory_space<vmem>>
      tpu.wait_dma2 semaphore(%arg18 : memref<!tpu.dma_semaphore, #tpu.memory_space<semaphore_mem>>) src(%dma_wait3A_642 : memref<80x128xf32, #tpu.memory_space<vmem>>) dst(%dma_wait3A_638 : memref<80x128xf32, #tpu.memory_space<vmem_shared>>)
      %add3A_643 = arith.constant 240 : i32
      %add3A_644 = arith.addi %mul3A_147, %add3A_643 : i32
      %dma_wait3A_645 = arith.constant 0 : i32
      %dma_wait3A_646 = arith.constant 0 : i32
      %dma_wait3A_647 = arith.constant 0 : i32
      %dma_wait3A_648 = tpu.memref_slice %arg14[%dma_wait3A_645, %dma_wait3A_646, %dma_wait3A_647] : memref<2x80x16xf32, #tpu.memory_space<vmem>> -> memref<1x80x16xf32, #tpu.memory_space<vmem>>
      %dma_wait3A_649 = tpu.memref_squeeze %dma_wait3A_648 : memref<1x80x16xf32, #tpu.memory_space<vmem>> -> memref<80x16xf32, #tpu.memory_space<vmem>>
      %dma_wait3A_650 = arith.constant 0 : i32
      %dma_wait3A_651 = tpu.memref_slice %arg17[%add3A_644, %dma_wait3A_650] : memref<10000x16xf32, #tpu.memory_space<vmem_shared>> -> memref<80x16xf32, #tpu.memory_space<vmem_shared>>
      %dma_wait3A_652 = arith.constant 0 : i32
      %dma_wait3A_653 = tpu.memref_slice %arg17[%add3A_644, %dma_wait3A_652] : memref<10000x16xf32, #tpu.memory_space<vmem_shared>> -> memref<80x16xf32, #tpu.memory_space<vmem_shared>>
      %dma_wait3A_654 = arith.constant 0 : i32
      %dma_wait3A_655 = arith.constant 0 : i32
      %dma_wait3A_656 = tpu.memref_slice %arg14[%dma_wait3A_645, %dma_wait3A_654, %dma_wait3A_655] : memref<2x80x16xf32, #tpu.memory_space<vmem>> -> memref<1x80x16xf32, #tpu.memory_space<vmem>>
      %dma_wait3A_657 = tpu.memref_squeeze %dma_wait3A_656 : memref<1x80x16xf32, #tpu.memory_space<vmem>> -> memref<80x16xf32, #tpu.memory_space<vmem>>
      tpu.wait_dma2 semaphore(%arg18 : memref<!tpu.dma_semaphore, #tpu.memory_space<semaphore_mem>>) src(%dma_wait3A_657 : memref<80x16xf32, #tpu.memory_space<vmem>>) dst(%dma_wait3A_653 : memref<80x16xf32, #tpu.memory_space<vmem_shared>>)
      %add3A_658 = arith.constant 320 : i32
      %add3A_659 = arith.addi %mul3A_147, %add3A_658 : i32
      %dma_wait3A_660 = arith.constant 0 : i32
      %dma_wait3A_661 = arith.constant 0 : i32
      %dma_wait3A_662 = arith.constant 0 : i32
      %dma_wait3A_663 = tpu.memref_slice %arg13[%dma_wait3A_660, %dma_wait3A_661, %dma_wait3A_662] : memref<2x80x128xf32, #tpu.memory_space<vmem>> -> memref<1x80x128xf32, #tpu.memory_space<vmem>>
      %dma_wait3A_664 = tpu.memref_squeeze %dma_wait3A_663 : memref<1x80x128xf32, #tpu.memory_space<vmem>> -> memref<80x128xf32, #tpu.memory_space<vmem>>
      %dma_wait3A_665 = arith.constant 0 : i32
      %dma_wait3A_666 = tpu.memref_slice %arg16[%add3A_659, %dma_wait3A_665] : memref<10000x128xf32, #tpu.memory_space<vmem_shared>> -> memref<80x128xf32, #tpu.memory_space<vmem_shared>>
      %dma_wait3A_667 = arith.constant 0 : i32
      %dma_wait3A_668 = tpu.memref_slice %arg16[%add3A_659, %dma_wait3A_667] : memref<10000x128xf32, #tpu.memory_space<vmem_shared>> -> memref<80x128xf32, #tpu.memory_space<vmem_shared>>
      %dma_wait3A_669 = arith.constant 0 : i32
      %dma_wait3A_670 = arith.constant 0 : i32
      %dma_wait3A_671 = tpu.memref_slice %arg13[%dma_wait3A_660, %dma_wait3A_669, %dma_wait3A_670] : memref<2x80x128xf32, #tpu.memory_space<vmem>> -> memref<1x80x128xf32, #tpu.memory_space<vmem>>
      %dma_wait3A_672 = tpu.memref_squeeze %dma_wait3A_671 : memref<1x80x128xf32, #tpu.memory_space<vmem>> -> memref<80x128xf32, #tpu.memory_space<vmem>>
      tpu.wait_dma2 semaphore(%arg18 : memref<!tpu.dma_semaphore, #tpu.memory_space<semaphore_mem>>) src(%dma_wait3A_672 : memref<80x128xf32, #tpu.memory_space<vmem>>) dst(%dma_wait3A_668 : memref<80x128xf32, #tpu.memory_space<vmem_shared>>)
      %add3A_673 = arith.constant 320 : i32
      %add3A_674 = arith.addi %mul3A_147, %add3A_673 : i32
      %dma_wait3A_675 = arith.constant 0 : i32
      %dma_wait3A_676 = arith.constant 0 : i32
      %dma_wait3A_677 = arith.constant 0 : i32
      %dma_wait3A_678 = tpu.memref_slice %arg14[%dma_wait3A_675, %dma_wait3A_676, %dma_wait3A_677] : memref<2x80x16xf32, #tpu.memory_space<vmem>> -> memref<1x80x16xf32, #tpu.memory_space<vmem>>
      %dma_wait3A_679 = tpu.memref_squeeze %dma_wait3A_678 : memref<1x80x16xf32, #tpu.memory_space<vmem>> -> memref<80x16xf32, #tpu.memory_space<vmem>>
      %dma_wait3A_680 = arith.constant 0 : i32
      %dma_wait3A_681 = tpu.memref_slice %arg17[%add3A_674, %dma_wait3A_680] : memref<10000x16xf32, #tpu.memory_space<vmem_shared>> -> memref<80x16xf32, #tpu.memory_space<vmem_shared>>
      %dma_wait3A_682 = arith.constant 0 : i32
      %dma_wait3A_683 = tpu.memref_slice %arg17[%add3A_674, %dma_wait3A_682] : memref<10000x16xf32, #tpu.memory_space<vmem_shared>> -> memref<80x16xf32, #tpu.memory_space<vmem_shared>>
      %dma_wait3A_684 = arith.constant 0 : i32
      %dma_wait3A_685 = arith.constant 0 : i32
      %dma_wait3A_686 = tpu.memref_slice %arg14[%dma_wait3A_675, %dma_wait3A_684, %dma_wait3A_685] : memref<2x80x16xf32, #tpu.memory_space<vmem>> -> memref<1x80x16xf32, #tpu.memory_space<vmem>>
      %dma_wait3A_687 = tpu.memref_squeeze %dma_wait3A_686 : memref<1x80x16xf32, #tpu.memory_space<vmem>> -> memref<80x16xf32, #tpu.memory_space<vmem>>
      tpu.wait_dma2 semaphore(%arg18 : memref<!tpu.dma_semaphore, #tpu.memory_space<semaphore_mem>>) src(%dma_wait3A_687 : memref<80x16xf32, #tpu.memory_space<vmem>>) dst(%dma_wait3A_683 : memref<80x16xf32, #tpu.memory_space<vmem_shared>>)
      %add3A_688 = arith.constant 400 : i32
      %add3A_689 = arith.addi %mul3A_147, %add3A_688 : i32
      %dma_wait3A_690 = arith.constant 0 : i32
      %dma_wait3A_691 = arith.constant 0 : i32
      %dma_wait3A_692 = arith.constant 0 : i32
      %dma_wait3A_693 = tpu.memref_slice %arg13[%dma_wait3A_690, %dma_wait3A_691, %dma_wait3A_692] : memref<2x80x128xf32, #tpu.memory_space<vmem>> -> memref<1x80x128xf32, #tpu.memory_space<vmem>>
      %dma_wait3A_694 = tpu.memref_squeeze %dma_wait3A_693 : memref<1x80x128xf32, #tpu.memory_space<vmem>> -> memref<80x128xf32, #tpu.memory_space<vmem>>
      %dma_wait3A_695 = arith.constant 0 : i32
      %dma_wait3A_696 = tpu.memref_slice %arg16[%add3A_689, %dma_wait3A_695] : memref<10000x128xf32, #tpu.memory_space<vmem_shared>> -> memref<80x128xf32, #tpu.memory_space<vmem_shared>>
      %dma_wait3A_697 = arith.constant 0 : i32
      %dma_wait3A_698 = tpu.memref_slice %arg16[%add3A_689, %dma_wait3A_697] : memref<10000x128xf32, #tpu.memory_space<vmem_shared>> -> memref<80x128xf32, #tpu.memory_space<vmem_shared>>
      %dma_wait3A_699 = arith.constant 0 : i32
      %dma_wait3A_700 = arith.constant 0 : i32
      %dma_wait3A_701 = tpu.memref_slice %arg13[%dma_wait3A_690, %dma_wait3A_699, %dma_wait3A_700] : memref<2x80x128xf32, #tpu.memory_space<vmem>> -> memref<1x80x128xf32, #tpu.memory_space<vmem>>
      %dma_wait3A_702 = tpu.memref_squeeze %dma_wait3A_701 : memref<1x80x128xf32, #tpu.memory_space<vmem>> -> memref<80x128xf32, #tpu.memory_space<vmem>>
      tpu.wait_dma2 semaphore(%arg18 : memref<!tpu.dma_semaphore, #tpu.memory_space<semaphore_mem>>) src(%dma_wait3A_702 : memref<80x128xf32, #tpu.memory_space<vmem>>) dst(%dma_wait3A_698 : memref<80x128xf32, #tpu.memory_space<vmem_shared>>)
      %add3A_703 = arith.constant 400 : i32
      %add3A_704 = arith.addi %mul3A_147, %add3A_703 : i32
      %dma_wait3A_705 = arith.constant 0 : i32
      %dma_wait3A_706 = arith.constant 0 : i32
      %dma_wait3A_707 = arith.constant 0 : i32
      %dma_wait3A_708 = tpu.memref_slice %arg14[%dma_wait3A_705, %dma_wait3A_706, %dma_wait3A_707] : memref<2x80x16xf32, #tpu.memory_space<vmem>> -> memref<1x80x16xf32, #tpu.memory_space<vmem>>
      %dma_wait3A_709 = tpu.memref_squeeze %dma_wait3A_708 : memref<1x80x16xf32, #tpu.memory_space<vmem>> -> memref<80x16xf32, #tpu.memory_space<vmem>>
      %dma_wait3A_710 = arith.constant 0 : i32
      %dma_wait3A_711 = tpu.memref_slice %arg17[%add3A_704, %dma_wait3A_710] : memref<10000x16xf32, #tpu.memory_space<vmem_shared>> -> memref<80x16xf32, #tpu.memory_space<vmem_shared>>
      %dma_wait3A_712 = arith.constant 0 : i32
      %dma_wait3A_713 = tpu.memref_slice %arg17[%add3A_704, %dma_wait3A_712] : memref<10000x16xf32, #tpu.memory_space<vmem_shared>> -> memref<80x16xf32, #tpu.memory_space<vmem_shared>>
      %dma_wait3A_714 = arith.constant 0 : i32
      %dma_wait3A_715 = arith.constant 0 : i32
      %dma_wait3A_716 = tpu.memref_slice %arg14[%dma_wait3A_705, %dma_wait3A_714, %dma_wait3A_715] : memref<2x80x16xf32, #tpu.memory_space<vmem>> -> memref<1x80x16xf32, #tpu.memory_space<vmem>>
      %dma_wait3A_717 = tpu.memref_squeeze %dma_wait3A_716 : memref<1x80x16xf32, #tpu.memory_space<vmem>> -> memref<80x16xf32, #tpu.memory_space<vmem>>
      tpu.wait_dma2 semaphore(%arg18 : memref<!tpu.dma_semaphore, #tpu.memory_space<semaphore_mem>>) src(%dma_wait3A_717 : memref<80x16xf32, #tpu.memory_space<vmem>>) dst(%dma_wait3A_713 : memref<80x16xf32, #tpu.memory_space<vmem_shared>>)
      %add3A_718 = arith.constant 480 : i32
      %add3A_719 = arith.addi %mul3A_147, %add3A_718 : i32
      %dma_wait3A_720 = arith.constant 0 : i32
      %dma_wait3A_721 = arith.constant 0 : i32
      %dma_wait3A_722 = arith.constant 0 : i32
      %dma_wait3A_723 = tpu.memref_slice %arg13[%dma_wait3A_720, %dma_wait3A_721, %dma_wait3A_722] : memref<2x80x128xf32, #tpu.memory_space<vmem>> -> memref<1x80x128xf32, #tpu.memory_space<vmem>>
      %dma_wait3A_724 = tpu.memref_squeeze %dma_wait3A_723 : memref<1x80x128xf32, #tpu.memory_space<vmem>> -> memref<80x128xf32, #tpu.memory_space<vmem>>
      %dma_wait3A_725 = arith.constant 0 : i32
      %dma_wait3A_726 = tpu.memref_slice %arg16[%add3A_719, %dma_wait3A_725] : memref<10000x128xf32, #tpu.memory_space<vmem_shared>> -> memref<80x128xf32, #tpu.memory_space<vmem_shared>>
      %dma_wait3A_727 = arith.constant 0 : i32
      %dma_wait3A_728 = tpu.memref_slice %arg16[%add3A_719, %dma_wait3A_727] : memref<10000x128xf32, #tpu.memory_space<vmem_shared>> -> memref<80x128xf32, #tpu.memory_space<vmem_shared>>
      %dma_wait3A_729 = arith.constant 0 : i32
      %dma_wait3A_730 = arith.constant 0 : i32
      %dma_wait3A_731 = tpu.memref_slice %arg13[%dma_wait3A_720, %dma_wait3A_729, %dma_wait3A_730] : memref<2x80x128xf32, #tpu.memory_space<vmem>> -> memref<1x80x128xf32, #tpu.memory_space<vmem>>
      %dma_wait3A_732 = tpu.memref_squeeze %dma_wait3A_731 : memref<1x80x128xf32, #tpu.memory_space<vmem>> -> memref<80x128xf32, #tpu.memory_space<vmem>>
      tpu.wait_dma2 semaphore(%arg18 : memref<!tpu.dma_semaphore, #tpu.memory_space<semaphore_mem>>) src(%dma_wait3A_732 : memref<80x128xf32, #tpu.memory_space<vmem>>) dst(%dma_wait3A_728 : memref<80x128xf32, #tpu.memory_space<vmem_shared>>)
      %add3A_733 = arith.constant 480 : i32
      %add3A_734 = arith.addi %mul3A_147, %add3A_733 : i32
      %dma_wait3A_735 = arith.constant 0 : i32
      %dma_wait3A_736 = arith.constant 0 : i32
      %dma_wait3A_737 = arith.constant 0 : i32
      %dma_wait3A_738 = tpu.memref_slice %arg14[%dma_wait3A_735, %dma_wait3A_736, %dma_wait3A_737] : memref<2x80x16xf32, #tpu.memory_space<vmem>> -> memref<1x80x16xf32, #tpu.memory_space<vmem>>
      %dma_wait3A_739 = tpu.memref_squeeze %dma_wait3A_738 : memref<1x80x16xf32, #tpu.memory_space<vmem>> -> memref<80x16xf32, #tpu.memory_space<vmem>>
      %dma_wait3A_740 = arith.constant 0 : i32
      %dma_wait3A_741 = tpu.memref_slice %arg17[%add3A_734, %dma_wait3A_740] : memref<10000x16xf32, #tpu.memory_space<vmem_shared>> -> memref<80x16xf32, #tpu.memory_space<vmem_shared>>
      %dma_wait3A_742 = arith.constant 0 : i32
      %dma_wait3A_743 = tpu.memref_slice %arg17[%add3A_734, %dma_wait3A_742] : memref<10000x16xf32, #tpu.memory_space<vmem_shared>> -> memref<80x16xf32, #tpu.memory_space<vmem_shared>>
      %dma_wait3A_744 = arith.constant 0 : i32
      %dma_wait3A_745 = arith.constant 0 : i32
      %dma_wait3A_746 = tpu.memref_slice %arg14[%dma_wait3A_735, %dma_wait3A_744, %dma_wait3A_745] : memref<2x80x16xf32, #tpu.memory_space<vmem>> -> memref<1x80x16xf32, #tpu.memory_space<vmem>>
      %dma_wait3A_747 = tpu.memref_squeeze %dma_wait3A_746 : memref<1x80x16xf32, #tpu.memory_space<vmem>> -> memref<80x16xf32, #tpu.memory_space<vmem>>
      tpu.wait_dma2 semaphore(%arg18 : memref<!tpu.dma_semaphore, #tpu.memory_space<semaphore_mem>>) src(%dma_wait3A_747 : memref<80x16xf32, #tpu.memory_space<vmem>>) dst(%dma_wait3A_743 : memref<80x16xf32, #tpu.memory_space<vmem_shared>>)
      %add3A_748 = arith.constant 560 : i32
      %add3A_749 = arith.addi %mul3A_147, %add3A_748 : i32
      %dma_wait3A_750 = arith.constant 0 : i32
      %dma_wait3A_751 = arith.constant 0 : i32
      %dma_wait3A_752 = arith.constant 0 : i32
      %dma_wait3A_753 = tpu.memref_slice %arg13[%dma_wait3A_750, %dma_wait3A_751, %dma_wait3A_752] : memref<2x80x128xf32, #tpu.memory_space<vmem>> -> memref<1x80x128xf32, #tpu.memory_space<vmem>>
      %dma_wait3A_754 = tpu.memref_squeeze %dma_wait3A_753 : memref<1x80x128xf32, #tpu.memory_space<vmem>> -> memref<80x128xf32, #tpu.memory_space<vmem>>
      %dma_wait3A_755 = arith.constant 0 : i32
      %dma_wait3A_756 = tpu.memref_slice %arg16[%add3A_749, %dma_wait3A_755] : memref<10000x128xf32, #tpu.memory_space<vmem_shared>> -> memref<80x128xf32, #tpu.memory_space<vmem_shared>>
      %dma_wait3A_757 = arith.constant 0 : i32
      %dma_wait3A_758 = tpu.memref_slice %arg16[%add3A_749, %dma_wait3A_757] : memref<10000x128xf32, #tpu.memory_space<vmem_shared>> -> memref<80x128xf32, #tpu.memory_space<vmem_shared>>
      %dma_wait3A_759 = arith.constant 0 : i32
      %dma_wait3A_760 = arith.constant 0 : i32
      %dma_wait3A_761 = tpu.memref_slice %arg13[%dma_wait3A_750, %dma_wait3A_759, %dma_wait3A_760] : memref<2x80x128xf32, #tpu.memory_space<vmem>> -> memref<1x80x128xf32, #tpu.memory_space<vmem>>
      %dma_wait3A_762 = tpu.memref_squeeze %dma_wait3A_761 : memref<1x80x128xf32, #tpu.memory_space<vmem>> -> memref<80x128xf32, #tpu.memory_space<vmem>>
      tpu.wait_dma2 semaphore(%arg18 : memref<!tpu.dma_semaphore, #tpu.memory_space<semaphore_mem>>) src(%dma_wait3A_762 : memref<80x128xf32, #tpu.memory_space<vmem>>) dst(%dma_wait3A_758 : memref<80x128xf32, #tpu.memory_space<vmem_shared>>)
      %add3A_763 = arith.constant 560 : i32
      %add3A_764 = arith.addi %mul3A_147, %add3A_763 : i32
      %dma_wait3A_765 = arith.constant 0 : i32
      %dma_wait3A_766 = arith.constant 0 : i32
      %dma_wait3A_767 = arith.constant 0 : i32
      %dma_wait3A_768 = tpu.memref_slice %arg14[%dma_wait3A_765, %dma_wait3A_766, %dma_wait3A_767] : memref<2x80x16xf32, #tpu.memory_space<vmem>> -> memref<1x80x16xf32, #tpu.memory_space<vmem>>
      %dma_wait3A_769 = tpu.memref_squeeze %dma_wait3A_768 : memref<1x80x16xf32, #tpu.memory_space<vmem>> -> memref<80x16xf32, #tpu.memory_space<vmem>>
      %dma_wait3A_770 = arith.constant 0 : i32
      %dma_wait3A_771 = tpu.memref_slice %arg17[%add3A_764, %dma_wait3A_770] : memref<10000x16xf32, #tpu.memory_space<vmem_shared>> -> memref<80x16xf32, #tpu.memory_space<vmem_shared>>
      %dma_wait3A_772 = arith.constant 0 : i32
      %dma_wait3A_773 = tpu.memref_slice %arg17[%add3A_764, %dma_wait3A_772] : memref<10000x16xf32, #tpu.memory_space<vmem_shared>> -> memref<80x16xf32, #tpu.memory_space<vmem_shared>>
      %dma_wait3A_774 = arith.constant 0 : i32
      %dma_wait3A_775 = arith.constant 0 : i32
      %dma_wait3A_776 = tpu.memref_slice %arg14[%dma_wait3A_765, %dma_wait3A_774, %dma_wait3A_775] : memref<2x80x16xf32, #tpu.memory_space<vmem>> -> memref<1x80x16xf32, #tpu.memory_space<vmem>>
      %dma_wait3A_777 = tpu.memref_squeeze %dma_wait3A_776 : memref<1x80x16xf32, #tpu.memory_space<vmem>> -> memref<80x16xf32, #tpu.memory_space<vmem>>
      tpu.wait_dma2 semaphore(%arg18 : memref<!tpu.dma_semaphore, #tpu.memory_space<semaphore_mem>>) src(%dma_wait3A_777 : memref<80x16xf32, #tpu.memory_space<vmem>>) dst(%dma_wait3A_773 : memref<80x16xf32, #tpu.memory_space<vmem_shared>>)
      %add3A_778 = arith.constant 640 : i32
      %add3A_779 = arith.addi %mul3A_147, %add3A_778 : i32
      %dma_wait3A_780 = arith.constant 0 : i32
      %dma_wait3A_781 = arith.constant 0 : i32
      %dma_wait3A_782 = arith.constant 0 : i32
      %dma_wait3A_783 = tpu.memref_slice %arg13[%dma_wait3A_780, %dma_wait3A_781, %dma_wait3A_782] : memref<2x80x128xf32, #tpu.memory_space<vmem>> -> memref<1x80x128xf32, #tpu.memory_space<vmem>>
      %dma_wait3A_784 = tpu.memref_squeeze %dma_wait3A_783 : memref<1x80x128xf32, #tpu.memory_space<vmem>> -> memref<80x128xf32, #tpu.memory_space<vmem>>
      %dma_wait3A_785 = arith.constant 0 : i32
      %dma_wait3A_786 = tpu.memref_slice %arg16[%add3A_779, %dma_wait3A_785] : memref<10000x128xf32, #tpu.memory_space<vmem_shared>> -> memref<80x128xf32, #tpu.memory_space<vmem_shared>>
      %dma_wait3A_787 = arith.constant 0 : i32
      %dma_wait3A_788 = tpu.memref_slice %arg16[%add3A_779, %dma_wait3A_787] : memref<10000x128xf32, #tpu.memory_space<vmem_shared>> -> memref<80x128xf32, #tpu.memory_space<vmem_shared>>
      %dma_wait3A_789 = arith.constant 0 : i32
      %dma_wait3A_790 = arith.constant 0 : i32
      %dma_wait3A_791 = tpu.memref_slice %arg13[%dma_wait3A_780, %dma_wait3A_789, %dma_wait3A_790] : memref<2x80x128xf32, #tpu.memory_space<vmem>> -> memref<1x80x128xf32, #tpu.memory_space<vmem>>
      %dma_wait3A_792 = tpu.memref_squeeze %dma_wait3A_791 : memref<1x80x128xf32, #tpu.memory_space<vmem>> -> memref<80x128xf32, #tpu.memory_space<vmem>>
      tpu.wait_dma2 semaphore(%arg18 : memref<!tpu.dma_semaphore, #tpu.memory_space<semaphore_mem>>) src(%dma_wait3A_792 : memref<80x128xf32, #tpu.memory_space<vmem>>) dst(%dma_wait3A_788 : memref<80x128xf32, #tpu.memory_space<vmem_shared>>)
      %add3A_793 = arith.constant 640 : i32
      %add3A_794 = arith.addi %mul3A_147, %add3A_793 : i32
      %dma_wait3A_795 = arith.constant 0 : i32
      %dma_wait3A_796 = arith.constant 0 : i32
      %dma_wait3A_797 = arith.constant 0 : i32
      %dma_wait3A_798 = tpu.memref_slice %arg14[%dma_wait3A_795, %dma_wait3A_796, %dma_wait3A_797] : memref<2x80x16xf32, #tpu.memory_space<vmem>> -> memref<1x80x16xf32, #tpu.memory_space<vmem>>
      %dma_wait3A_799 = tpu.memref_squeeze %dma_wait3A_798 : memref<1x80x16xf32, #tpu.memory_space<vmem>> -> memref<80x16xf32, #tpu.memory_space<vmem>>
      %dma_wait3A_800 = arith.constant 0 : i32
      %dma_wait3A_801 = tpu.memref_slice %arg17[%add3A_794, %dma_wait3A_800] : memref<10000x16xf32, #tpu.memory_space<vmem_shared>> -> memref<80x16xf32, #tpu.memory_space<vmem_shared>>
      %dma_wait3A_802 = arith.constant 0 : i32
      %dma_wait3A_803 = tpu.memref_slice %arg17[%add3A_794, %dma_wait3A_802] : memref<10000x16xf32, #tpu.memory_space<vmem_shared>> -> memref<80x16xf32, #tpu.memory_space<vmem_shared>>
      %dma_wait3A_804 = arith.constant 0 : i32
      %dma_wait3A_805 = arith.constant 0 : i32
      %dma_wait3A_806 = tpu.memref_slice %arg14[%dma_wait3A_795, %dma_wait3A_804, %dma_wait3A_805] : memref<2x80x16xf32, #tpu.memory_space<vmem>> -> memref<1x80x16xf32, #tpu.memory_space<vmem>>
      %dma_wait3A_807 = tpu.memref_squeeze %dma_wait3A_806 : memref<1x80x16xf32, #tpu.memory_space<vmem>> -> memref<80x16xf32, #tpu.memory_space<vmem>>
      tpu.wait_dma2 semaphore(%arg18 : memref<!tpu.dma_semaphore, #tpu.memory_space<semaphore_mem>>) src(%dma_wait3A_807 : memref<80x16xf32, #tpu.memory_space<vmem>>) dst(%dma_wait3A_803 : memref<80x16xf32, #tpu.memory_space<vmem_shared>>)
      %add3A_808 = arith.constant 720 : i32
      %add3A_809 = arith.addi %mul3A_147, %add3A_808 : i32
      %dma_wait3A_810 = arith.constant 0 : i32
      %dma_wait3A_811 = arith.constant 0 : i32
      %dma_wait3A_812 = arith.constant 0 : i32
      %dma_wait3A_813 = tpu.memref_slice %arg13[%dma_wait3A_810, %dma_wait3A_811, %dma_wait3A_812] : memref<2x80x128xf32, #tpu.memory_space<vmem>> -> memref<1x80x128xf32, #tpu.memory_space<vmem>>
      %dma_wait3A_814 = tpu.memref_squeeze %dma_wait3A_813 : memref<1x80x128xf32, #tpu.memory_space<vmem>> -> memref<80x128xf32, #tpu.memory_space<vmem>>
      %dma_wait3A_815 = arith.constant 0 : i32
      %dma_wait3A_816 = tpu.memref_slice %arg16[%add3A_809, %dma_wait3A_815] : memref<10000x128xf32, #tpu.memory_space<vmem_shared>> -> memref<80x128xf32, #tpu.memory_space<vmem_shared>>
      %dma_wait3A_817 = arith.constant 0 : i32
      %dma_wait3A_818 = tpu.memref_slice %arg16[%add3A_809, %dma_wait3A_817] : memref<10000x128xf32, #tpu.memory_space<vmem_shared>> -> memref<80x128xf32, #tpu.memory_space<vmem_shared>>
      %dma_wait3A_819 = arith.constant 0 : i32
      %dma_wait3A_820 = arith.constant 0 : i32
      %dma_wait3A_821 = tpu.memref_slice %arg13[%dma_wait3A_810, %dma_wait3A_819, %dma_wait3A_820] : memref<2x80x128xf32, #tpu.memory_space<vmem>> -> memref<1x80x128xf32, #tpu.memory_space<vmem>>
      %dma_wait3A_822 = tpu.memref_squeeze %dma_wait3A_821 : memref<1x80x128xf32, #tpu.memory_space<vmem>> -> memref<80x128xf32, #tpu.memory_space<vmem>>
      tpu.wait_dma2 semaphore(%arg18 : memref<!tpu.dma_semaphore, #tpu.memory_space<semaphore_mem>>) src(%dma_wait3A_822 : memref<80x128xf32, #tpu.memory_space<vmem>>) dst(%dma_wait3A_818 : memref<80x128xf32, #tpu.memory_space<vmem_shared>>)
      %add3A_823 = arith.constant 720 : i32
      %add3A_824 = arith.addi %mul3A_147, %add3A_823 : i32
      %dma_wait3A_825 = arith.constant 0 : i32
      %dma_wait3A_826 = arith.constant 0 : i32
      %dma_wait3A_827 = arith.constant 0 : i32
      %dma_wait3A_828 = tpu.memref_slice %arg14[%dma_wait3A_825, %dma_wait3A_826, %dma_wait3A_827] : memref<2x80x16xf32, #tpu.memory_space<vmem>> -> memref<1x80x16xf32, #tpu.memory_space<vmem>>
      %dma_wait3A_829 = tpu.memref_squeeze %dma_wait3A_828 : memref<1x80x16xf32, #tpu.memory_space<vmem>> -> memref<80x16xf32, #tpu.memory_space<vmem>>
      %dma_wait3A_830 = arith.constant 0 : i32
      %dma_wait3A_831 = tpu.memref_slice %arg17[%add3A_824, %dma_wait3A_830] : memref<10000x16xf32, #tpu.memory_space<vmem_shared>> -> memref<80x16xf32, #tpu.memory_space<vmem_shared>>
      %dma_wait3A_832 = arith.constant 0 : i32
      %dma_wait3A_833 = tpu.memref_slice %arg17[%add3A_824, %dma_wait3A_832] : memref<10000x16xf32, #tpu.memory_space<vmem_shared>> -> memref<80x16xf32, #tpu.memory_space<vmem_shared>>
      %dma_wait3A_834 = arith.constant 0 : i32
      %dma_wait3A_835 = arith.constant 0 : i32
      %dma_wait3A_836 = tpu.memref_slice %arg14[%dma_wait3A_825, %dma_wait3A_834, %dma_wait3A_835] : memref<2x80x16xf32, #tpu.memory_space<vmem>> -> memref<1x80x16xf32, #tpu.memory_space<vmem>>
      %dma_wait3A_837 = tpu.memref_squeeze %dma_wait3A_836 : memref<1x80x16xf32, #tpu.memory_space<vmem>> -> memref<80x16xf32, #tpu.memory_space<vmem>>
      tpu.wait_dma2 semaphore(%arg18 : memref<!tpu.dma_semaphore, #tpu.memory_space<semaphore_mem>>) src(%dma_wait3A_837 : memref<80x16xf32, #tpu.memory_space<vmem>>) dst(%dma_wait3A_833 : memref<80x16xf32, #tpu.memory_space<vmem_shared>>)
      %add3A_838 = arith.constant 800 : i32
      %add3A_839 = arith.addi %mul3A_147, %add3A_838 : i32
      %dma_wait3A_840 = arith.constant 0 : i32
      %dma_wait3A_841 = arith.constant 0 : i32
      %dma_wait3A_842 = arith.constant 0 : i32
      %dma_wait3A_843 = tpu.memref_slice %arg13[%dma_wait3A_840, %dma_wait3A_841, %dma_wait3A_842] : memref<2x80x128xf32, #tpu.memory_space<vmem>> -> memref<1x80x128xf32, #tpu.memory_space<vmem>>
      %dma_wait3A_844 = tpu.memref_squeeze %dma_wait3A_843 : memref<1x80x128xf32, #tpu.memory_space<vmem>> -> memref<80x128xf32, #tpu.memory_space<vmem>>
      %dma_wait3A_845 = arith.constant 0 : i32
      %dma_wait3A_846 = tpu.memref_slice %arg16[%add3A_839, %dma_wait3A_845] : memref<10000x128xf32, #tpu.memory_space<vmem_shared>> -> memref<80x128xf32, #tpu.memory_space<vmem_shared>>
      %dma_wait3A_847 = arith.constant 0 : i32
      %dma_wait3A_848 = tpu.memref_slice %arg16[%add3A_839, %dma_wait3A_847] : memref<10000x128xf32, #tpu.memory_space<vmem_shared>> -> memref<80x128xf32, #tpu.memory_space<vmem_shared>>
      %dma_wait3A_849 = arith.constant 0 : i32
      %dma_wait3A_850 = arith.constant 0 : i32
      %dma_wait3A_851 = tpu.memref_slice %arg13[%dma_wait3A_840, %dma_wait3A_849, %dma_wait3A_850] : memref<2x80x128xf32, #tpu.memory_space<vmem>> -> memref<1x80x128xf32, #tpu.memory_space<vmem>>
      %dma_wait3A_852 = tpu.memref_squeeze %dma_wait3A_851 : memref<1x80x128xf32, #tpu.memory_space<vmem>> -> memref<80x128xf32, #tpu.memory_space<vmem>>
      tpu.wait_dma2 semaphore(%arg18 : memref<!tpu.dma_semaphore, #tpu.memory_space<semaphore_mem>>) src(%dma_wait3A_852 : memref<80x128xf32, #tpu.memory_space<vmem>>) dst(%dma_wait3A_848 : memref<80x128xf32, #tpu.memory_space<vmem_shared>>)
      %add3A_853 = arith.constant 800 : i32
      %add3A_854 = arith.addi %mul3A_147, %add3A_853 : i32
      %dma_wait3A_855 = arith.constant 0 : i32
      %dma_wait3A_856 = arith.constant 0 : i32
      %dma_wait3A_857 = arith.constant 0 : i32
      %dma_wait3A_858 = tpu.memref_slice %arg14[%dma_wait3A_855, %dma_wait3A_856, %dma_wait3A_857] : memref<2x80x16xf32, #tpu.memory_space<vmem>> -> memref<1x80x16xf32, #tpu.memory_space<vmem>>
      %dma_wait3A_859 = tpu.memref_squeeze %dma_wait3A_858 : memref<1x80x16xf32, #tpu.memory_space<vmem>> -> memref<80x16xf32, #tpu.memory_space<vmem>>
      %dma_wait3A_860 = arith.constant 0 : i32
      %dma_wait3A_861 = tpu.memref_slice %arg17[%add3A_854, %dma_wait3A_860] : memref<10000x16xf32, #tpu.memory_space<vmem_shared>> -> memref<80x16xf32, #tpu.memory_space<vmem_shared>>
      %dma_wait3A_862 = arith.constant 0 : i32
      %dma_wait3A_863 = tpu.memref_slice %arg17[%add3A_854, %dma_wait3A_862] : memref<10000x16xf32, #tpu.memory_space<vmem_shared>> -> memref<80x16xf32, #tpu.memory_space<vmem_shared>>
      %dma_wait3A_864 = arith.constant 0 : i32
      %dma_wait3A_865 = arith.constant 0 : i32
      %dma_wait3A_866 = tpu.memref_slice %arg14[%dma_wait3A_855, %dma_wait3A_864, %dma_wait3A_865] : memref<2x80x16xf32, #tpu.memory_space<vmem>> -> memref<1x80x16xf32, #tpu.memory_space<vmem>>
      %dma_wait3A_867 = tpu.memref_squeeze %dma_wait3A_866 : memref<1x80x16xf32, #tpu.memory_space<vmem>> -> memref<80x16xf32, #tpu.memory_space<vmem>>
      tpu.wait_dma2 semaphore(%arg18 : memref<!tpu.dma_semaphore, #tpu.memory_space<semaphore_mem>>) src(%dma_wait3A_867 : memref<80x16xf32, #tpu.memory_space<vmem>>) dst(%dma_wait3A_863 : memref<80x16xf32, #tpu.memory_space<vmem_shared>>)
      %add3A_868 = arith.constant 880 : i32
      %add3A_869 = arith.addi %mul3A_147, %add3A_868 : i32
      %dma_wait3A_870 = arith.constant 0 : i32
      %dma_wait3A_871 = arith.constant 0 : i32
      %dma_wait3A_872 = arith.constant 0 : i32
      %dma_wait3A_873 = tpu.memref_slice %arg13[%dma_wait3A_870, %dma_wait3A_871, %dma_wait3A_872] : memref<2x80x128xf32, #tpu.memory_space<vmem>> -> memref<1x80x128xf32, #tpu.memory_space<vmem>>
      %dma_wait3A_874 = tpu.memref_squeeze %dma_wait3A_873 : memref<1x80x128xf32, #tpu.memory_space<vmem>> -> memref<80x128xf32, #tpu.memory_space<vmem>>
      %dma_wait3A_875 = arith.constant 0 : i32
      %dma_wait3A_876 = tpu.memref_slice %arg16[%add3A_869, %dma_wait3A_875] : memref<10000x128xf32, #tpu.memory_space<vmem_shared>> -> memref<80x128xf32, #tpu.memory_space<vmem_shared>>
      %dma_wait3A_877 = arith.constant 0 : i32
      %dma_wait3A_878 = tpu.memref_slice %arg16[%add3A_869, %dma_wait3A_877] : memref<10000x128xf32, #tpu.memory_space<vmem_shared>> -> memref<80x128xf32, #tpu.memory_space<vmem_shared>>
      %dma_wait3A_879 = arith.constant 0 : i32
      %dma_wait3A_880 = arith.constant 0 : i32
      %dma_wait3A_881 = tpu.memref_slice %arg13[%dma_wait3A_870, %dma_wait3A_879, %dma_wait3A_880] : memref<2x80x128xf32, #tpu.memory_space<vmem>> -> memref<1x80x128xf32, #tpu.memory_space<vmem>>
      %dma_wait3A_882 = tpu.memref_squeeze %dma_wait3A_881 : memref<1x80x128xf32, #tpu.memory_space<vmem>> -> memref<80x128xf32, #tpu.memory_space<vmem>>
      tpu.wait_dma2 semaphore(%arg18 : memref<!tpu.dma_semaphore, #tpu.memory_space<semaphore_mem>>) src(%dma_wait3A_882 : memref<80x128xf32, #tpu.memory_space<vmem>>) dst(%dma_wait3A_878 : memref<80x128xf32, #tpu.memory_space<vmem_shared>>)
      %add3A_883 = arith.constant 880 : i32
      %add3A_884 = arith.addi %mul3A_147, %add3A_883 : i32
      %dma_wait3A_885 = arith.constant 0 : i32
      %dma_wait3A_886 = arith.constant 0 : i32
      %dma_wait3A_887 = arith.constant 0 : i32
      %dma_wait3A_888 = tpu.memref_slice %arg14[%dma_wait3A_885, %dma_wait3A_886, %dma_wait3A_887] : memref<2x80x16xf32, #tpu.memory_space<vmem>> -> memref<1x80x16xf32, #tpu.memory_space<vmem>>
      %dma_wait3A_889 = tpu.memref_squeeze %dma_wait3A_888 : memref<1x80x16xf32, #tpu.memory_space<vmem>> -> memref<80x16xf32, #tpu.memory_space<vmem>>
      %dma_wait3A_890 = arith.constant 0 : i32
      %dma_wait3A_891 = tpu.memref_slice %arg17[%add3A_884, %dma_wait3A_890] : memref<10000x16xf32, #tpu.memory_space<vmem_shared>> -> memref<80x16xf32, #tpu.memory_space<vmem_shared>>
      %dma_wait3A_892 = arith.constant 0 : i32
      %dma_wait3A_893 = tpu.memref_slice %arg17[%add3A_884, %dma_wait3A_892] : memref<10000x16xf32, #tpu.memory_space<vmem_shared>> -> memref<80x16xf32, #tpu.memory_space<vmem_shared>>
      %dma_wait3A_894 = arith.constant 0 : i32
      %dma_wait3A_895 = arith.constant 0 : i32
      %dma_wait3A_896 = tpu.memref_slice %arg14[%dma_wait3A_885, %dma_wait3A_894, %dma_wait3A_895] : memref<2x80x16xf32, #tpu.memory_space<vmem>> -> memref<1x80x16xf32, #tpu.memory_space<vmem>>
      %dma_wait3A_897 = tpu.memref_squeeze %dma_wait3A_896 : memref<1x80x16xf32, #tpu.memory_space<vmem>> -> memref<80x16xf32, #tpu.memory_space<vmem>>
      tpu.wait_dma2 semaphore(%arg18 : memref<!tpu.dma_semaphore, #tpu.memory_space<semaphore_mem>>) src(%dma_wait3A_897 : memref<80x16xf32, #tpu.memory_space<vmem>>) dst(%dma_wait3A_893 : memref<80x16xf32, #tpu.memory_space<vmem_shared>>)
      %add3A_898 = arith.constant 960 : i32
      %add3A_899 = arith.addi %mul3A_147, %add3A_898 : i32
      %dma_wait3A_900 = arith.constant 0 : i32
      %dma_wait3A_901 = arith.constant 0 : i32
      %dma_wait3A_902 = arith.constant 0 : i32
      %dma_wait3A_903 = tpu.memref_slice %arg13[%dma_wait3A_900, %dma_wait3A_901, %dma_wait3A_902] : memref<2x80x128xf32, #tpu.memory_space<vmem>> -> memref<1x40x128xf32, #tpu.memory_space<vmem>>
      %dma_wait3A_904 = tpu.memref_squeeze %dma_wait3A_903 : memref<1x40x128xf32, #tpu.memory_space<vmem>> -> memref<40x128xf32, #tpu.memory_space<vmem>>
      %dma_wait3A_905 = arith.constant 0 : i32
      %dma_wait3A_906 = tpu.memref_slice %arg16[%add3A_899, %dma_wait3A_905] : memref<10000x128xf32, #tpu.memory_space<vmem_shared>> -> memref<40x128xf32, #tpu.memory_space<vmem_shared>>
      %dma_wait3A_907 = arith.constant 0 : i32
      %dma_wait3A_908 = tpu.memref_slice %arg16[%add3A_899, %dma_wait3A_907] : memref<10000x128xf32, #tpu.memory_space<vmem_shared>> -> memref<40x128xf32, #tpu.memory_space<vmem_shared>>
      %dma_wait3A_909 = arith.constant 0 : i32
      %dma_wait3A_910 = arith.constant 0 : i32
      %dma_wait3A_911 = tpu.memref_slice %arg13[%dma_wait3A_900, %dma_wait3A_909, %dma_wait3A_910] : memref<2x80x128xf32, #tpu.memory_space<vmem>> -> memref<1x40x128xf32, #tpu.memory_space<vmem>>
      %dma_wait3A_912 = tpu.memref_squeeze %dma_wait3A_911 : memref<1x40x128xf32, #tpu.memory_space<vmem>> -> memref<40x128xf32, #tpu.memory_space<vmem>>
      tpu.wait_dma2 semaphore(%arg18 : memref<!tpu.dma_semaphore, #tpu.memory_space<semaphore_mem>>) src(%dma_wait3A_912 : memref<40x128xf32, #tpu.memory_space<vmem>>) dst(%dma_wait3A_908 : memref<40x128xf32, #tpu.memory_space<vmem_shared>>)
      %add3A_913 = arith.constant 960 : i32
      %add3A_914 = arith.addi %mul3A_147, %add3A_913 : i32
      %dma_wait3A_915 = arith.constant 0 : i32
      %dma_wait3A_916 = arith.constant 0 : i32
      %dma_wait3A_917 = arith.constant 0 : i32
      %dma_wait3A_918 = tpu.memref_slice %arg14[%dma_wait3A_915, %dma_wait3A_916, %dma_wait3A_917] : memref<2x80x16xf32, #tpu.memory_space<vmem>> -> memref<1x40x16xf32, #tpu.memory_space<vmem>>
      %dma_wait3A_919 = tpu.memref_squeeze %dma_wait3A_918 : memref<1x40x16xf32, #tpu.memory_space<vmem>> -> memref<40x16xf32, #tpu.memory_space<vmem>>
      %dma_wait3A_920 = arith.constant 0 : i32
      %dma_wait3A_921 = tpu.memref_slice %arg17[%add3A_914, %dma_wait3A_920] : memref<10000x16xf32, #tpu.memory_space<vmem_shared>> -> memref<40x16xf32, #tpu.memory_space<vmem_shared>>
      %dma_wait3A_922 = arith.constant 0 : i32
      %dma_wait3A_923 = tpu.memref_slice %arg17[%add3A_914, %dma_wait3A_922] : memref<10000x16xf32, #tpu.memory_space<vmem_shared>> -> memref<40x16xf32, #tpu.memory_space<vmem_shared>>
      %dma_wait3A_924 = arith.constant 0 : i32
      %dma_wait3A_925 = arith.constant 0 : i32
      %dma_wait3A_926 = tpu.memref_slice %arg14[%dma_wait3A_915, %dma_wait3A_924, %dma_wait3A_925] : memref<2x80x16xf32, #tpu.memory_space<vmem>> -> memref<1x40x16xf32, #tpu.memory_space<vmem>>
      %dma_wait3A_927 = tpu.memref_squeeze %dma_wait3A_926 : memref<1x40x16xf32, #tpu.memory_space<vmem>> -> memref<40x16xf32, #tpu.memory_space<vmem>>
      tpu.wait_dma2 semaphore(%arg18 : memref<!tpu.dma_semaphore, #tpu.memory_space<semaphore_mem>>) src(%dma_wait3A_927 : memref<40x16xf32, #tpu.memory_space<vmem>>) dst(%dma_wait3A_923 : memref<40x16xf32, #tpu.memory_space<vmem_shared>>)
    } else {
    }
    %barrier3A = arith.constant 0 : index
    tpu.barrier barrier_id(%barrier3A)
    %get3A = arith.constant 0 : i32
    %get3A_7 = arith.index_cast %get3A : i32 to index
    %get3A_8 = arith.constant 0 : index
    %get3A_9 = tpu.vector_load %arg9[%get3A_7, %get3A_8] {strides = array<i32>} : memref<1x16xf32, #tpu.memory_space<vmem>>, vector<16xf32>,
    %mul3A_10 = arith.constant 10000 : i32
    %mul3A_11 = arith.muli %add3A, %mul3A_10 : i32
    %add3A_12 = arith.constant 0 : i32
    %add3A_13 = arith.addi %mul3A_11, %add3A_12 : i32
    %dma_start3A = arith.constant 0 : i32
    %dma_start3A_14 = arith.constant 0 : i32
    %dma_start3A_15 = arith.constant 0 : i32
    %dma_start3A_16 = tpu.memref_slice %arg10[%dma_start3A, %dma_start3A_14, %dma_start3A_15] : memref<3x2x80xi32, #tpu.memory_space<vmem>> -> memref<1x2x80xi32, #tpu.memory_space<vmem>>
    %dma_start3A_17 = tpu.memref_squeeze %dma_start3A_16 : memref<1x2x80xi32, #tpu.memory_space<vmem>> -> memref<2x80xi32, #tpu.memory_space<vmem>>
    %dma_start3A_18 = arith.constant 0 : i32
    %dma_start3A_19 = tpu.memref_slice %arg3[%dma_start3A_18, %add3A_13] : memref<2x320000xi32, #tpu.memory_space<hbm>> -> memref<2x80xi32, #tpu.memory_space<hbm>>
    %dma_start3A_20 = arith.constant 0 : i32
    %dma_start3A_21 = arith.constant 0 : i32
    %dma_start3A_22 = tpu.memref_slice %arg10[%dma_start3A, %dma_start3A_20, %dma_start3A_21] : memref<3x2x80xi32, #tpu.memory_space<vmem>> -> memref<1x2x80xi32, #tpu.memory_space<vmem>>
    %dma_start3A_23 = tpu.memref_squeeze %dma_start3A_22 : memref<1x2x80xi32, #tpu.memory_space<vmem>> -> memref<2x80xi32, #tpu.memory_space<vmem>>
    %dma_start3A_24 = arith.constant 0 : i32
    %dma_start3A_25 = tpu.memref_slice %arg3[%dma_start3A_24, %add3A_13] : memref<2x320000xi32, #tpu.memory_space<hbm>> -> memref<2x80xi32, #tpu.memory_space<hbm>>
    tpu.enqueue_dma source(%dma_start3A_25 : memref<2x80xi32, #tpu.memory_space<hbm>>) target(%dma_start3A_23 : memref<2x80xi32, #tpu.memory_space<vmem>>) target_semaphore(%arg18 : memref<!tpu.dma_semaphore, #tpu.memory_space<semaphore_mem>>)
    %dma_wait3A = arith.constant 0 : i32
    %dma_wait3A_26 = arith.constant 0 : i32
    %dma_wait3A_27 = arith.constant 0 : i32
    %dma_wait3A_28 = tpu.memref_slice %arg10[%dma_wait3A, %dma_wait3A_26, %dma_wait3A_27] : memref<3x2x80xi32, #tpu.memory_space<vmem>> -> memref<1x2x80xi32, #tpu.memory_space<vmem>>
    %dma_wait3A_29 = tpu.memref_squeeze %dma_wait3A_28 : memref<1x2x80xi32, #tpu.memory_space<vmem>> -> memref<2x80xi32, #tpu.memory_space<vmem>>
    %dma_wait3A_30 = arith.constant 0 : i32
    %dma_wait3A_31 = arith.constant 0 : i32
    %dma_wait3A_32 = tpu.memref_slice %arg3[%dma_wait3A_30, %dma_wait3A_31] : memref<2x320000xi32, #tpu.memory_space<hbm>> -> memref<2x80xi32, #tpu.memory_space<hbm>>
    %dma_wait3A_33 = arith.constant 0 : i32
    %dma_wait3A_34 = arith.constant 0 : i32
    %dma_wait3A_35 = tpu.memref_slice %arg10[%dma_wait3A, %dma_wait3A_33, %dma_wait3A_34] : memref<3x2x80xi32, #tpu.memory_space<vmem>> -> memref<1x2x80xi32, #tpu.memory_space<vmem>>
    %dma_wait3A_36 = tpu.memref_squeeze %dma_wait3A_35 : memref<1x2x80xi32, #tpu.memory_space<vmem>> -> memref<2x80xi32, #tpu.memory_space<vmem>>
    %dma_wait3A_37 = arith.constant 0 : i32
    %dma_wait3A_38 = arith.constant 0 : i32
    %dma_wait3A_39 = tpu.memref_slice %arg3[%dma_wait3A_37, %dma_wait3A_38] : memref<2x320000xi32, #tpu.memory_space<hbm>> -> memref<2x80xi32, #tpu.memory_space<hbm>>
    tpu.wait_dma2 semaphore(%arg18 : memref<!tpu.dma_semaphore, #tpu.memory_space<semaphore_mem>>) src(%dma_wait3A_39 : memref<2x80xi32, #tpu.memory_space<hbm>>) dst(%dma_wait3A_36 : memref<2x80xi32, #tpu.memory_space<vmem>>)
    %add3A_40 = arith.constant 80 : i32
    %add3A_41 = arith.addi %mul3A_11, %add3A_40 : i32
    %dma_start3A_42 = arith.constant 1 : i32
    %dma_start3A_43 = arith.constant 0 : i32
    %dma_start3A_44 = arith.constant 0 : i32
    %dma_start3A_45 = tpu.memref_slice %arg10[%dma_start3A_42, %dma_start3A_43, %dma_start3A_44] : memref<3x2x80xi32, #tpu.memory_space<vmem>> -> memref<1x2x80xi32, #tpu.memory_space<vmem>>
    %dma_start3A_46 = tpu.memref_squeeze %dma_start3A_45 : memref<1x2x80xi32, #tpu.memory_space<vmem>> -> memref<2x80xi32, #tpu.memory_space<vmem>>
    %dma_start3A_47 = arith.constant 0 : i32
    %dma_start3A_48 = tpu.memref_slice %arg3[%dma_start3A_47, %add3A_41] : memref<2x320000xi32, #tpu.memory_space<hbm>> -> memref<2x80xi32, #tpu.memory_space<hbm>>
    %dma_start3A_49 = arith.constant 0 : i32
    %dma_start3A_50 = arith.constant 0 : i32
    %dma_start3A_51 = tpu.memref_slice %arg10[%dma_start3A_42, %dma_start3A_49, %dma_start3A_50] : memref<3x2x80xi32, #tpu.memory_space<vmem>> -> memref<1x2x80xi32, #tpu.memory_space<vmem>>
    %dma_start3A_52 = tpu.memref_squeeze %dma_start3A_51 : memref<1x2x80xi32, #tpu.memory_space<vmem>> -> memref<2x80xi32, #tpu.memory_space<vmem>>
    %dma_start3A_53 = arith.constant 0 : i32
    %dma_start3A_54 = tpu.memref_slice %arg3[%dma_start3A_53, %add3A_41] : memref<2x320000xi32, #tpu.memory_space<hbm>> -> memref<2x80xi32, #tpu.memory_space<hbm>>
    tpu.enqueue_dma source(%dma_start3A_54 : memref<2x80xi32, #tpu.memory_space<hbm>>) target(%dma_start3A_52 : memref<2x80xi32, #tpu.memory_space<vmem>>) target_semaphore(%arg18 : memref<!tpu.dma_semaphore, #tpu.memory_space<semaphore_mem>>)
    %dma_start3A_55 = arith.constant 0 : i32
    %dma_start3A_56 = arith.constant 0 : i32
    %dma_start3A_57 = arith.constant 0 : i32
    %dma_start3A_58 = arith.constant 0 : i32
    %dma_start3A_59 = arith.constant 0 : i32
    %dma_start3A_60 = arith.constant 0 : i32
    %dma_start3A_61 = tpu.memref_slice %arg13[%dma_start3A_57, %dma_start3A_59, %dma_start3A_60] : memref<2x80x128xf32, #tpu.memory_space<vmem>> -> memref<1x80x128xf32, #tpu.memory_space<vmem>>
    %dma_start3A_62 = tpu.memref_squeeze %dma_start3A_61 : memref<1x80x128xf32, #tpu.memory_space<vmem>> -> memref<80x128xf32, #tpu.memory_space<vmem>>
    %dma_start3A_63 = arith.constant 0 : i32
    %dma_start3A_64 = tpu.memref_slice %arg10[%dma_start3A_55, %dma_start3A_56, %dma_start3A_63] : memref<3x2x80xi32, #tpu.memory_space<vmem>> -> memref<1x1x80xi32, #tpu.memory_space<vmem>>
    %dma_start3A_65 = tpu.memref_squeeze %dma_start3A_64 : memref<1x1x80xi32, #tpu.memory_space<vmem>> -> memref<80xi32, #tpu.memory_space<vmem>>
    %dma_start3A_66 = arith.constant 0 : i32
    %dma_start3A_67 = arith.constant 0 : i32
    %dma_start3A_68 = tpu.memref_slice %arg2[%dma_start3A_66, %dma_start3A_67] : memref<10000x128xf32, #tpu.memory_space<hbm>> -> memref<10000x128xf32, #tpu.memory_space<hbm>>
    %dma_start3A_69 = tpu.memref_slice %arg19[%dma_start3A_58] : memref<2x!tpu.dma_semaphore, #tpu.memory_space<semaphore_mem>> -> memref<1x!tpu.dma_semaphore, #tpu.memory_space<semaphore_mem>>
    %dma_start3A_70 = tpu.memref_squeeze %dma_start3A_69 : memref<1x!tpu.dma_semaphore, #tpu.memory_space<semaphore_mem>> -> memref<!tpu.dma_semaphore, #tpu.memory_space<semaphore_mem>>
    tpu.enqueue_indirect_dma source(%dma_start3A_68 : memref<10000x128xf32, #tpu.memory_space<hbm>>) target(%dma_start3A_62 : memref<80x128xf32, #tpu.memory_space<vmem>>) offsets(%dma_start3A_65 : memref<80xi32, #tpu.memory_space<vmem>>) semaphore(%dma_start3A_70 : memref<!tpu.dma_semaphore, #tpu.memory_space<semaphore_mem>>)
    %dma_start3A_71 = arith.constant 0 : i32
    %dma_start3A_72 = arith.constant 0 : i32
    %dma_start3A_73 = arith.constant 0 : i32
    %dma_start3A_74 = arith.constant 0 : i32
    %dma_start3A_75 = arith.constant 0 : i32
    %dma_start3A_76 = arith.constant 0 : i32
    %dma_start3A_77 = tpu.memref_slice %arg11[%dma_start3A_73, %dma_start3A_75, %dma_start3A_76] : memref<2x80x16xf32, #tpu.memory_space<vmem>> -> memref<1x80x16xf32, #tpu.memory_space<vmem>>
    %dma_start3A_78 = tpu.memref_squeeze %dma_start3A_77 : memref<1x80x16xf32, #tpu.memory_space<vmem>> -> memref<80x16xf32, #tpu.memory_space<vmem>>
    %dma_start3A_79 = arith.constant 0 : i32
    %dma_start3A_80 = tpu.memref_slice %arg10[%dma_start3A_71, %dma_start3A_72, %dma_start3A_79] : memref<3x2x80xi32, #tpu.memory_space<vmem>> -> memref<1x1x80xi32, #tpu.memory_space<vmem>>
    %dma_start3A_81 = tpu.memref_squeeze %dma_start3A_80 : memref<1x1x80xi32, #tpu.memory_space<vmem>> -> memref<80xi32, #tpu.memory_space<vmem>>
    %dma_start3A_82 = arith.constant 0 : i32
    %dma_start3A_83 = arith.constant 0 : i32
    %dma_start3A_84 = tpu.memref_slice %arg4[%dma_start3A_82, %dma_start3A_83] : memref<10000x16xf32, #tpu.memory_space<hbm>> -> memref<10000x16xf32, #tpu.memory_space<hbm>>
    %dma_start3A_85 = tpu.memref_slice %arg20[%dma_start3A_74] : memref<2x!tpu.dma_semaphore, #tpu.memory_space<semaphore_mem>> -> memref<1x!tpu.dma_semaphore, #tpu.memory_space<semaphore_mem>>
    %dma_start3A_86 = tpu.memref_squeeze %dma_start3A_85 : memref<1x!tpu.dma_semaphore, #tpu.memory_space<semaphore_mem>> -> memref<!tpu.dma_semaphore, #tpu.memory_space<semaphore_mem>>
    tpu.enqueue_indirect_dma source(%dma_start3A_84 : memref<10000x16xf32, #tpu.memory_space<hbm>>) target(%dma_start3A_78 : memref<80x16xf32, #tpu.memory_space<vmem>>) offsets(%dma_start3A_81 : memref<80xi32, #tpu.memory_space<vmem>>) semaphore(%dma_start3A_86 : memref<!tpu.dma_semaphore, #tpu.memory_space<semaphore_mem>>)
    %dma_start3A_87 = arith.constant 0 : i32
    %dma_start3A_88 = arith.constant 1 : i32
    %dma_start3A_89 = arith.constant 0 : i32
    %dma_start3A_90 = arith.constant 0 : i32
    %dma_start3A_91 = arith.constant 0 : i32
    %dma_start3A_92 = arith.constant 0 : i32
    %dma_start3A_93 = tpu.memref_slice %arg12[%dma_start3A_89, %dma_start3A_91, %dma_start3A_92] : memref<2x80x16xf32, #tpu.memory_space<vmem>> -> memref<1x80x16xf32, #tpu.memory_space<vmem>>
    %dma_start3A_94 = tpu.memref_squeeze %dma_start3A_93 : memref<1x80x16xf32, #tpu.memory_space<vmem>> -> memref<80x16xf32, #tpu.memory_space<vmem>>
    %dma_start3A_95 = arith.constant 0 : i32
    %dma_start3A_96 = tpu.memref_slice %arg10[%dma_start3A_87, %dma_start3A_88, %dma_start3A_95] : memref<3x2x80xi32, #tpu.memory_space<vmem>> -> memref<1x1x80xi32, #tpu.memory_space<vmem>>
    %dma_start3A_97 = tpu.memref_squeeze %dma_start3A_96 : memref<1x1x80xi32, #tpu.memory_space<vmem>> -> memref<80xi32, #tpu.memory_space<vmem>>
    %dma_start3A_98 = arith.constant 0 : i32
    %dma_start3A_99 = arith.constant 0 : i32
    %dma_start3A_100 = tpu.memref_slice %arg5[%dma_start3A_98, %dma_start3A_99] : memref<10000x16xf32, #tpu.memory_space<hbm>> -> memref<10000x16xf32, #tpu.memory_space<hbm>>
    %dma_start3A_101 = tpu.memref_slice %arg20[%dma_start3A_90] : memref<2x!tpu.dma_semaphore, #tpu.memory_space<semaphore_mem>> -> memref<1x!tpu.dma_semaphore, #tpu.memory_space<semaphore_mem>>
    %dma_start3A_102 = tpu.memref_squeeze %dma_start3A_101 : memref<1x!tpu.dma_semaphore, #tpu.memory_space<semaphore_mem>> -> memref<!tpu.dma_semaphore, #tpu.memory_space<semaphore_mem>>
    tpu.enqueue_indirect_dma source(%dma_start3A_100 : memref<10000x16xf32, #tpu.memory_space<hbm>>) target(%dma_start3A_94 : memref<80x16xf32, #tpu.memory_space<vmem>>) offsets(%dma_start3A_97 : memref<80xi32, #tpu.memory_space<vmem>>) semaphore(%dma_start3A_102 : memref<!tpu.dma_semaphore, #tpu.memory_space<semaphore_mem>>)
    %broadcast_in_dim3A = arith.constant 0 : i32
    %broadcast_in_dim3A_103 = vector.broadcast %broadcast_in_dim3A : i32 to vector<16xi32>
    %iota3A = tpu.iota {dimensions = array<i32: 0>} : vector<16xi32>
    %scan3A_104 = arith.constant 0 : i32
    %scan3A_105 = arith.constant 125 : i32
    %scan3A_106 = arith.addi %scan3A_104, %scan3A_105 : i32
    %scan3A_107 = arith.constant 1 : i32
    scf.for %scan3A_146 = %scan3A_104 to %scan3A_106 step %scan3A_107  : i32 {
      %mul3A_147 = arith.constant 1 : i32
      %mul3A_148 = arith.muli %scan3A_146, %mul3A_147 : i32
      %add3A_149 = arith.constant 0 : i32
      %add3A_150 = arith.addi %add3A_149, %mul3A_148 : i32
      %rem3A_151 = arith.constant 2 : i32
      %rem3A_152 = arith.remsi %add3A_150, %rem3A_151 : i32
      %rem3A_153 = arith.constant 3 : i32
      %rem3A_154 = arith.remsi %add3A_150, %rem3A_153 : i32
      %gt3A = arith.constant 0 : i32
      %gt3A_155 = arith.cmpi sgt, %add3A_150, %gt3A : i32
      %convert_element_type3A_156 = arith.extui %gt3A_155 : i1 to i32
      %cond3A_157 = arith.constant 0 : i32
      %cond3A_158 = arith.cmpi ne, %convert_element_type3A_156, %cond3A_157 : i32
      scf.if %cond3A_158 {
        %add3A_375 = arith.constant 2 : i32
        %add3A_376 = arith.addi %add3A_150, %add3A_375 : i32
        %rem3A_377 = arith.constant 3 : i32
        %rem3A_378 = arith.remsi %add3A_376, %rem3A_377 : i32
        %sub3A_379 = arith.constant 1 : i32
        %sub3A_380 = arith.subi %sub3A_379, %rem3A_152 : i32
        %dma_wait3A_381 = arith.constant 1 : i32
        %dma_wait3A_382 = arith.constant 0 : i32
        %dma_wait3A_383 = arith.constant 0 : i32
        %dma_wait3A_384 = tpu.memref_slice %arg13[%sub3A_380, %dma_wait3A_382, %dma_wait3A_383] : memref<2x80x128xf32, #tpu.memory_space<vmem>> -> memref<1x80x128xf32, #tpu.memory_space<vmem>>
        %dma_wait3A_385 = tpu.memref_squeeze %dma_wait3A_384 : memref<1x80x128xf32, #tpu.memory_space<vmem>> -> memref<80x128xf32, #tpu.memory_space<vmem>>
        %dma_wait3A_386 = arith.constant 0 : i32
        %dma_wait3A_387 = tpu.memref_slice %arg10[%rem3A_378, %dma_wait3A_381, %dma_wait3A_386] : memref<3x2x80xi32, #tpu.memory_space<vmem>> -> memref<1x1x80xi32, #tpu.memory_space<vmem>>
        %dma_wait3A_388 = tpu.memref_squeeze %dma_wait3A_387 : memref<1x1x80xi32, #tpu.memory_space<vmem>> -> memref<80xi32, #tpu.memory_space<vmem>>
        %dma_wait3A_389 = arith.constant 0 : i32
        %dma_wait3A_390 = arith.constant 0 : i32
        %dma_wait3A_391 = tpu.memref_slice %arg16[%dma_wait3A_389, %dma_wait3A_390] : memref<10000x128xf32, #tpu.memory_space<vmem_shared>> -> memref<10000x128xf32, #tpu.memory_space<vmem_shared>>
        %dma_wait3A_392 = tpu.memref_slice %arg21[%sub3A_380] : memref<2x!tpu.dma_semaphore, #tpu.memory_space<semaphore_mem>> -> memref<1x!tpu.dma_semaphore, #tpu.memory_space<semaphore_mem>>
        %dma_wait3A_393 = tpu.memref_squeeze %dma_wait3A_392 : memref<1x!tpu.dma_semaphore, #tpu.memory_space<semaphore_mem>> -> memref<!tpu.dma_semaphore, #tpu.memory_space<semaphore_mem>>
        tpu.wait_indirect_dma semaphore(%dma_wait3A_393 : memref<!tpu.dma_semaphore, #tpu.memory_space<semaphore_mem>>) src(%dma_wait3A_385 : memref<80x128xf32, #tpu.memory_space<vmem>>) dst(%dma_wait3A_391 : memref<10000x128xf32, #tpu.memory_space<vmem_shared>>)
        %dma_wait3A_394 = arith.constant 1 : i32
        %dma_wait3A_395 = arith.constant 0 : i32
        %dma_wait3A_396 = arith.constant 0 : i32
        %dma_wait3A_397 = tpu.memref_slice %arg14[%sub3A_380, %dma_wait3A_395, %dma_wait3A_396] : memref<2x80x16xf32, #tpu.memory_space<vmem>> -> memref<1x80x16xf32, #tpu.memory_space<vmem>>
        %dma_wait3A_398 = tpu.memref_squeeze %dma_wait3A_397 : memref<1x80x16xf32, #tpu.memory_space<vmem>> -> memref<80x16xf32, #tpu.memory_space<vmem>>
        %dma_wait3A_399 = arith.constant 0 : i32
        %dma_wait3A_400 = tpu.memref_slice %arg10[%rem3A_378, %dma_wait3A_394, %dma_wait3A_399] : memref<3x2x80xi32, #tpu.memory_space<vmem>> -> memref<1x1x80xi32, #tpu.memory_space<vmem>>
        %dma_wait3A_401 = tpu.memref_squeeze %dma_wait3A_400 : memref<1x1x80xi32, #tpu.memory_space<vmem>> -> memref<80xi32, #tpu.memory_space<vmem>>
        %dma_wait3A_402 = arith.constant 0 : i32
        %dma_wait3A_403 = arith.constant 0 : i32
        %dma_wait3A_404 = tpu.memref_slice %arg17[%dma_wait3A_402, %dma_wait3A_403] : memref<10000x16xf32, #tpu.memory_space<vmem_shared>> -> memref<10000x16xf32, #tpu.memory_space<vmem_shared>>
        %dma_wait3A_405 = tpu.memref_slice %arg21[%sub3A_380] : memref<2x!tpu.dma_semaphore, #tpu.memory_space<semaphore_mem>> -> memref<1x!tpu.dma_semaphore, #tpu.memory_space<semaphore_mem>>
        %dma_wait3A_406 = tpu.memref_squeeze %dma_wait3A_405 : memref<1x!tpu.dma_semaphore, #tpu.memory_space<semaphore_mem>> -> memref<!tpu.dma_semaphore, #tpu.memory_space<semaphore_mem>>
        tpu.wait_indirect_dma semaphore(%dma_wait3A_406 : memref<!tpu.dma_semaphore, #tpu.memory_space<semaphore_mem>>) src(%dma_wait3A_398 : memref<80x16xf32, #tpu.memory_space<vmem>>) dst(%dma_wait3A_404 : memref<10000x16xf32, #tpu.memory_space<vmem_shared>>)
      } else {
      }
      %lt3A_159 = arith.constant 124 : i32
      %lt3A_160 = arith.cmpi slt, %add3A_150, %lt3A_159 : i32
      %convert_element_type3A_161 = arith.extui %lt3A_160 : i1 to i32
      %cond3A_162 = arith.constant 0 : i32
      %cond3A_163 = arith.cmpi ne, %convert_element_type3A_161, %cond3A_162 : i32
      scf.if %cond3A_163 {
        %add3A_375 = arith.constant 1 : i32
        %add3A_376 = arith.addi %add3A_150, %add3A_375 : i32
        %rem3A_377 = arith.constant 3 : i32
        %rem3A_378 = arith.remsi %add3A_376, %rem3A_377 : i32
        %dma_wait3A_379 = arith.constant 0 : i32
        %dma_wait3A_380 = arith.constant 0 : i32
        %dma_wait3A_381 = tpu.memref_slice %arg10[%rem3A_378, %dma_wait3A_379, %dma_wait3A_380] : memref<3x2x80xi32, #tpu.memory_space<vmem>> -> memref<1x2x80xi32, #tpu.memory_space<vmem>>
        %dma_wait3A_382 = tpu.memref_squeeze %dma_wait3A_381 : memref<1x2x80xi32, #tpu.memory_space<vmem>> -> memref<2x80xi32, #tpu.memory_space<vmem>>
        %dma_wait3A_383 = arith.constant 0 : i32
        %dma_wait3A_384 = arith.constant 0 : i32
        %dma_wait3A_385 = tpu.memref_slice %arg3[%dma_wait3A_383, %dma_wait3A_384] : memref<2x320000xi32, #tpu.memory_space<hbm>> -> memref<2x80xi32, #tpu.memory_space<hbm>>
        %dma_wait3A_386 = arith.constant 0 : i32
        %dma_wait3A_387 = arith.constant 0 : i32
        %dma_wait3A_388 = tpu.memref_slice %arg10[%rem3A_378, %dma_wait3A_386, %dma_wait3A_387] : memref<3x2x80xi32, #tpu.memory_space<vmem>> -> memref<1x2x80xi32, #tpu.memory_space<vmem>>
        %dma_wait3A_389 = tpu.memref_squeeze %dma_wait3A_388 : memref<1x2x80xi32, #tpu.memory_space<vmem>> -> memref<2x80xi32, #tpu.memory_space<vmem>>
        %dma_wait3A_390 = arith.constant 0 : i32
        %dma_wait3A_391 = arith.constant 0 : i32
        %dma_wait3A_392 = tpu.memref_slice %arg3[%dma_wait3A_390, %dma_wait3A_391] : memref<2x320000xi32, #tpu.memory_space<hbm>> -> memref<2x80xi32, #tpu.memory_space<hbm>>
        tpu.wait_dma2 semaphore(%arg18 : memref<!tpu.dma_semaphore, #tpu.memory_space<semaphore_mem>>) src(%dma_wait3A_392 : memref<2x80xi32, #tpu.memory_space<hbm>>) dst(%dma_wait3A_389 : memref<2x80xi32, #tpu.memory_space<vmem>>)
        %add3A_393 = arith.constant 1 : i32
        %add3A_394 = arith.addi %add3A_150, %add3A_393 : i32
        %rem3A_395 = arith.constant 3 : i32
        %rem3A_396 = arith.remsi %add3A_394, %rem3A_395 : i32
        %sub3A_397 = arith.constant 1 : i32
        %sub3A_398 = arith.subi %sub3A_397, %rem3A_152 : i32
        %dma_start3A_399 = arith.constant 0 : i32
        %dma_start3A_400 = arith.constant 0 : i32
        %dma_start3A_401 = arith.constant 0 : i32
        %dma_start3A_402 = tpu.memref_slice %arg13[%sub3A_398, %dma_start3A_400, %dma_start3A_401] : memref<2x80x128xf32, #tpu.memory_space<vmem>> -> memref<1x80x128xf32, #tpu.memory_space<vmem>>
        %dma_start3A_403 = tpu.memref_squeeze %dma_start3A_402 : memref<1x80x128xf32, #tpu.memory_space<vmem>> -> memref<80x128xf32, #tpu.memory_space<vmem>>
        %dma_start3A_404 = arith.constant 0 : i32
        %dma_start3A_405 = tpu.memref_slice %arg10[%rem3A_396, %dma_start3A_399, %dma_start3A_404] : memref<3x2x80xi32, #tpu.memory_space<vmem>> -> memref<1x1x80xi32, #tpu.memory_space<vmem>>
        %dma_start3A_406 = tpu.memref_squeeze %dma_start3A_405 : memref<1x1x80xi32, #tpu.memory_space<vmem>> -> memref<80xi32, #tpu.memory_space<vmem>>
        %dma_start3A_407 = arith.constant 0 : i32
        %dma_start3A_408 = arith.constant 0 : i32
        %dma_start3A_409 = tpu.memref_slice %arg2[%dma_start3A_407, %dma_start3A_408] : memref<10000x128xf32, #tpu.memory_space<hbm>> -> memref<10000x128xf32, #tpu.memory_space<hbm>>
        %dma_start3A_410 = tpu.memref_slice %arg19[%sub3A_398] : memref<2x!tpu.dma_semaphore, #tpu.memory_space<semaphore_mem>> -> memref<1x!tpu.dma_semaphore, #tpu.memory_space<semaphore_mem>>
        %dma_start3A_411 = tpu.memref_squeeze %dma_start3A_410 : memref<1x!tpu.dma_semaphore, #tpu.memory_space<semaphore_mem>> -> memref<!tpu.dma_semaphore, #tpu.memory_space<semaphore_mem>>
        tpu.enqueue_indirect_dma source(%dma_start3A_409 : memref<10000x128xf32, #tpu.memory_space<hbm>>) target(%dma_start3A_403 : memref<80x128xf32, #tpu.memory_space<vmem>>) offsets(%dma_start3A_406 : memref<80xi32, #tpu.memory_space<vmem>>) semaphore(%dma_start3A_411 : memref<!tpu.dma_semaphore, #tpu.memory_space<semaphore_mem>>)
        %dma_start3A_412 = arith.constant 0 : i32
        %dma_start3A_413 = arith.constant 0 : i32
        %dma_start3A_414 = arith.constant 0 : i32
        %dma_start3A_415 = tpu.memref_slice %arg11[%sub3A_398, %dma_start3A_413, %dma_start3A_414] : memref<2x80x16xf32, #tpu.memory_space<vmem>> -> memref<1x80x16xf32, #tpu.memory_space<vmem>>
        %dma_start3A_416 = tpu.memref_squeeze %dma_start3A_415 : memref<1x80x16xf32, #tpu.memory_space<vmem>> -> memref<80x16xf32, #tpu.memory_space<vmem>>
        %dma_start3A_417 = arith.constant 0 : i32
        %dma_start3A_418 = tpu.memref_slice %arg10[%rem3A_396, %dma_start3A_412, %dma_start3A_417] : memref<3x2x80xi32, #tpu.memory_space<vmem>> -> memref<1x1x80xi32, #tpu.memory_space<vmem>>
        %dma_start3A_419 = tpu.memref_squeeze %dma_start3A_418 : memref<1x1x80xi32, #tpu.memory_space<vmem>> -> memref<80xi32, #tpu.memory_space<vmem>>
        %dma_start3A_420 = arith.constant 0 : i32
        %dma_start3A_421 = arith.constant 0 : i32
        %dma_start3A_422 = tpu.memref_slice %arg4[%dma_start3A_420, %dma_start3A_421] : memref<10000x16xf32, #tpu.memory_space<hbm>> -> memref<10000x16xf32, #tpu.memory_space<hbm>>
        %dma_start3A_423 = tpu.memref_slice %arg20[%sub3A_398] : memref<2x!tpu.dma_semaphore, #tpu.memory_space<semaphore_mem>> -> memref<1x!tpu.dma_semaphore, #tpu.memory_space<semaphore_mem>>
        %dma_start3A_424 = tpu.memref_squeeze %dma_start3A_423 : memref<1x!tpu.dma_semaphore, #tpu.memory_space<semaphore_mem>> -> memref<!tpu.dma_semaphore, #tpu.memory_space<semaphore_mem>>
        tpu.enqueue_indirect_dma source(%dma_start3A_422 : memref<10000x16xf32, #tpu.memory_space<hbm>>) target(%dma_start3A_416 : memref<80x16xf32, #tpu.memory_space<vmem>>) offsets(%dma_start3A_419 : memref<80xi32, #tpu.memory_space<vmem>>) semaphore(%dma_start3A_424 : memref<!tpu.dma_semaphore, #tpu.memory_space<semaphore_mem>>)
        %dma_start3A_425 = arith.constant 1 : i32
        %dma_start3A_426 = arith.constant 0 : i32
        %dma_start3A_427 = arith.constant 0 : i32
        %dma_start3A_428 = tpu.memref_slice %arg12[%sub3A_398, %dma_start3A_426, %dma_start3A_427] : memref<2x80x16xf32, #tpu.memory_space<vmem>> -> memref<1x80x16xf32, #tpu.memory_space<vmem>>
        %dma_start3A_429 = tpu.memref_squeeze %dma_start3A_428 : memref<1x80x16xf32, #tpu.memory_space<vmem>> -> memref<80x16xf32, #tpu.memory_space<vmem>>
        %dma_start3A_430 = arith.constant 0 : i32
        %dma_start3A_431 = tpu.memref_slice %arg10[%rem3A_396, %dma_start3A_425, %dma_start3A_430] : memref<3x2x80xi32, #tpu.memory_space<vmem>> -> memref<1x1x80xi32, #tpu.memory_space<vmem>>
        %dma_start3A_432 = tpu.memref_squeeze %dma_start3A_431 : memref<1x1x80xi32, #tpu.memory_space<vmem>> -> memref<80xi32, #tpu.memory_space<vmem>>
        %dma_start3A_433 = arith.constant 0 : i32
        %dma_start3A_434 = arith.constant 0 : i32
        %dma_start3A_435 = tpu.memref_slice %arg5[%dma_start3A_433, %dma_start3A_434] : memref<10000x16xf32, #tpu.memory_space<hbm>> -> memref<10000x16xf32, #tpu.memory_space<hbm>>
        %dma_start3A_436 = tpu.memref_slice %arg20[%sub3A_398] : memref<2x!tpu.dma_semaphore, #tpu.memory_space<semaphore_mem>> -> memref<1x!tpu.dma_semaphore, #tpu.memory_space<semaphore_mem>>
        %dma_start3A_437 = tpu.memref_squeeze %dma_start3A_436 : memref<1x!tpu.dma_semaphore, #tpu.memory_space<semaphore_mem>> -> memref<!tpu.dma_semaphore, #tpu.memory_space<semaphore_mem>>
        tpu.enqueue_indirect_dma source(%dma_start3A_435 : memref<10000x16xf32, #tpu.memory_space<hbm>>) target(%dma_start3A_429 : memref<80x16xf32, #tpu.memory_space<vmem>>) offsets(%dma_start3A_432 : memref<80xi32, #tpu.memory_space<vmem>>) semaphore(%dma_start3A_437 : memref<!tpu.dma_semaphore, #tpu.memory_space<semaphore_mem>>)
      } else {
      }
      %lt3A_164 = arith.constant 123 : i32
      %lt3A_165 = arith.cmpi slt, %add3A_150, %lt3A_164 : i32
      %convert_element_type3A_166 = arith.extui %lt3A_165 : i1 to i32
      %cond3A_167 = arith.constant 0 : i32
      %cond3A_168 = arith.cmpi ne, %convert_element_type3A_166, %cond3A_167 : i32
      scf.if %cond3A_168 {
        %add3A_375 = arith.constant 2 : i32
        %add3A_376 = arith.addi %add3A_150, %add3A_375 : i32
        %add3A_377 = arith.constant 2 : i32
        %add3A_378 = arith.addi %add3A_150, %add3A_377 : i32
        %rem3A_379 = arith.constant 3 : i32
        %rem3A_380 = arith.remsi %add3A_378, %rem3A_379 : i32
        %mul3A_381 = arith.constant 80 : i32
        %mul3A_382 = arith.muli %add3A_376, %mul3A_381 : i32
        %add3A_383 = arith.addi %mul3A_11, %mul3A_382 : i32
        %dma_start3A_384 = arith.constant 0 : i32
        %dma_start3A_385 = arith.constant 0 : i32
        %dma_start3A_386 = tpu.memref_slice %arg10[%rem3A_380, %dma_start3A_384, %dma_start3A_385] : memref<3x2x80xi32, #tpu.memory_space<vmem>> -> memref<1x2x80xi32, #tpu.memory_space<vmem>>
        %dma_start3A_387 = tpu.memref_squeeze %dma_start3A_386 : memref<1x2x80xi32, #tpu.memory_space<vmem>> -> memref<2x80xi32, #tpu.memory_space<vmem>>
        %dma_start3A_388 = arith.constant 0 : i32
        %dma_start3A_389 = tpu.memref_slice %arg3[%dma_start3A_388, %add3A_383] : memref<2x320000xi32, #tpu.memory_space<hbm>> -> memref<2x80xi32, #tpu.memory_space<hbm>>
        %dma_start3A_390 = arith.constant 0 : i32
        %dma_start3A_391 = arith.constant 0 : i32
        %dma_start3A_392 = tpu.memref_slice %arg10[%rem3A_380, %dma_start3A_390, %dma_start3A_391] : memref<3x2x80xi32, #tpu.memory_space<vmem>> -> memref<1x2x80xi32, #tpu.memory_space<vmem>>
        %dma_start3A_393 = tpu.memref_squeeze %dma_start3A_392 : memref<1x2x80xi32, #tpu.memory_space<vmem>> -> memref<2x80xi32, #tpu.memory_space<vmem>>
        %dma_start3A_394 = arith.constant 0 : i32
        %dma_start3A_395 = tpu.memref_slice %arg3[%dma_start3A_394, %add3A_383] : memref<2x320000xi32, #tpu.memory_space<hbm>> -> memref<2x80xi32, #tpu.memory_space<hbm>>
        tpu.enqueue_dma source(%dma_start3A_395 : memref<2x80xi32, #tpu.memory_space<hbm>>) target(%dma_start3A_393 : memref<2x80xi32, #tpu.memory_space<vmem>>) target_semaphore(%arg18 : memref<!tpu.dma_semaphore, #tpu.memory_space<semaphore_mem>>)
      } else {
      }
      %dma_wait3A_169 = arith.constant 0 : i32
      %dma_wait3A_170 = arith.constant 0 : i32
      %dma_wait3A_171 = arith.constant 0 : i32
      %dma_wait3A_172 = tpu.memref_slice %arg11[%rem3A_152, %dma_wait3A_170, %dma_wait3A_171] : memref<2x80x16xf32, #tpu.memory_space<vmem>> -> memref<1x80x16xf32, #tpu.memory_space<vmem>>
      %dma_wait3A_173 = tpu.memref_squeeze %dma_wait3A_172 : memref<1x80x16xf32, #tpu.memory_space<vmem>> -> memref<80x16xf32, #tpu.memory_space<vmem>>
      %dma_wait3A_174 = arith.constant 0 : i32
      %dma_wait3A_175 = tpu.memref_slice %arg10[%rem3A_154, %dma_wait3A_169, %dma_wait3A_174] : memref<3x2x80xi32, #tpu.memory_space<vmem>> -> memref<1x1x80xi32, #tpu.memory_space<vmem>>
      %dma_wait3A_176 = tpu.memref_squeeze %dma_wait3A_175 : memref<1x1x80xi32, #tpu.memory_space<vmem>> -> memref<80xi32, #tpu.memory_space<vmem>>
      %dma_wait3A_177 = arith.constant 0 : i32
      %dma_wait3A_178 = arith.constant 0 : i32
      %dma_wait3A_179 = tpu.memref_slice %arg4[%dma_wait3A_177, %dma_wait3A_178] : memref<10000x16xf32, #tpu.memory_space<hbm>> -> memref<10000x16xf32, #tpu.memory_space<hbm>>
      %dma_wait3A_180 = tpu.memref_slice %arg20[%rem3A_152] : memref<2x!tpu.dma_semaphore, #tpu.memory_space<semaphore_mem>> -> memref<1x!tpu.dma_semaphore, #tpu.memory_space<semaphore_mem>>
      %dma_wait3A_181 = tpu.memref_squeeze %dma_wait3A_180 : memref<1x!tpu.dma_semaphore, #tpu.memory_space<semaphore_mem>> -> memref<!tpu.dma_semaphore, #tpu.memory_space<semaphore_mem>>
      tpu.wait_indirect_dma semaphore(%dma_wait3A_181 : memref<!tpu.dma_semaphore, #tpu.memory_space<semaphore_mem>>) src(%dma_wait3A_179 : memref<10000x16xf32, #tpu.memory_space<hbm>>) dst(%dma_wait3A_173 : memref<80x16xf32, #tpu.memory_space<vmem>>)
      %dma_wait3A_182 = arith.constant 1 : i32
      %dma_wait3A_183 = arith.constant 0 : i32
      %dma_wait3A_184 = arith.constant 0 : i32
      %dma_wait3A_185 = tpu.memref_slice %arg12[%rem3A_152, %dma_wait3A_183, %dma_wait3A_184] : memref<2x80x16xf32, #tpu.memory_space<vmem>> -> memref<1x80x16xf32, #tpu.memory_space<vmem>>
      %dma_wait3A_186 = tpu.memref_squeeze %dma_wait3A_185 : memref<1x80x16xf32, #tpu.memory_space<vmem>> -> memref<80x16xf32, #tpu.memory_space<vmem>>
      %dma_wait3A_187 = arith.constant 0 : i32
      %dma_wait3A_188 = tpu.memref_slice %arg10[%rem3A_154, %dma_wait3A_182, %dma_wait3A_187] : memref<3x2x80xi32, #tpu.memory_space<vmem>> -> memref<1x1x80xi32, #tpu.memory_space<vmem>>
      %dma_wait3A_189 = tpu.memref_squeeze %dma_wait3A_188 : memref<1x1x80xi32, #tpu.memory_space<vmem>> -> memref<80xi32, #tpu.memory_space<vmem>>
      %dma_wait3A_190 = arith.constant 0 : i32
      %dma_wait3A_191 = arith.constant 0 : i32
      %dma_wait3A_192 = tpu.memref_slice %arg5[%dma_wait3A_190, %dma_wait3A_191] : memref<10000x16xf32, #tpu.memory_space<hbm>> -> memref<10000x16xf32, #tpu.memory_space<hbm>>
      %dma_wait3A_193 = tpu.memref_slice %arg20[%rem3A_152] : memref<2x!tpu.dma_semaphore, #tpu.memory_space<semaphore_mem>> -> memref<1x!tpu.dma_semaphore, #tpu.memory_space<semaphore_mem>>
      %dma_wait3A_194 = tpu.memref_squeeze %dma_wait3A_193 : memref<1x!tpu.dma_semaphore, #tpu.memory_space<semaphore_mem>> -> memref<!tpu.dma_semaphore, #tpu.memory_space<semaphore_mem>>
      tpu.wait_indirect_dma semaphore(%dma_wait3A_194 : memref<!tpu.dma_semaphore, #tpu.memory_space<semaphore_mem>>) src(%dma_wait3A_192 : memref<10000x16xf32, #tpu.memory_space<hbm>>) dst(%dma_wait3A_186 : memref<80x16xf32, #tpu.memory_space<vmem>>)
      %add3A_195 = arith.constant 0 : i32
      %add3A_196 = vector.broadcast %add3A_195 : i32 to vector<16xi32>
      %add3A_197 = arith.addi %iota3A, %add3A_196 : vector<16xi32>
      %gather3A = arith.constant 0 : i32
      %gather3A_198 = arith.constant 0 : i32
      %gather3A_199 = tpu.memref_slice %arg11[%rem3A_152, %gather3A, %gather3A_198] : memref<2x80x16xf32, #tpu.memory_space<vmem>> -> memref<1x80x16xf32, #tpu.memory_space<vmem>>
      %gather3A_200 = tpu.memref_squeeze %gather3A_199 : memref<1x80x16xf32, #tpu.memory_space<vmem>> -> memref<80x16xf32, #tpu.memory_space<vmem>>
      %gather3A_201 = tpu.vector_load_idx %gather3A_200[%add3A_197, %broadcast_in_dim3A_103] : memref<80x16xf32, #tpu.memory_space<vmem>>[vector<16xi32>, vector<16xi32>], vector<16xf32>,
      %gather3A_202 = arith.constant 0 : i32
      %gather3A_203 = arith.constant 0 : i32
      %gather3A_204 = tpu.memref_slice %arg12[%rem3A_152, %gather3A_202, %gather3A_203] : memref<2x80x16xf32, #tpu.memory_space<vmem>> -> memref<1x80x16xf32, #tpu.memory_space<vmem>>
      %gather3A_205 = tpu.memref_squeeze %gather3A_204 : memref<1x80x16xf32, #tpu.memory_space<vmem>> -> memref<80x16xf32, #tpu.memory_space<vmem>>
      %gather3A_206 = tpu.vector_load_idx %gather3A_205[%add3A_197, %broadcast_in_dim3A_103] : memref<80x16xf32, #tpu.memory_space<vmem>>[vector<16xi32>, vector<16xi32>], vector<16xf32>,
      %add3A_207 = arith.addf %gather3A_201, %gather3A_206 : vector<16xf32>
      %gt3A_208 = arith.constant 0.000000e+00 : f32
      %gt3A_209 = vector.broadcast %gt3A_208 : f32 to vector<16xf32>
      %gt3A_210 = arith.cmpf ogt, %add3A_207, %gt3A_209 : vector<16xf32>
      %mul3A_211 = arith.constant 2.000000e-01 : f32
      %mul3A_212 = vector.broadcast %mul3A_211 : f32 to vector<16xf32>
      %mul3A_213 = arith.mulf %add3A_207, %mul3A_212 : vector<16xf32>
      %select_n3A = arith.select %gt3A_210, %add3A_207, %mul3A_213 : vector<16xi1>, vector<16xf32>
      %sub3A = arith.subf %select_n3A, %get3A_9 : vector<16xf32>
      %exp3A = math.exp %sub3A : vector<16xf32>
      %swap3A = arith.constant 0 : index
      %swap3A_214 = tpu.vector_load %arg15[%swap3A] {strides = array<i32>} : memref<80xf32, #tpu.memory_space<vmem>>, vector<16xf32>,
      tpu.vector_store %arg15[%swap3A], %exp3A {strides = array<i32>} : memref<80xf32, #tpu.memory_space<vmem>>, vector<16xf32>,
      %scatter3A = arith.constant 0 : i32
      %scatter3A_215 = arith.constant 0 : i32
      %scatter3A_216 = tpu.memref_slice %arg14[%rem3A_152, %scatter3A, %scatter3A_215] : memref<2x80x16xf32, #tpu.memory_space<vmem>> -> memref<1x80x16xf32, #tpu.memory_space<vmem>>
      %scatter3A_217 = tpu.memref_squeeze %scatter3A_216 : memref<1x80x16xf32, #tpu.memory_space<vmem>> -> memref<80x16xf32, #tpu.memory_space<vmem>>
      tpu.vector_store_idx %scatter3A_217[%add3A_197, %broadcast_in_dim3A_103], %exp3A : memref<80x16xf32, #tpu.memory_space<vmem>>[vector<16xi32>, vector<16xi32>], vector<16xf32>,
      %add3A_218 = arith.constant 16 : i32
      %add3A_219 = vector.broadcast %add3A_218 : i32 to vector<16xi32>
      %add3A_220 = arith.addi %iota3A, %add3A_219 : vector<16xi32>
      %gather3A_221 = arith.constant 0 : i32
      %gather3A_222 = arith.constant 0 : i32
      %gather3A_223 = tpu.memref_slice %arg11[%rem3A_152, %gather3A_221, %gather3A_222] : memref<2x80x16xf32, #tpu.memory_space<vmem>> -> memref<1x80x16xf32, #tpu.memory_space<vmem>>
      %gather3A_224 = tpu.memref_squeeze %gather3A_223 : memref<1x80x16xf32, #tpu.memory_space<vmem>> -> memref<80x16xf32, #tpu.memory_space<vmem>>
      %gather3A_225 = tpu.vector_load_idx %gather3A_224[%add3A_220, %broadcast_in_dim3A_103] : memref<80x16xf32, #tpu.memory_space<vmem>>[vector<16xi32>, vector<16xi32>], vector<16xf32>,
      %gather3A_226 = arith.constant 0 : i32
      %gather3A_227 = arith.constant 0 : i32
      %gather3A_228 = tpu.memref_slice %arg12[%rem3A_152, %gather3A_226, %gather3A_227] : memref<2x80x16xf32, #tpu.memory_space<vmem>> -> memref<1x80x16xf32, #tpu.memory_space<vmem>>
      %gather3A_229 = tpu.memref_squeeze %gather3A_228 : memref<1x80x16xf32, #tpu.memory_space<vmem>> -> memref<80x16xf32, #tpu.memory_space<vmem>>
      %gather3A_230 = tpu.vector_load_idx %gather3A_229[%add3A_220, %broadcast_in_dim3A_103] : memref<80x16xf32, #tpu.memory_space<vmem>>[vector<16xi32>, vector<16xi32>], vector<16xf32>,
      %add3A_231 = arith.addf %gather3A_225, %gather3A_230 : vector<16xf32>
      %gt3A_232 = arith.constant 0.000000e+00 : f32
      %gt3A_233 = vector.broadcast %gt3A_232 : f32 to vector<16xf32>
      %gt3A_234 = arith.cmpf ogt, %add3A_231, %gt3A_233 : vector<16xf32>
      %mul3A_235 = arith.constant 2.000000e-01 : f32
      %mul3A_236 = vector.broadcast %mul3A_235 : f32 to vector<16xf32>
      %mul3A_237 = arith.mulf %add3A_231, %mul3A_236 : vector<16xf32>
      %select_n3A_238 = arith.select %gt3A_234, %add3A_231, %mul3A_237 : vector<16xi1>, vector<16xf32>
      %sub3A_239 = arith.subf %select_n3A_238, %get3A_9 : vector<16xf32>
      %exp3A_240 = math.exp %sub3A_239 : vector<16xf32>
      %swap3A_241 = arith.constant 16 : index
      %swap3A_242 = tpu.vector_load %arg15[%swap3A_241] {strides = array<i32>} : memref<80xf32, #tpu.memory_space<vmem>>, vector<16xf32>,
      tpu.vector_store %arg15[%swap3A_241], %exp3A_240 {strides = array<i32>} : memref<80xf32, #tpu.memory_space<vmem>>, vector<16xf32>,
      %scatter3A_243 = arith.constant 0 : i32
      %scatter3A_244 = arith.constant 0 : i32
      %scatter3A_245 = tpu.memref_slice %arg14[%rem3A_152, %scatter3A_243, %scatter3A_244] : memref<2x80x16xf32, #tpu.memory_space<vmem>> -> memref<1x80x16xf32, #tpu.memory_space<vmem>>
      %scatter3A_246 = tpu.memref_squeeze %scatter3A_245 : memref<1x80x16xf32, #tpu.memory_space<vmem>> -> memref<80x16xf32, #tpu.memory_space<vmem>>
      tpu.vector_store_idx %scatter3A_246[%add3A_220, %broadcast_in_dim3A_103], %exp3A_240 : memref<80x16xf32, #tpu.memory_space<vmem>>[vector<16xi32>, vector<16xi32>], vector<16xf32>,
      %add3A_247 = arith.constant 32 : i32
      %add3A_248 = vector.broadcast %add3A_247 : i32 to vector<16xi32>
      %add3A_249 = arith.addi %iota3A, %add3A_248 : vector<16xi32>
      %gather3A_250 = arith.constant 0 : i32
      %gather3A_251 = arith.constant 0 : i32
      %gather3A_252 = tpu.memref_slice %arg11[%rem3A_152, %gather3A_250, %gather3A_251] : memref<2x80x16xf32, #tpu.memory_space<vmem>> -> memref<1x80x16xf32, #tpu.memory_space<vmem>>
      %gather3A_253 = tpu.memref_squeeze %gather3A_252 : memref<1x80x16xf32, #tpu.memory_space<vmem>> -> memref<80x16xf32, #tpu.memory_space<vmem>>
      %gather3A_254 = tpu.vector_load_idx %gather3A_253[%add3A_249, %broadcast_in_dim3A_103] : memref<80x16xf32, #tpu.memory_space<vmem>>[vector<16xi32>, vector<16xi32>], vector<16xf32>,
      %gather3A_255 = arith.constant 0 : i32
      %gather3A_256 = arith.constant 0 : i32
      %gather3A_257 = tpu.memref_slice %arg12[%rem3A_152, %gather3A_255, %gather3A_256] : memref<2x80x16xf32, #tpu.memory_space<vmem>> -> memref<1x80x16xf32, #tpu.memory_space<vmem>>
      %gather3A_258 = tpu.memref_squeeze %gather3A_257 : memref<1x80x16xf32, #tpu.memory_space<vmem>> -> memref<80x16xf32, #tpu.memory_space<vmem>>
      %gather3A_259 = tpu.vector_load_idx %gather3A_258[%add3A_249, %broadcast_in_dim3A_103] : memref<80x16xf32, #tpu.memory_space<vmem>>[vector<16xi32>, vector<16xi32>], vector<16xf32>,
      %add3A_260 = arith.addf %gather3A_254, %gather3A_259 : vector<16xf32>
      %gt3A_261 = arith.constant 0.000000e+00 : f32
      %gt3A_262 = vector.broadcast %gt3A_261 : f32 to vector<16xf32>
      %gt3A_263 = arith.cmpf ogt, %add3A_260, %gt3A_262 : vector<16xf32>
      %mul3A_264 = arith.constant 2.000000e-01 : f32
      %mul3A_265 = vector.broadcast %mul3A_264 : f32 to vector<16xf32>
      %mul3A_266 = arith.mulf %add3A_260, %mul3A_265 : vector<16xf32>
      %select_n3A_267 = arith.select %gt3A_263, %add3A_260, %mul3A_266 : vector<16xi1>, vector<16xf32>
      %sub3A_268 = arith.subf %select_n3A_267, %get3A_9 : vector<16xf32>
      %exp3A_269 = math.exp %sub3A_268 : vector<16xf32>
      %swap3A_270 = arith.constant 32 : index
      %swap3A_271 = tpu.vector_load %arg15[%swap3A_270] {strides = array<i32>} : memref<80xf32, #tpu.memory_space<vmem>>, vector<16xf32>,
      tpu.vector_store %arg15[%swap3A_270], %exp3A_269 {strides = array<i32>} : memref<80xf32, #tpu.memory_space<vmem>>, vector<16xf32>,
      %scatter3A_272 = arith.constant 0 : i32
      %scatter3A_273 = arith.constant 0 : i32
      %scatter3A_274 = tpu.memref_slice %arg14[%rem3A_152, %scatter3A_272, %scatter3A_273] : memref<2x80x16xf32, #tpu.memory_space<vmem>> -> memref<1x80x16xf32, #tpu.memory_space<vmem>>
      %scatter3A_275 = tpu.memref_squeeze %scatter3A_274 : memref<1x80x16xf32, #tpu.memory_space<vmem>> -> memref<80x16xf32, #tpu.memory_space<vmem>>
      tpu.vector_store_idx %scatter3A_275[%add3A_249, %broadcast_in_dim3A_103], %exp3A_269 : memref<80x16xf32, #tpu.memory_space<vmem>>[vector<16xi32>, vector<16xi32>], vector<16xf32>,
      %add3A_276 = arith.constant 48 : i32
      %add3A_277 = vector.broadcast %add3A_276 : i32 to vector<16xi32>
      %add3A_278 = arith.addi %iota3A, %add3A_277 : vector<16xi32>
      %gather3A_279 = arith.constant 0 : i32
      %gather3A_280 = arith.constant 0 : i32
      %gather3A_281 = tpu.memref_slice %arg11[%rem3A_152, %gather3A_279, %gather3A_280] : memref<2x80x16xf32, #tpu.memory_space<vmem>> -> memref<1x80x16xf32, #tpu.memory_space<vmem>>
      %gather3A_282 = tpu.memref_squeeze %gather3A_281 : memref<1x80x16xf32, #tpu.memory_space<vmem>> -> memref<80x16xf32, #tpu.memory_space<vmem>>
      %gather3A_283 = tpu.vector_load_idx %gather3A_282[%add3A_278, %broadcast_in_dim3A_103] : memref<80x16xf32, #tpu.memory_space<vmem>>[vector<16xi32>, vector<16xi32>], vector<16xf32>,
      %gather3A_284 = arith.constant 0 : i32
      %gather3A_285 = arith.constant 0 : i32
      %gather3A_286 = tpu.memref_slice %arg12[%rem3A_152, %gather3A_284, %gather3A_285] : memref<2x80x16xf32, #tpu.memory_space<vmem>> -> memref<1x80x16xf32, #tpu.memory_space<vmem>>
      %gather3A_287 = tpu.memref_squeeze %gather3A_286 : memref<1x80x16xf32, #tpu.memory_space<vmem>> -> memref<80x16xf32, #tpu.memory_space<vmem>>
      %gather3A_288 = tpu.vector_load_idx %gather3A_287[%add3A_278, %broadcast_in_dim3A_103] : memref<80x16xf32, #tpu.memory_space<vmem>>[vector<16xi32>, vector<16xi32>], vector<16xf32>,
      %add3A_289 = arith.addf %gather3A_283, %gather3A_288 : vector<16xf32>
      %gt3A_290 = arith.constant 0.000000e+00 : f32
      %gt3A_291 = vector.broadcast %gt3A_290 : f32 to vector<16xf32>
      %gt3A_292 = arith.cmpf ogt, %add3A_289, %gt3A_291 : vector<16xf32>
      %mul3A_293 = arith.constant 2.000000e-01 : f32
      %mul3A_294 = vector.broadcast %mul3A_293 : f32 to vector<16xf32>
      %mul3A_295 = arith.mulf %add3A_289, %mul3A_294 : vector<16xf32>
      %select_n3A_296 = arith.select %gt3A_292, %add3A_289, %mul3A_295 : vector<16xi1>, vector<16xf32>
      %sub3A_297 = arith.subf %select_n3A_296, %get3A_9 : vector<16xf32>
      %exp3A_298 = math.exp %sub3A_297 : vector<16xf32>
      %swap3A_299 = arith.constant 48 : index
      %swap3A_300 = tpu.vector_load %arg15[%swap3A_299] {strides = array<i32>} : memref<80xf32, #tpu.memory_space<vmem>>, vector<16xf32>,
      tpu.vector_store %arg15[%swap3A_299], %exp3A_298 {strides = array<i32>} : memref<80xf32, #tpu.memory_space<vmem>>, vector<16xf32>,
      %scatter3A_301 = arith.constant 0 : i32
      %scatter3A_302 = arith.constant 0 : i32
      %scatter3A_303 = tpu.memref_slice %arg14[%rem3A_152, %scatter3A_301, %scatter3A_302] : memref<2x80x16xf32, #tpu.memory_space<vmem>> -> memref<1x80x16xf32, #tpu.memory_space<vmem>>
      %scatter3A_304 = tpu.memref_squeeze %scatter3A_303 : memref<1x80x16xf32, #tpu.memory_space<vmem>> -> memref<80x16xf32, #tpu.memory_space<vmem>>
      tpu.vector_store_idx %scatter3A_304[%add3A_278, %broadcast_in_dim3A_103], %exp3A_298 : memref<80x16xf32, #tpu.memory_space<vmem>>[vector<16xi32>, vector<16xi32>], vector<16xf32>,
      %add3A_305 = arith.constant 64 : i32
      %add3A_306 = vector.broadcast %add3A_305 : i32 to vector<16xi32>
      %add3A_307 = arith.addi %iota3A, %add3A_306 : vector<16xi32>
      %gather3A_308 = arith.constant 0 : i32
      %gather3A_309 = arith.constant 0 : i32
      %gather3A_310 = tpu.memref_slice %arg11[%rem3A_152, %gather3A_308, %gather3A_309] : memref<2x80x16xf32, #tpu.memory_space<vmem>> -> memref<1x80x16xf32, #tpu.memory_space<vmem>>
      %gather3A_311 = tpu.memref_squeeze %gather3A_310 : memref<1x80x16xf32, #tpu.memory_space<vmem>> -> memref<80x16xf32, #tpu.memory_space<vmem>>
      %gather3A_312 = tpu.vector_load_idx %gather3A_311[%add3A_307, %broadcast_in_dim3A_103] : memref<80x16xf32, #tpu.memory_space<vmem>>[vector<16xi32>, vector<16xi32>], vector<16xf32>,
      %gather3A_313 = arith.constant 0 : i32
      %gather3A_314 = arith.constant 0 : i32
      %gather3A_315 = tpu.memref_slice %arg12[%rem3A_152, %gather3A_313, %gather3A_314] : memref<2x80x16xf32, #tpu.memory_space<vmem>> -> memref<1x80x16xf32, #tpu.memory_space<vmem>>
      %gather3A_316 = tpu.memref_squeeze %gather3A_315 : memref<1x80x16xf32, #tpu.memory_space<vmem>> -> memref<80x16xf32, #tpu.memory_space<vmem>>
      %gather3A_317 = tpu.vector_load_idx %gather3A_316[%add3A_307, %broadcast_in_dim3A_103] : memref<80x16xf32, #tpu.memory_space<vmem>>[vector<16xi32>, vector<16xi32>], vector<16xf32>,
      %add3A_318 = arith.addf %gather3A_312, %gather3A_317 : vector<16xf32>
      %gt3A_319 = arith.constant 0.000000e+00 : f32
      %gt3A_320 = vector.broadcast %gt3A_319 : f32 to vector<16xf32>
      %gt3A_321 = arith.cmpf ogt, %add3A_318, %gt3A_320 : vector<16xf32>
      %mul3A_322 = arith.constant 2.000000e-01 : f32
      %mul3A_323 = vector.broadcast %mul3A_322 : f32 to vector<16xf32>
      %mul3A_324 = arith.mulf %add3A_318, %mul3A_323 : vector<16xf32>
      %select_n3A_325 = arith.select %gt3A_321, %add3A_318, %mul3A_324 : vector<16xi1>, vector<16xf32>
      %sub3A_326 = arith.subf %select_n3A_325, %get3A_9 : vector<16xf32>
      %exp3A_327 = math.exp %sub3A_326 : vector<16xf32>
      %swap3A_328 = arith.constant 64 : index
      %swap3A_329 = tpu.vector_load %arg15[%swap3A_328] {strides = array<i32>} : memref<80xf32, #tpu.memory_space<vmem>>, vector<16xf32>,
      tpu.vector_store %arg15[%swap3A_328], %exp3A_327 {strides = array<i32>} : memref<80xf32, #tpu.memory_space<vmem>>, vector<16xf32>,
      %scatter3A_330 = arith.constant 0 : i32
      %scatter3A_331 = arith.constant 0 : i32
      %scatter3A_332 = tpu.memref_slice %arg14[%rem3A_152, %scatter3A_330, %scatter3A_331] : memref<2x80x16xf32, #tpu.memory_space<vmem>> -> memref<1x80x16xf32, #tpu.memory_space<vmem>>
      %scatter3A_333 = tpu.memref_squeeze %scatter3A_332 : memref<1x80x16xf32, #tpu.memory_space<vmem>> -> memref<80x16xf32, #tpu.memory_space<vmem>>
      tpu.vector_store_idx %scatter3A_333[%add3A_307, %broadcast_in_dim3A_103], %exp3A_327 : memref<80x16xf32, #tpu.memory_space<vmem>>[vector<16xi32>, vector<16xi32>], vector<16xf32>,
      %dma_start3A_334 = arith.constant 1 : i32
      %dma_start3A_335 = arith.constant 0 : i32
      %dma_start3A_336 = arith.constant 0 : i32
      %dma_start3A_337 = tpu.memref_slice %arg14[%rem3A_152, %dma_start3A_335, %dma_start3A_336] : memref<2x80x16xf32, #tpu.memory_space<vmem>> -> memref<1x80x16xf32, #tpu.memory_space<vmem>>
      %dma_start3A_338 = tpu.memref_squeeze %dma_start3A_337 : memref<1x80x16xf32, #tpu.memory_space<vmem>> -> memref<80x16xf32, #tpu.memory_space<vmem>>
      %dma_start3A_339 = arith.constant 0 : i32
      %dma_start3A_340 = tpu.memref_slice %arg10[%rem3A_154, %dma_start3A_334, %dma_start3A_339] : memref<3x2x80xi32, #tpu.memory_space<vmem>> -> memref<1x1x80xi32, #tpu.memory_space<vmem>>
      %dma_start3A_341 = tpu.memref_squeeze %dma_start3A_340 : memref<1x1x80xi32, #tpu.memory_space<vmem>> -> memref<80xi32, #tpu.memory_space<vmem>>
      %dma_start3A_342 = arith.constant 0 : i32
      %dma_start3A_343 = arith.constant 0 : i32
      %dma_start3A_344 = tpu.memref_slice %arg17[%dma_start3A_342, %dma_start3A_343] : memref<10000x16xf32, #tpu.memory_space<vmem_shared>> -> memref<10000x16xf32, #tpu.memory_space<vmem_shared>>
      %dma_start3A_345 = tpu.memref_slice %arg21[%rem3A_152] : memref<2x!tpu.dma_semaphore, #tpu.memory_space<semaphore_mem>> -> memref<1x!tpu.dma_semaphore, #tpu.memory_space<semaphore_mem>>
      %dma_start3A_346 = tpu.memref_squeeze %dma_start3A_345 : memref<1x!tpu.dma_semaphore, #tpu.memory_space<semaphore_mem>> -> memref<!tpu.dma_semaphore, #tpu.memory_space<semaphore_mem>>
      tpu.enqueue_indirect_dma source(%dma_start3A_338 : memref<80x16xf32, #tpu.memory_space<vmem>>) target(%dma_start3A_344 : memref<10000x16xf32, #tpu.memory_space<vmem_shared>>) offsets(%dma_start3A_341 : memref<80xi32, #tpu.memory_space<vmem>>) semaphore(%dma_start3A_346 : memref<!tpu.dma_semaphore, #tpu.memory_space<semaphore_mem>>) {add = true}
      %dma_wait3A_347 = arith.constant 0 : i32
      %dma_wait3A_348 = arith.constant 0 : i32
      %dma_wait3A_349 = arith.constant 0 : i32
      %dma_wait3A_350 = tpu.memref_slice %arg13[%rem3A_152, %dma_wait3A_348, %dma_wait3A_349] : memref<2x80x128xf32, #tpu.memory_space<vmem>> -> memref<1x80x128xf32, #tpu.memory_space<vmem>>
      %dma_wait3A_351 = tpu.memref_squeeze %dma_wait3A_350 : memref<1x80x128xf32, #tpu.memory_space<vmem>> -> memref<80x128xf32, #tpu.memory_space<vmem>>
      %dma_wait3A_352 = arith.constant 0 : i32
      %dma_wait3A_353 = tpu.memref_slice %arg10[%rem3A_154, %dma_wait3A_347, %dma_wait3A_352] : memref<3x2x80xi32, #tpu.memory_space<vmem>> -> memref<1x1x80xi32, #tpu.memory_space<vmem>>
      %dma_wait3A_354 = tpu.memref_squeeze %dma_wait3A_353 : memref<1x1x80xi32, #tpu.memory_space<vmem>> -> memref<80xi32, #tpu.memory_space<vmem>>
      %dma_wait3A_355 = arith.constant 0 : i32
      %dma_wait3A_356 = arith.constant 0 : i32
      %dma_wait3A_357 = tpu.memref_slice %arg2[%dma_wait3A_355, %dma_wait3A_356] : memref<10000x128xf32, #tpu.memory_space<hbm>> -> memref<10000x128xf32, #tpu.memory_space<hbm>>
      %dma_wait3A_358 = tpu.memref_slice %arg19[%rem3A_152] : memref<2x!tpu.dma_semaphore, #tpu.memory_space<semaphore_mem>> -> memref<1x!tpu.dma_semaphore, #tpu.memory_space<semaphore_mem>>
      %dma_wait3A_359 = tpu.memref_squeeze %dma_wait3A_358 : memref<1x!tpu.dma_semaphore, #tpu.memory_space<semaphore_mem>> -> memref<!tpu.dma_semaphore, #tpu.memory_space<semaphore_mem>>
      tpu.wait_indirect_dma semaphore(%dma_wait3A_359 : memref<!tpu.dma_semaphore, #tpu.memory_space<semaphore_mem>>) src(%dma_wait3A_357 : memref<10000x128xf32, #tpu.memory_space<hbm>>) dst(%dma_wait3A_351 : memref<80x128xf32, #tpu.memory_space<vmem>>)
      %parallel_loop3A = arith.constant 0 : i32
      %parallel_loop3A_360 = arith.constant 80 : i32
      %parallel_loop3A_361 = arith.constant 1 : i32
      scf.for %parallel_loop3A_375 = %parallel_loop3A to %parallel_loop3A_360 step %parallel_loop3A_361  : i32 {
        %parallel_loop3A_376 = vector.broadcast %parallel_loop3A_375 : i32 to vector<16xi32>
        %parallel_loop3A_377 = tpu.vector_load_idx %arg15[%parallel_loop3A_376] : memref<80xf32, #tpu.memory_space<vmem>>[vector<16xi32>], vector<16xf32>,
        %parallel_loop3A_378 = arith.index_cast %rem3A_152 : i32 to index
        %parallel_loop3A_379 = arith.index_cast %parallel_loop3A_375 : i32 to index
        %parallel_loop3A_380 = arith.constant 0 : index
        %parallel_loop3A_381 = tpu.vector_load %arg13[%parallel_loop3A_378, %parallel_loop3A_379, %parallel_loop3A_380] {strides = array<i32>} : memref<2x80x128xf32, #tpu.memory_space<vmem>>, vector<16xf32>,
        %parallel_loop3A_382 = arith.mulf %parallel_loop3A_381, %parallel_loop3A_377 : vector<16xf32>
        %parallel_loop3A_383 = arith.index_cast %rem3A_152 : i32 to index
        %parallel_loop3A_384 = arith.index_cast %parallel_loop3A_375 : i32 to index
        %parallel_loop3A_385 = arith.constant 0 : index
        %parallel_loop3A_386 = tpu.vector_load %arg13[%parallel_loop3A_383, %parallel_loop3A_384, %parallel_loop3A_385] {strides = array<i32>} : memref<2x80x128xf32, #tpu.memory_space<vmem>>, vector<16xf32>,
        tpu.vector_store %arg13[%parallel_loop3A_383, %parallel_loop3A_384, %parallel_loop3A_385], %parallel_loop3A_382 {strides = array<i32>} : memref<2x80x128xf32, #tpu.memory_space<vmem>>, vector<16xf32>,
        %parallel_loop3A_387 = arith.index_cast %rem3A_152 : i32 to index
        %parallel_loop3A_388 = arith.index_cast %parallel_loop3A_375 : i32 to index
        %parallel_loop3A_389 = arith.constant 16 : index
        %parallel_loop3A_390 = tpu.vector_load %arg13[%parallel_loop3A_387, %parallel_loop3A_388, %parallel_loop3A_389] {strides = array<i32>} : memref<2x80x128xf32, #tpu.memory_space<vmem>>, vector<16xf32>,
        %parallel_loop3A_391 = arith.mulf %parallel_loop3A_390, %parallel_loop3A_377 : vector<16xf32>
        %parallel_loop3A_392 = arith.index_cast %rem3A_152 : i32 to index
        %parallel_loop3A_393 = arith.index_cast %parallel_loop3A_375 : i32 to index
        %parallel_loop3A_394 = arith.constant 16 : index
        %parallel_loop3A_395 = tpu.vector_load %arg13[%parallel_loop3A_392, %parallel_loop3A_393, %parallel_loop3A_394] {strides = array<i32>} : memref<2x80x128xf32, #tpu.memory_space<vmem>>, vector<16xf32>,
        tpu.vector_store %arg13[%parallel_loop3A_392, %parallel_loop3A_393, %parallel_loop3A_394], %parallel_loop3A_391 {strides = array<i32>} : memref<2x80x128xf32, #tpu.memory_space<vmem>>, vector<16xf32>,
        %parallel_loop3A_396 = arith.index_cast %rem3A_152 : i32 to index
        %parallel_loop3A_397 = arith.index_cast %parallel_loop3A_375 : i32 to index
        %parallel_loop3A_398 = arith.constant 32 : index
        %parallel_loop3A_399 = tpu.vector_load %arg13[%parallel_loop3A_396, %parallel_loop3A_397, %parallel_loop3A_398] {strides = array<i32>} : memref<2x80x128xf32, #tpu.memory_space<vmem>>, vector<16xf32>,
        %parallel_loop3A_400 = arith.mulf %parallel_loop3A_399, %parallel_loop3A_377 : vector<16xf32>
        %parallel_loop3A_401 = arith.index_cast %rem3A_152 : i32 to index
        %parallel_loop3A_402 = arith.index_cast %parallel_loop3A_375 : i32 to index
        %parallel_loop3A_403 = arith.constant 32 : index
        %parallel_loop3A_404 = tpu.vector_load %arg13[%parallel_loop3A_401, %parallel_loop3A_402, %parallel_loop3A_403] {strides = array<i32>} : memref<2x80x128xf32, #tpu.memory_space<vmem>>, vector<16xf32>,
        tpu.vector_store %arg13[%parallel_loop3A_401, %parallel_loop3A_402, %parallel_loop3A_403], %parallel_loop3A_400 {strides = array<i32>} : memref<2x80x128xf32, #tpu.memory_space<vmem>>, vector<16xf32>,
        %parallel_loop3A_405 = arith.index_cast %rem3A_152 : i32 to index
        %parallel_loop3A_406 = arith.index_cast %parallel_loop3A_375 : i32 to index
        %parallel_loop3A_407 = arith.constant 48 : index
        %parallel_loop3A_408 = tpu.vector_load %arg13[%parallel_loop3A_405, %parallel_loop3A_406, %parallel_loop3A_407] {strides = array<i32>} : memref<2x80x128xf32, #tpu.memory_space<vmem>>, vector<16xf32>,
        %parallel_loop3A_409 = arith.mulf %parallel_loop3A_408, %parallel_loop3A_377 : vector<16xf32>
        %parallel_loop3A_410 = arith.index_cast %rem3A_152 : i32 to index
        %parallel_loop3A_411 = arith.index_cast %parallel_loop3A_375 : i32 to index
        %parallel_loop3A_412 = arith.constant 48 : index
        %parallel_loop3A_413 = tpu.vector_load %arg13[%parallel_loop3A_410, %parallel_loop3A_411, %parallel_loop3A_412] {strides = array<i32>} : memref<2x80x128xf32, #tpu.memory_space<vmem>>, vector<16xf32>,
        tpu.vector_store %arg13[%parallel_loop3A_410, %parallel_loop3A_411, %parallel_loop3A_412], %parallel_loop3A_409 {strides = array<i32>} : memref<2x80x128xf32, #tpu.memory_space<vmem>>, vector<16xf32>,
        %parallel_loop3A_414 = arith.index_cast %rem3A_152 : i32 to index
        %parallel_loop3A_415 = arith.index_cast %parallel_loop3A_375 : i32 to index
        %parallel_loop3A_416 = arith.constant 64 : index
        %parallel_loop3A_417 = tpu.vector_load %arg13[%parallel_loop3A_414, %parallel_loop3A_415, %parallel_loop3A_416] {strides = array<i32>} : memref<2x80x128xf32, #tpu.memory_space<vmem>>, vector<16xf32>,
        %parallel_loop3A_418 = arith.mulf %parallel_loop3A_417, %parallel_loop3A_377 : vector<16xf32>
        %parallel_loop3A_419 = arith.index_cast %rem3A_152 : i32 to index
        %parallel_loop3A_420 = arith.index_cast %parallel_loop3A_375 : i32 to index
        %parallel_loop3A_421 = arith.constant 64 : index
        %parallel_loop3A_422 = tpu.vector_load %arg13[%parallel_loop3A_419, %parallel_loop3A_420, %parallel_loop3A_421] {strides = array<i32>} : memref<2x80x128xf32, #tpu.memory_space<vmem>>, vector<16xf32>,
        tpu.vector_store %arg13[%parallel_loop3A_419, %parallel_loop3A_420, %parallel_loop3A_421], %parallel_loop3A_418 {strides = array<i32>} : memref<2x80x128xf32, #tpu.memory_space<vmem>>, vector<16xf32>,
        %parallel_loop3A_423 = arith.index_cast %rem3A_152 : i32 to index
        %parallel_loop3A_424 = arith.index_cast %parallel_loop3A_375 : i32 to index
        %parallel_loop3A_425 = arith.constant 80 : index
        %parallel_loop3A_426 = tpu.vector_load %arg13[%parallel_loop3A_423, %parallel_loop3A_424, %parallel_loop3A_425] {strides = array<i32>} : memref<2x80x128xf32, #tpu.memory_space<vmem>>, vector<16xf32>,
        %parallel_loop3A_427 = arith.mulf %parallel_loop3A_426, %parallel_loop3A_377 : vector<16xf32>
        %parallel_loop3A_428 = arith.index_cast %rem3A_152 : i32 to index
        %parallel_loop3A_429 = arith.index_cast %parallel_loop3A_375 : i32 to index
        %parallel_loop3A_430 = arith.constant 80 : index
        %parallel_loop3A_431 = tpu.vector_load %arg13[%parallel_loop3A_428, %parallel_loop3A_429, %parallel_loop3A_430] {strides = array<i32>} : memref<2x80x128xf32, #tpu.memory_space<vmem>>, vector<16xf32>,
        tpu.vector_store %arg13[%parallel_loop3A_428, %parallel_loop3A_429, %parallel_loop3A_430], %parallel_loop3A_427 {strides = array<i32>} : memref<2x80x128xf32, #tpu.memory_space<vmem>>, vector<16xf32>,
        %parallel_loop3A_432 = arith.index_cast %rem3A_152 : i32 to index
        %parallel_loop3A_433 = arith.index_cast %parallel_loop3A_375 : i32 to index
        %parallel_loop3A_434 = arith.constant 96 : index
        %parallel_loop3A_435 = tpu.vector_load %arg13[%parallel_loop3A_432, %parallel_loop3A_433, %parallel_loop3A_434] {strides = array<i32>} : memref<2x80x128xf32, #tpu.memory_space<vmem>>, vector<16xf32>,
        %parallel_loop3A_436 = arith.mulf %parallel_loop3A_435, %parallel_loop3A_377 : vector<16xf32>
        %parallel_loop3A_437 = arith.index_cast %rem3A_152 : i32 to index
        %parallel_loop3A_438 = arith.index_cast %parallel_loop3A_375 : i32 to index
        %parallel_loop3A_439 = arith.constant 96 : index
        %parallel_loop3A_440 = tpu.vector_load %arg13[%parallel_loop3A_437, %parallel_loop3A_438, %parallel_loop3A_439] {strides = array<i32>} : memref<2x80x128xf32, #tpu.memory_space<vmem>>, vector<16xf32>,
        tpu.vector_store %arg13[%parallel_loop3A_437, %parallel_loop3A_438, %parallel_loop3A_439], %parallel_loop3A_436 {strides = array<i32>} : memref<2x80x128xf32, #tpu.memory_space<vmem>>, vector<16xf32>,
        %parallel_loop3A_441 = arith.index_cast %rem3A_152 : i32 to index
        %parallel_loop3A_442 = arith.index_cast %parallel_loop3A_375 : i32 to index
        %parallel_loop3A_443 = arith.constant 112 : index
        %parallel_loop3A_444 = tpu.vector_load %arg13[%parallel_loop3A_441, %parallel_loop3A_442, %parallel_loop3A_443] {strides = array<i32>} : memref<2x80x128xf32, #tpu.memory_space<vmem>>, vector<16xf32>,
        %parallel_loop3A_445 = arith.mulf %parallel_loop3A_444, %parallel_loop3A_377 : vector<16xf32>
        %parallel_loop3A_446 = arith.index_cast %rem3A_152 : i32 to index
        %parallel_loop3A_447 = arith.index_cast %parallel_loop3A_375 : i32 to index
        %parallel_loop3A_448 = arith.constant 112 : index
        %parallel_loop3A_449 = tpu.vector_load %arg13[%parallel_loop3A_446, %parallel_loop3A_447, %parallel_loop3A_448] {strides = array<i32>} : memref<2x80x128xf32, #tpu.memory_space<vmem>>, vector<16xf32>,
        tpu.vector_store %arg13[%parallel_loop3A_446, %parallel_loop3A_447, %parallel_loop3A_448], %parallel_loop3A_445 {strides = array<i32>} : memref<2x80x128xf32, #tpu.memory_space<vmem>>, vector<16xf32>,
      } {sc.loop_unroll_factor = 8 : i64, sc.parallel_access}
      %dma_start3A_362 = arith.constant 1 : i32
      %dma_start3A_363 = arith.constant 0 : i32
      %dma_start3A_364 = arith.constant 0 : i32
      %dma_start3A_365 = tpu.memref_slice %arg13[%rem3A_152, %dma_start3A_363, %dma_start3A_364] : memref<2x80x128xf32, #tpu.memory_space<vmem>> -> memref<1x80x128xf32, #tpu.memory_space<vmem>>
      %dma_start3A_366 = tpu.memref_squeeze %dma_start3A_365 : memref<1x80x128xf32, #tpu.memory_space<vmem>> -> memref<80x128xf32, #tpu.memory_space<vmem>>
      %dma_start3A_367 = arith.constant 0 : i32
      %dma_start3A_368 = tpu.memref_slice %arg10[%rem3A_154, %dma_start3A_362, %dma_start3A_367] : memref<3x2x80xi32, #tpu.memory_space<vmem>> -> memref<1x1x80xi32, #tpu.memory_space<vmem>>
      %dma_start3A_369 = tpu.memref_squeeze %dma_start3A_368 : memref<1x1x80xi32, #tpu.memory_space<vmem>> -> memref<80xi32, #tpu.memory_space<vmem>>
      %dma_start3A_370 = arith.constant 0 : i32
      %dma_start3A_371 = arith.constant 0 : i32
      %dma_start3A_372 = tpu.memref_slice %arg16[%dma_start3A_370, %dma_start3A_371] : memref<10000x128xf32, #tpu.memory_space<vmem_shared>> -> memref<10000x128xf32, #tpu.memory_space<vmem_shared>>
      %dma_start3A_373 = tpu.memref_slice %arg21[%rem3A_152] : memref<2x!tpu.dma_semaphore, #tpu.memory_space<semaphore_mem>> -> memref<1x!tpu.dma_semaphore, #tpu.memory_space<semaphore_mem>>
      %dma_start3A_374 = tpu.memref_squeeze %dma_start3A_373 : memref<1x!tpu.dma_semaphore, #tpu.memory_space<semaphore_mem>> -> memref<!tpu.dma_semaphore, #tpu.memory_space<semaphore_mem>>
      tpu.enqueue_indirect_dma source(%dma_start3A_366 : memref<80x128xf32, #tpu.memory_space<vmem>>) target(%dma_start3A_372 : memref<10000x128xf32, #tpu.memory_space<vmem_shared>>) offsets(%dma_start3A_369 : memref<80xi32, #tpu.memory_space<vmem>>) semaphore(%dma_start3A_374 : memref<!tpu.dma_semaphore, #tpu.memory_space<semaphore_mem>>) {add = true}
    }
    %scan3A_108 = arith.constant 125 : i32
    %rem3A = arith.constant 124 : i32
    %rem3A_109 = arith.constant 3 : i32
    %rem3A_110 = arith.remsi %rem3A, %rem3A_109 : i32
    %rem3A_111 = arith.constant 124 : i32
    %rem3A_112 = arith.constant 2 : i32
    %rem3A_113 = arith.remsi %rem3A_111, %rem3A_112 : i32
    %dma_wait3A_114 = arith.constant 1 : i32
    %dma_wait3A_115 = arith.constant 0 : i32
    %dma_wait3A_116 = arith.constant 0 : i32
    %dma_wait3A_117 = tpu.memref_slice %arg13[%rem3A_113, %dma_wait3A_115, %dma_wait3A_116] : memref<2x80x128xf32, #tpu.memory_space<vmem>> -> memref<1x80x128xf32, #tpu.memory_space<vmem>>
    %dma_wait3A_118 = tpu.memref_squeeze %dma_wait3A_117 : memref<1x80x128xf32, #tpu.memory_space<vmem>> -> memref<80x128xf32, #tpu.memory_space<vmem>>
    %dma_wait3A_119 = arith.constant 0 : i32
    %dma_wait3A_120 = tpu.memref_slice %arg10[%rem3A_110, %dma_wait3A_114, %dma_wait3A_119] : memref<3x2x80xi32, #tpu.memory_space<vmem>> -> memref<1x1x80xi32, #tpu.memory_space<vmem>>
    %dma_wait3A_121 = tpu.memref_squeeze %dma_wait3A_120 : memref<1x1x80xi32, #tpu.memory_space<vmem>> -> memref<80xi32, #tpu.memory_space<vmem>>
    %dma_wait3A_122 = arith.constant 0 : i32
    %dma_wait3A_123 = arith.constant 0 : i32
    %dma_wait3A_124 = tpu.memref_slice %arg16[%dma_wait3A_122, %dma_wait3A_123] : memref<10000x128xf32, #tpu.memory_space<vmem_shared>> -> memref<10000x128xf32, #tpu.memory_space<vmem_shared>>
    %dma_wait3A_125 = tpu.memref_slice %arg21[%rem3A_113] : memref<2x!tpu.dma_semaphore, #tpu.memory_space<semaphore_mem>> -> memref<1x!tpu.dma_semaphore, #tpu.memory_space<semaphore_mem>>
    %dma_wait3A_126 = tpu.memref_squeeze %dma_wait3A_125 : memref<1x!tpu.dma_semaphore, #tpu.memory_space<semaphore_mem>> -> memref<!tpu.dma_semaphore, #tpu.memory_space<semaphore_mem>>
    tpu.wait_indirect_dma semaphore(%dma_wait3A_126 : memref<!tpu.dma_semaphore, #tpu.memory_space<semaphore_mem>>) src(%dma_wait3A_118 : memref<80x128xf32, #tpu.memory_space<vmem>>) dst(%dma_wait3A_124 : memref<10000x128xf32, #tpu.memory_space<vmem_shared>>)
    %dma_wait3A_127 = arith.constant 1 : i32
    %dma_wait3A_128 = arith.constant 0 : i32
    %dma_wait3A_129 = arith.constant 0 : i32
    %dma_wait3A_130 = tpu.memref_slice %arg14[%rem3A_113, %dma_wait3A_128, %dma_wait3A_129] : memref<2x80x16xf32, #tpu.memory_space<vmem>> -> memref<1x80x16xf32, #tpu.memory_space<vmem>>
    %dma_wait3A_131 = tpu.memref_squeeze %dma_wait3A_130 : memref<1x80x16xf32, #tpu.memory_space<vmem>> -> memref<80x16xf32, #tpu.memory_space<vmem>>
    %dma_wait3A_132 = arith.constant 0 : i32
    %dma_wait3A_133 = tpu.memref_slice %arg10[%rem3A_110, %dma_wait3A_127, %dma_wait3A_132] : memref<3x2x80xi32, #tpu.memory_space<vmem>> -> memref<1x1x80xi32, #tpu.memory_space<vmem>>
    %dma_wait3A_134 = tpu.memref_squeeze %dma_wait3A_133 : memref<1x1x80xi32, #tpu.memory_space<vmem>> -> memref<80xi32, #tpu.memory_space<vmem>>
    %dma_wait3A_135 = arith.constant 0 : i32
    %dma_wait3A_136 = arith.constant 0 : i32
    %dma_wait3A_137 = tpu.memref_slice %arg17[%dma_wait3A_135, %dma_wait3A_136] : memref<10000x16xf32, #tpu.memory_space<vmem_shared>> -> memref<10000x16xf32, #tpu.memory_space<vmem_shared>>
    %dma_wait3A_138 = tpu.memref_slice %arg21[%rem3A_113] : memref<2x!tpu.dma_semaphore, #tpu.memory_space<semaphore_mem>> -> memref<1x!tpu.dma_semaphore, #tpu.memory_space<semaphore_mem>>
    %dma_wait3A_139 = tpu.memref_squeeze %dma_wait3A_138 : memref<1x!tpu.dma_semaphore, #tpu.memory_space<semaphore_mem>> -> memref<!tpu.dma_semaphore, #tpu.memory_space<semaphore_mem>>
    tpu.wait_indirect_dma semaphore(%dma_wait3A_139 : memref<!tpu.dma_semaphore, #tpu.memory_space<semaphore_mem>>) src(%dma_wait3A_131 : memref<80x16xf32, #tpu.memory_space<vmem>>) dst(%dma_wait3A_137 : memref<10000x16xf32, #tpu.memory_space<vmem_shared>>)
    %barrier3A_140 = arith.constant 0 : index
    tpu.barrier barrier_id(%barrier3A_140)
    %lt3A_141 = arith.constant 10 : i32
    %lt3A_142 = arith.cmpi slt, %arg1, %lt3A_141 : i32
    %convert_element_type3A_143 = arith.extui %lt3A_142 : i1 to i32
    %cond3A_144 = arith.constant 0 : i32
    %cond3A_145 = arith.cmpi ne, %convert_element_type3A_143, %cond3A_144 : i32
    scf.if %cond3A_145 {
      %mul3A_146 = arith.constant 1000 : i32
      %mul3A_147 = arith.muli %arg1, %mul3A_146 : i32
      "tpu.region"() ({
        %run_scoped3A = tpu.sem_alloc : memref<!tpu.dma_semaphore, #tpu.memory_space<semaphore_mem>>
        %dma_start3A_148 = arith.constant 0 : i32
        %dma_start3A_149 = tpu.memref_slice %arg7[%arg0, %mul3A_147, %dma_start3A_148] : memref<2x10000x128xf32, #tpu.memory_space<hbm>> -> memref<1x1000x128xf32, #tpu.memory_space<hbm>>
        %dma_start3A_150 = tpu.memref_squeeze %dma_start3A_149 : memref<1x1000x128xf32, #tpu.memory_space<hbm>> -> memref<1000x128xf32, #tpu.memory_space<hbm>>
        %dma_start3A_151 = arith.constant 0 : i32
        %dma_start3A_152 = tpu.memref_slice %arg16[%mul3A_147, %dma_start3A_151] : memref<10000x128xf32, #tpu.memory_space<vmem_shared>> -> memref<1000x128xf32, #tpu.memory_space<vmem_shared>>
        tpu.enqueue_dma source(%dma_start3A_152 : memref<1000x128xf32, #tpu.memory_space<vmem_shared>>) target(%dma_start3A_150 : memref<1000x128xf32, #tpu.memory_space<hbm>>) target_semaphore(%run_scoped3A : memref<!tpu.dma_semaphore, #tpu.memory_space<semaphore_mem>>)
        %dma_wait3A_153 = arith.constant 0 : i32
        %dma_wait3A_154 = tpu.memref_slice %arg7[%arg0, %mul3A_147, %dma_wait3A_153] : memref<2x10000x128xf32, #tpu.memory_space<hbm>> -> memref<1x1000x128xf32, #tpu.memory_space<hbm>>
        %dma_wait3A_155 = tpu.memref_squeeze %dma_wait3A_154 : memref<1x1000x128xf32, #tpu.memory_space<hbm>> -> memref<1000x128xf32, #tpu.memory_space<hbm>>
        %dma_wait3A_156 = arith.constant 0 : i32
        %dma_wait3A_157 = tpu.memref_slice %arg16[%mul3A_147, %dma_wait3A_156] : memref<10000x128xf32, #tpu.memory_space<vmem_shared>> -> memref<1000x128xf32, #tpu.memory_space<vmem_shared>>
        tpu.wait_dma2 semaphore(%run_scoped3A : memref<!tpu.dma_semaphore, #tpu.memory_space<semaphore_mem>>) src(%dma_wait3A_157 : memref<1000x128xf32, #tpu.memory_space<vmem_shared>>) dst(%dma_wait3A_155 : memref<1000x128xf32, #tpu.memory_space<hbm>>)
        tpu.yield
      }) : () -> ()
      "tpu.region"() ({
        %run_scoped3A = tpu.sem_alloc : memref<!tpu.dma_semaphore, #tpu.memory_space<semaphore_mem>>
        %dma_start3A_148 = arith.constant 0 : i32
        %dma_start3A_149 = tpu.memref_slice %arg8[%arg0, %mul3A_147, %dma_start3A_148] : memref<2x10000x16xf32, #tpu.memory_space<hbm>> -> memref<1x1000x16xf32, #tpu.memory_space<hbm>>
        %dma_start3A_150 = tpu.memref_squeeze %dma_start3A_149 : memref<1x1000x16xf32, #tpu.memory_space<hbm>> -> memref<1000x16xf32, #tpu.memory_space<hbm>>
        %dma_start3A_151 = arith.constant 0 : i32
        %dma_start3A_152 = tpu.memref_slice %arg17[%mul3A_147, %dma_start3A_151] : memref<10000x16xf32, #tpu.memory_space<vmem_shared>> -> memref<1000x16xf32, #tpu.memory_space<vmem_shared>>
        tpu.enqueue_dma source(%dma_start3A_152 : memref<1000x16xf32, #tpu.memory_space<vmem_shared>>) target(%dma_start3A_150 : memref<1000x16xf32, #tpu.memory_space<hbm>>) target_semaphore(%run_scoped3A : memref<!tpu.dma_semaphore, #tpu.memory_space<semaphore_mem>>)
        %dma_wait3A_153 = arith.constant 0 : i32
        %dma_wait3A_154 = tpu.memref_slice %arg8[%arg0, %mul3A_147, %dma_wait3A_153] : memref<2x10000x16xf32, #tpu.memory_space<hbm>> -> memref<1x1000x16xf32, #tpu.memory_space<hbm>>
        %dma_wait3A_155 = tpu.memref_squeeze %dma_wait3A_154 : memref<1x1000x16xf32, #tpu.memory_space<hbm>> -> memref<1000x16xf32, #tpu.memory_space<hbm>>
        %dma_wait3A_156 = arith.constant 0 : i32
        %dma_wait3A_157 = tpu.memref_slice %arg17[%mul3A_147, %dma_wait3A_156] : memref<10000x16xf32, #tpu.memory_space<vmem_shared>> -> memref<1000x16xf32, #tpu.memory_space<vmem_shared>>
        tpu.wait_dma2 semaphore(%run_scoped3A : memref<!tpu.dma_semaphore, #tpu.memory_space<semaphore_mem>>) src(%dma_wait3A_157 : memref<1000x16xf32, #tpu.memory_space<vmem_shared>>) dst(%dma_wait3A_155 : memref<1000x16xf32, #tpu.memory_space<hbm>>)
        tpu.yield
      }) : () -> ()
    } else {
    }
    return
  }
}

module attributes {stable_mosaic.version = 14 : i64} {
  func.func @_encode_body(%arg0: i32, %arg1: memref<1000x128xf32, #tpu.memory_space<vmem>>, %arg2: memref<128x128xf32, #tpu.memory_space<vmem>>, %arg3: memref<1x128xf32, #tpu.memory_space<vmem>>, %arg4: memref<1x128xf32, #tpu.memory_space<vmem>>, %arg5: memref<1000x128xf32, #tpu.memory_space<vmem>>, %arg6: memref<1000x16xf32, #tpu.memory_space<vmem>>, %arg7: memref<1000x16xf32, #tpu.memory_space<vmem>>, %arg8: memref<1x16xf32, #tpu.memory_space<vmem>>, %arg9: memref<2x128xf32, #tpu.memory_space<vmem>>) attributes {dimension_semantics = [#tpu.dimension_semantics<arbitrary>], iteration_bounds = array<i64: 10>, scalar_prefetch = 0 : i64, scratch_operands = 0 : i64, tpu.core_type = #tpu.core_type<tc>, window_params = [{transform_indices = @transform_0, window_bounds = array<i64: 1000, 128>}, {pipeline_mode = #tpu.pipeline_mode<synchronous>, transform_indices = @transform_1, window_bounds = array<i64: 128, 128>}, {pipeline_mode = #tpu.pipeline_mode<synchronous>, transform_indices = @transform_2, window_bounds = array<i64: 1, 128>}, {pipeline_mode = #tpu.pipeline_mode<synchronous>, transform_indices = @transform_3, window_bounds = array<i64: 1, 128>}, {transform_indices = @transform_4, window_bounds = array<i64: 1000, 128>}, {transform_indices = @transform_5, window_bounds = array<i64: 1000, 16>}, {transform_indices = @transform_6, window_bounds = array<i64: 1000, 16>}, {pipeline_mode = #tpu.pipeline_mode<synchronous>, transform_indices = @transform_7, window_bounds = array<i64: 1, 16>}, {pipeline_mode = #tpu.pipeline_mode<synchronous>, transform_indices = @transform_8, window_bounds = array<i64: 2, 128>}]} {
    %get3A = arith.constant 0 : index
    %get3A_0 = arith.constant 0 : index
    %get3A_1 = vector.load %arg1[%get3A, %get3A_0] : memref<1000x128xf32, #tpu.memory_space<vmem>>, vector<1000x128xf32>
    %get3A_2 = arith.constant 0 : index
    %get3A_3 = arith.constant 0 : index
    %get3A_4 = vector.load %arg2[%get3A_2, %get3A_3] : memref<128x128xf32, #tpu.memory_space<vmem>>, vector<128x128xf32>
    %dot_general3A = arith.constant dense<0.000000e+00> : vector<1000x128xf32>
    %dot_general3A_5 = tpu.matmul %get3A_1, %get3A_4, %dot_general3A {dimension_numbers = #tpu.dot_dimension_numbers<[1], [0], [0], [1], [0, 0, 1, 1], [], []>, transpose_lhs_hint = false} : vector<1000x128xf32>, vector<128x128xf32>, vector<1000x128xf32> -> vector<1000x128xf32>
    %swap3A = arith.constant 0 : index
    %swap3A_6 = arith.constant 0 : index
    %swap3A_7 = vector.load %arg5[%swap3A, %swap3A_6] : memref<1000x128xf32, #tpu.memory_space<vmem>>, vector<1000x128xf32>
    tpu.vector_store %arg5[%swap3A, %swap3A_6], %dot_general3A_5 {strides = array<i32>} : memref<1000x128xf32, #tpu.memory_space<vmem>>, vector<1000x128xf32>,
    %get3A_8 = arith.constant 0 : index
    %get3A_9 = arith.constant 0 : index
    %get3A_10 = vector.load %arg3[%get3A_8, %get3A_9] : memref<1x128xf32, #tpu.memory_space<vmem>>, vector<1x128xf32>
    %mul3A = vector.broadcast %get3A_10 : vector<1x128xf32> to vector<1000x128xf32>
    %mul3A_11 = arith.mulf %dot_general3A_5, %mul3A : vector<1000x128xf32>
    %reduce_sum3A = arith.constant dense<0.000000e+00> : vector<1000xf32>
    %reduce_sum3A_12 = vector.multi_reduction <add>, %mul3A_11, %reduce_sum3A [1] : vector<1000x128xf32> to vector<1000xf32>
    %broadcast_in_dim3A = vector.shape_cast %reduce_sum3A_12 : vector<1000xf32> to vector<1000x1xf32>
    %get3A_13 = arith.constant 0 : index
    %get3A_14 = arith.constant 0 : index
    %get3A_15 = vector.load %arg4[%get3A_13, %get3A_14] : memref<1x128xf32, #tpu.memory_space<vmem>>, vector<1x128xf32>
    %mul3A_16 = vector.broadcast %get3A_15 : vector<1x128xf32> to vector<1000x128xf32>
    %mul3A_17 = arith.mulf %dot_general3A_5, %mul3A_16 : vector<1000x128xf32>
    %reduce_sum3A_18 = arith.constant dense<0.000000e+00> : vector<1000xf32>
    %reduce_sum3A_19 = vector.multi_reduction <add>, %mul3A_17, %reduce_sum3A_18 [1] : vector<1000x128xf32> to vector<1000xf32>
    %broadcast_in_dim3A_20 = vector.shape_cast %reduce_sum3A_19 : vector<1000xf32> to vector<1000x1xf32>
    %broadcast_in_dim3A_21 = vector.shape_cast %broadcast_in_dim3A : vector<1000x1xf32> to vector<1000x1xf32>
    %broadcast_in_dim3A_22 = vector.broadcast %broadcast_in_dim3A_21 : vector<1000x1xf32> to vector<1000x16xf32>
    %swap3A_23 = arith.constant 0 : index
    %swap3A_24 = arith.constant 0 : index
    %swap3A_25 = vector.load %arg6[%swap3A_23, %swap3A_24] : memref<1000x16xf32, #tpu.memory_space<vmem>>, vector<1000x16xf32>
    tpu.vector_store %arg6[%swap3A_23, %swap3A_24], %broadcast_in_dim3A_22 {strides = array<i32>} : memref<1000x16xf32, #tpu.memory_space<vmem>>, vector<1000x16xf32>,
    %broadcast_in_dim3A_26 = vector.shape_cast %broadcast_in_dim3A_20 : vector<1000x1xf32> to vector<1000x1xf32>
    %broadcast_in_dim3A_27 = vector.broadcast %broadcast_in_dim3A_26 : vector<1000x1xf32> to vector<1000x16xf32>
    %swap3A_28 = arith.constant 0 : index
    %swap3A_29 = arith.constant 0 : index
    %swap3A_30 = vector.load %arg7[%swap3A_28, %swap3A_29] : memref<1000x16xf32, #tpu.memory_space<vmem>>, vector<1000x16xf32>
    tpu.vector_store %arg7[%swap3A_28, %swap3A_29], %broadcast_in_dim3A_27 {strides = array<i32>} : memref<1000x16xf32, #tpu.memory_space<vmem>>, vector<1000x16xf32>,
    %eq3A = arith.constant 0 : i32
    %eq3A_31 = arith.cmpi eq, %arg0, %eq3A : i32
    %convert_element_type3A = arith.extui %eq3A_31 : i1 to i32
    %cond3A = arith.constant 0 : i32
    %cond3A_32 = arith.cmpi ne, %convert_element_type3A, %cond3A : i32
    scf.if %cond3A_32 {
      %broadcast_in_dim3A_55 = arith.constant 0xFF800000 : f32
      %broadcast_in_dim3A_56 = vector.broadcast %broadcast_in_dim3A_55 : f32 to vector<2x128xf32>
      %swap3A_57 = arith.constant 0 : index
      %swap3A_58 = arith.constant 0 : index
      %swap3A_59 = vector.load %arg9[%swap3A_57, %swap3A_58] : memref<2x128xf32, #tpu.memory_space<vmem>>, vector<2x128xf32>
      tpu.vector_store %arg9[%swap3A_57, %swap3A_58], %broadcast_in_dim3A_56 {strides = array<i32>} : memref<2x128xf32, #tpu.memory_space<vmem>>, vector<2x128xf32>,
    } else {
    }
    %reduce_max3A = vector.shape_cast %broadcast_in_dim3A : vector<1000x1xf32> to vector<1x1000x1xf32>
    %reduce_max3A_33 = arith.constant dense<0xFF800000> : vector<1xf32>
    %reduce_max3A_34 = vector.multi_reduction <maximumf>, %reduce_max3A, %reduce_max3A_33 [1, 2] : vector<1x1000x1xf32> to vector<1xf32>
    %reduce_max3A_35 = vector.shape_cast %reduce_max3A_34 : vector<1xf32> to vector<1x1x1xf32>
    %reduce_max3A_36 = vector.extract %reduce_max3A_35[0, 0, 0] : f32 from vector<1x1x1xf32>
    %reduce_max3A_37 = vector.shape_cast %broadcast_in_dim3A_20 : vector<1000x1xf32> to vector<1x1000x1xf32>
    %reduce_max3A_38 = arith.constant dense<0xFF800000> : vector<1xf32>
    %reduce_max3A_39 = vector.multi_reduction <maximumf>, %reduce_max3A_37, %reduce_max3A_38 [1, 2] : vector<1x1000x1xf32> to vector<1xf32>
    %reduce_max3A_40 = vector.shape_cast %reduce_max3A_39 : vector<1xf32> to vector<1x1x1xf32>
    %reduce_max3A_41 = vector.extract %reduce_max3A_40[0, 0, 0] : f32 from vector<1x1x1xf32>
    %broadcast_in_dim3A_42 = vector.broadcast %reduce_max3A_36 : f32 to vector<1x128xf32>
    %broadcast_in_dim3A_43 = vector.broadcast %reduce_max3A_41 : f32 to vector<1x128xf32>
    %concatenate3A = tpu.concatenate %broadcast_in_dim3A_42, %broadcast_in_dim3A_43 in 0 : vector<1x128xf32>, vector<1x128xf32> -> vector<2x128xf32>
    %get3A_44 = arith.constant 0 : index
    %get3A_45 = arith.constant 0 : index
    %get3A_46 = vector.load %arg9[%get3A_44, %get3A_45] : memref<2x128xf32, #tpu.memory_space<vmem>>, vector<2x128xf32>
    %max3A = arith.maximumf %get3A_46, %concatenate3A : vector<2x128xf32>
    %swap3A_47 = arith.constant 0 : index
    %swap3A_48 = arith.constant 0 : index
    %swap3A_49 = vector.load %arg9[%swap3A_47, %swap3A_48] : memref<2x128xf32, #tpu.memory_space<vmem>>, vector<2x128xf32>
    tpu.vector_store %arg9[%swap3A_47, %swap3A_48], %max3A {strides = array<i32>} : memref<2x128xf32, #tpu.memory_space<vmem>>, vector<2x128xf32>,
    %eq3A_50 = arith.constant 9 : i32
    %eq3A_51 = arith.cmpi eq, %arg0, %eq3A_50 : i32
    %convert_element_type3A_52 = arith.extui %eq3A_51 : i1 to i32
    %cond3A_53 = arith.constant 0 : i32
    %cond3A_54 = arith.cmpi ne, %convert_element_type3A_52, %cond3A_53 : i32
    scf.if %cond3A_54 {
      %get3A_55 = arith.constant 0 : index
      %get3A_56 = arith.constant 0 : index
      %get3A_57 = vector.load %arg9[%get3A_55, %get3A_56] : memref<2x128xf32, #tpu.memory_space<vmem>>, vector<1x128xf32>
      %get3A_58 = arith.constant 1 : index
      %get3A_59 = arith.constant 0 : index
      %get3A_60 = vector.load %arg9[%get3A_58, %get3A_59] : memref<2x128xf32, #tpu.memory_space<vmem>>, vector<1x128xf32>
      %add3A = arith.addf %get3A_57, %get3A_60 : vector<1x128xf32>
      %gt3A = arith.constant 0.000000e+00 : f32
      %gt3A_61 = vector.broadcast %gt3A : f32 to vector<1x128xf32>
      %gt3A_62 = arith.cmpf ogt, %add3A, %gt3A_61 : vector<1x128xf32>
      %mul3A_63 = arith.constant 2.000000e-01 : f32
      %mul3A_64 = vector.broadcast %mul3A_63 : f32 to vector<1x128xf32>
      %mul3A_65 = arith.mulf %mul3A_64, %add3A : vector<1x128xf32>
      %select_n3A = arith.select %gt3A_62, %add3A, %mul3A_65 : vector<1x128xi1>, vector<1x128xf32>
      %slice3A = vector.extract_strided_slice %select_n3A {offsets = [0, 0], sizes = [1, 16], strides = [1, 1]} : vector<1x128xf32> to vector<1x16xf32>
      %swap3A_66 = arith.constant 0 : index
      %swap3A_67 = arith.constant 0 : index
      %swap3A_68 = vector.load %arg8[%swap3A_66, %swap3A_67] : memref<1x16xf32, #tpu.memory_space<vmem>>, vector<1x16xf32>
      tpu.vector_store %arg8[%swap3A_66, %swap3A_67], %slice3A {strides = array<i32>} : memref<1x16xf32, #tpu.memory_space<vmem>>, vector<1x16xf32>,
    } else {
    }
    return
  }
  func.func @transform_0(%arg0: i32) -> (i32, i32) {
    %c0_i32 = arith.constant 0 : i32
    %c0_i32_0 = arith.constant 0 : i32
    return %arg0, %c0_i32 : i32, i32
  }
  func.func @transform_1(%arg0: i32) -> (i32, i32) {
    %c0_i32 = arith.constant 0 : i32
    %c0_i32_0 = arith.constant 0 : i32
    %c0_i32_1 = arith.constant 0 : i32
    return %c0_i32, %c0_i32_0 : i32, i32
  }
  func.func @transform_2(%arg0: i32) -> (i32, i32) {
    %c0_i32 = arith.constant 0 : i32
    %c0_i32_0 = arith.constant 0 : i32
    %c0_i32_1 = arith.constant 0 : i32
    return %c0_i32, %c0_i32_0 : i32, i32
  }
  func.func @transform_3(%arg0: i32) -> (i32, i32) {
    %c0_i32 = arith.constant 0 : i32
    %c0_i32_0 = arith.constant 0 : i32
    %c0_i32_1 = arith.constant 0 : i32
    return %c0_i32, %c0_i32_0 : i32, i32
  }
  func.func @transform_4(%arg0: i32) -> (i32, i32) {
    %c0_i32 = arith.constant 0 : i32
    %c0_i32_0 = arith.constant 0 : i32
    return %arg0, %c0_i32 : i32, i32
  }
  func.func @transform_5(%arg0: i32) -> (i32, i32) {
    %c0_i32 = arith.constant 0 : i32
    %c0_i32_0 = arith.constant 0 : i32
    return %arg0, %c0_i32 : i32, i32
  }
  func.func @transform_6(%arg0: i32) -> (i32, i32) {
    %c0_i32 = arith.constant 0 : i32
    %c0_i32_0 = arith.constant 0 : i32
    return %arg0, %c0_i32 : i32, i32
  }
  func.func @transform_7(%arg0: i32) -> (i32, i32) {
    %c0_i32 = arith.constant 0 : i32
    %c0_i32_0 = arith.constant 0 : i32
    %c0_i32_1 = arith.constant 0 : i32
    return %c0_i32, %c0_i32_0 : i32, i32
  }
  func.func @transform_8(%arg0: i32) -> (i32, i32) {
    %c0_i32 = arith.constant 0 : i32
    %c0_i32_0 = arith.constant 0 : i32
    %c0_i32_1 = arith.constant 0 : i32
    return %c0_i32, %c0_i32_0 : i32, i32
  }
}

module attributes {stable_mosaic.version = 14 : i64} {
  func.func @_decode_body(%arg0: i32, %arg1: memref<1x1000x128xf32, #tpu.memory_space<vmem>>, %arg2: memref<1x1000x128xf32, #tpu.memory_space<vmem>>, %arg3: memref<1x1000x16xf32, #tpu.memory_space<vmem>>, %arg4: memref<1x1000x16xf32, #tpu.memory_space<vmem>>, %arg5: memref<1x128xf32, #tpu.memory_space<vmem>>, %arg6: memref<128x128xf32, #tpu.memory_space<vmem>>, %arg7: memref<1x128xf32, #tpu.memory_space<vmem>>, %arg8: memref<1000x128xf32, #tpu.memory_space<vmem>>, %arg9: memref<1000x128xf32, #tpu.memory_space<vmem>>) attributes {dimension_semantics = [#tpu.dimension_semantics<arbitrary>], iteration_bounds = array<i64: 10>, scalar_prefetch = 0 : i64, scratch_operands = 0 : i64, tpu.core_type = #tpu.core_type<tc>, window_params = [{transform_indices = @transform_0, window_bounds = array<i64: 1, 1000, 128>}, {transform_indices = @transform_1, window_bounds = array<i64: 1, 1000, 128>}, {transform_indices = @transform_2, window_bounds = array<i64: 1, 1000, 16>}, {transform_indices = @transform_3, window_bounds = array<i64: 1, 1000, 16>}, {pipeline_mode = #tpu.pipeline_mode<synchronous>, transform_indices = @transform_4, window_bounds = array<i64: 1, 128>}, {pipeline_mode = #tpu.pipeline_mode<synchronous>, transform_indices = @transform_5, window_bounds = array<i64: 128, 128>}, {pipeline_mode = #tpu.pipeline_mode<synchronous>, transform_indices = @transform_6, window_bounds = array<i64: 1, 128>}, {transform_indices = @transform_7, window_bounds = array<i64: 1000, 128>}, {transform_indices = @transform_8, window_bounds = array<i64: 1000, 128>}]} {
    %get3A = arith.constant 0 : index
    %get3A_0 = arith.constant 0 : index
    %get3A_1 = arith.constant 0 : index
    %get3A_2 = vector.load %arg1[%get3A, %get3A_0, %get3A_1] : memref<1x1000x128xf32, #tpu.memory_space<vmem>>, vector<1x1000x128xf32>
    %get3A_3 = vector.shape_cast %get3A_2 : vector<1x1000x128xf32> to vector<1000x128xf32>
    %get3A_4 = arith.constant 0 : index
    %get3A_5 = arith.constant 0 : index
    %get3A_6 = arith.constant 0 : index
    %get3A_7 = vector.load %arg2[%get3A_4, %get3A_5, %get3A_6] : memref<1x1000x128xf32, #tpu.memory_space<vmem>>, vector<1x1000x128xf32>
    %get3A_8 = vector.shape_cast %get3A_7 : vector<1x1000x128xf32> to vector<1000x128xf32>
    %add3A = arith.addf %get3A_3, %get3A_8 : vector<1000x128xf32>
    %get3A_9 = arith.constant 0 : index
    %get3A_10 = arith.constant 0 : index
    %get3A_11 = arith.constant 0 : index
    %get3A_12 = vector.load %arg3[%get3A_9, %get3A_10, %get3A_11] : memref<1x1000x16xf32, #tpu.memory_space<vmem>>, vector<1x1000x1xf32>
    %get3A_13 = vector.shape_cast %get3A_12 : vector<1x1000x1xf32> to vector<1000x1xf32>
    %get3A_14 = arith.constant 0 : index
    %get3A_15 = arith.constant 0 : index
    %get3A_16 = arith.constant 0 : index
    %get3A_17 = vector.load %arg4[%get3A_14, %get3A_15, %get3A_16] : memref<1x1000x16xf32, #tpu.memory_space<vmem>>, vector<1x1000x1xf32>
    %get3A_18 = vector.shape_cast %get3A_17 : vector<1x1000x1xf32> to vector<1000x1xf32>
    %add3A_19 = arith.addf %get3A_13, %get3A_18 : vector<1000x1xf32>
    %add3A_20 = arith.constant 1.000000e-16 : f32
    %add3A_21 = vector.broadcast %add3A_20 : f32 to vector<1000x1xf32>
    %add3A_22 = arith.addf %add3A_19, %add3A_21 : vector<1000x1xf32>
    %div3A = vector.broadcast %add3A_22 : vector<1000x1xf32> to vector<1000x128xf32>
    %div3A_23 = arith.divf %add3A, %div3A : vector<1000x128xf32>
    %get3A_24 = arith.constant 0 : index
    %get3A_25 = arith.constant 0 : index
    %get3A_26 = vector.load %arg5[%get3A_24, %get3A_25] : memref<1x128xf32, #tpu.memory_space<vmem>>, vector<1x128xf32>
    %add3A_27 = vector.broadcast %get3A_26 : vector<1x128xf32> to vector<1000x128xf32>
    %add3A_28 = arith.addf %div3A_23, %add3A_27 : vector<1000x128xf32>
    %swap3A = arith.constant 0 : index
    %swap3A_29 = arith.constant 0 : index
    %swap3A_30 = vector.load %arg9[%swap3A, %swap3A_29] : memref<1000x128xf32, #tpu.memory_space<vmem>>, vector<1000x128xf32>
    tpu.vector_store %arg9[%swap3A, %swap3A_29], %add3A_28 {strides = array<i32>} : memref<1000x128xf32, #tpu.memory_space<vmem>>, vector<1000x128xf32>,
    %get3A_31 = arith.constant 0 : index
    %get3A_32 = arith.constant 0 : index
    %get3A_33 = vector.load %arg6[%get3A_31, %get3A_32] : memref<128x128xf32, #tpu.memory_space<vmem>>, vector<128x128xf32>
    %dot_general3A = arith.constant dense<0.000000e+00> : vector<1000x128xf32>
    %dot_general3A_34 = tpu.matmul %add3A_28, %get3A_33, %dot_general3A {dimension_numbers = #tpu.dot_dimension_numbers<[1], [0], [0], [1], [0, 0, 1, 1], [], []>, transpose_lhs_hint = false} : vector<1000x128xf32>, vector<128x128xf32>, vector<1000x128xf32> -> vector<1000x128xf32>
    %get3A_35 = arith.constant 0 : index
    %get3A_36 = arith.constant 0 : index
    %get3A_37 = vector.load %arg7[%get3A_35, %get3A_36] : memref<1x128xf32, #tpu.memory_space<vmem>>, vector<1x128xf32>
    %add3A_38 = vector.broadcast %get3A_37 : vector<1x128xf32> to vector<1000x128xf32>
    %add3A_39 = arith.addf %dot_general3A_34, %add3A_38 : vector<1000x128xf32>
    %tanh3A = math.tanh %add3A_39 : vector<1000x128xf32>
    %swap3A_40 = arith.constant 0 : index
    %swap3A_41 = arith.constant 0 : index
    %swap3A_42 = vector.load %arg8[%swap3A_40, %swap3A_41] : memref<1000x128xf32, #tpu.memory_space<vmem>>, vector<1000x128xf32>
    tpu.vector_store %arg8[%swap3A_40, %swap3A_41], %tanh3A {strides = array<i32>} : memref<1000x128xf32, #tpu.memory_space<vmem>>, vector<1000x128xf32>,
    return
  }
  func.func @transform_0(%arg0: i32) -> (i32, i32, i32) {
    %c0_i32 = arith.constant 0 : i32
    %c0_i32_0 = arith.constant 0 : i32
    %c0_i32_1 = arith.constant 0 : i32
    return %c0_i32, %arg0, %c0_i32_0 : i32, i32, i32
  }
  func.func @transform_1(%arg0: i32) -> (i32, i32, i32) {
    %c1_i32 = arith.constant 1 : i32
    %c0_i32 = arith.constant 0 : i32
    %c0_i32_0 = arith.constant 0 : i32
    return %c1_i32, %arg0, %c0_i32 : i32, i32, i32
  }
  func.func @transform_2(%arg0: i32) -> (i32, i32, i32) {
    %c0_i32 = arith.constant 0 : i32
    %c0_i32_0 = arith.constant 0 : i32
    %c0_i32_1 = arith.constant 0 : i32
    return %c0_i32, %arg0, %c0_i32_0 : i32, i32, i32
  }
  func.func @transform_3(%arg0: i32) -> (i32, i32, i32) {
    %c1_i32 = arith.constant 1 : i32
    %c0_i32 = arith.constant 0 : i32
    %c0_i32_0 = arith.constant 0 : i32
    return %c1_i32, %arg0, %c0_i32 : i32, i32, i32
  }
  func.func @transform_4(%arg0: i32) -> (i32, i32) {
    %c0_i32 = arith.constant 0 : i32
    %c0_i32_0 = arith.constant 0 : i32
    %c0_i32_1 = arith.constant 0 : i32
    return %c0_i32, %c0_i32_0 : i32, i32
  }
  func.func @transform_5(%arg0: i32) -> (i32, i32) {
    %c0_i32 = arith.constant 0 : i32
    %c0_i32_0 = arith.constant 0 : i32
    %c0_i32_1 = arith.constant 0 : i32
    return %c0_i32, %c0_i32_0 : i32, i32
  }
  func.func @transform_6(%arg0: i32) -> (i32, i32) {
    %c0_i32 = arith.constant 0 : i32
    %c0_i32_0 = arith.constant 0 : i32
    %c0_i32_1 = arith.constant 0 : i32
    return %c0_i32, %c0_i32_0 : i32, i32
  }
  func.func @transform_7(%arg0: i32) -> (i32, i32) {
    %c0_i32 = arith.constant 0 : i32
    %c0_i32_0 = arith.constant 0 : i32
    return %arg0, %c0_i32 : i32, i32
  }
  func.func @transform_8(%arg0: i32) -> (i32, i32) {
    %c0_i32 = arith.constant 0 : i32
    %c0_i32_0 = arith.constant 0 : i32
    return %arg0, %c0_i32 : i32, i32
  }
}

</mosaic_0001>

<sc_bundles>
// kernel: kernel.5.cloned.1.call-start
scs
__scs_entry_jumppad:
0x0: {  	(pc) =	sbr.rel $0x88, $3  }
0x1: {  	(tag) =	ssettag $0x0;
	lr =	simm.s32 $0x1  }
0x2: {  	[smem:$0x3F99] =	sst lr;
	_ =	strace $0xD0000000  }
0x3: {  	_ = 	snop  }
0x4: {  	_ = 	snop  }
0x5: {  	_ = 	snop  }
0x6: {  	_ = 	snop  }
0x7: {  	_ = 	snop  }
__scs_overlays_trampoline_lowered:
0x8: {  	[smem:$0x3FA8] =	sst s0  }
0x9: {  	[smem:$0x3FA9] =	sst s1  }
0xa: {  	[smem:$0x3FAA] =	sst s2  }
0xb: {  	[smem:$0x3FAB] =	sst s3  }
0xc: {  	[smem:$0x3FAC] =	sst s4  }
0xd: {  	[smem:$0x3FAD] =	sst s5  }
0xe: {  	[smem:$0x3FAE] =	sst s6  }
0xf: {  	[smem:$0x3FAF] =	sst s7  }
0x10: {  	[smem:$0x3FB0] =	sst s8  }
0x11: {  	[smem:$0x3FB1] =	sst s9;
	s0 =	simm.s32 @!p0 $0x0  }
0x12: {  	s1 =	sld [smem:$0x3F97];
	s0 =	simm.s32 @p0 $0x1  }
0x13: {  	[smem:$0x3FB2] =	sst s0;
	s0 =	simm.s32 @!p1 $0x0  }
0x14: {  	s2 =	sld [smem:$0x3F96];
	s0 =	simm.s32 @p1 $0x1  }
0x15: {  	[smem:$0x3FB3] =	sst s0;
	s0 =	simm.s32 @!p2 $0x0  }
0x16: {  	s3 =	sld [smem:$0x3FDB];
	s0 =	simm.s32 @p2 $0x1  }
0x17: {  	s4 =	simm.s32 $0x1BF5;
	[smem:$0x3FB5] =	sst s0  }
0x18: {  	s0 =	sld [smem:$0x3F98];
	_ =	swait.ge [sflag:s4], $0x0  }
0x19: {  	s7 =	sld [smem:$0x3F99]  }
0x1a: {  	s8 =	sadd.s32 $0xFFFFE003, lr  }
0x1b: {  	s9 =	sadd.s32 $0xFFFFFEF7, lr;
	s5 =	simm.s32 $0xFFFFFFFF;
	p2 =	slt.u32 s8, $0xFFFFF086  }
0x1c: {  	p1 =	slt.u32 s9, $0xF7A;
	s5 =	simm.s32 @!p2 $0x0  }
0x1d: {  	s5 =	simm.s32 @p1 $0x1;
	p0 =	seq.s32 s7, s2  }
0x1e: {  	s7 =	smul.u32 @!p0 $0xF7A, s2;
	p2 =	seq.s32 @!p0 s5, $0x0  }
0x1f: {  	s9 =	smul.u32 $0xF7A, s1;
	s8 =	simm.s32 @!p0 $0x1BF5;
	p2 =	por !p2, p0  }
0x20: {  	[sflag:s8] =	ssyncset.s32 @!p0 $0xFFFFF086;
	s6 =	sadd.s32 @!p0 s3, s7;
	s7 =	simm.s32 @!p0 $0x108  }
0x21: {  	s3 =	sadd.s32 s3, s9;
	s6 =	sadd.s32 @!p0 $0x88, s6;
	s7 =	simm.s32 @p2 $0x1082  }
0x22: {  	[simem:s7], [sflag:s8] =	dma.local @!p0 [hbm:s6], $0xF7A  }
0x23: {  	s9 =	sor.u32 $0xD0000000, s2;
	s6 =	simm.s32 $0x108;
	_ =	swait.ge @!p0 [sflag:s8], $0x0  }
0x24: {  	s3 =	sadd.s32 $0x88, s3;
	s6 =	simm.s32 @!p1 $0x1082;
	[sflag:s4] =	ssyncset.s32 $0xFFFFF086  }
0x25: {  	[simem:s6], [sflag:s4] =	dma.local [hbm:s3], $0xF7A  }
0x26: {  	[smem:$0x3F99] =	sst s1;
	(tag) =	ssettag s2;
	_ =	strace s9  }
0x27: {  	s1 =	sld [smem:$0x3FA9]  }
0x28: {  	s2 =	sld [smem:$0x3FAA]  }
0x29: {  	s4 =	sld [smem:$0x3FAC]  }
0x2a: {  	p0 =	seq.s32 s5, $0x0;
	s5 =	sld [smem:$0x3FAD]  }
0x2b: {  	s6 =	sld [smem:$0x3FAE]  }
0x2c: {  	s7 =	sld [smem:$0x3FAF]  }
0x2d: {  	s3 =	simm.s32 $0x108;
	s8 =	sld [smem:$0x3FB0]  }
0x2e: {  	s3 =	simm.s32 @!p0 $0x1082;
	s9 =	sld [smem:$0x3FB1]  }
0x2f: {  	lr =	sadd.s32 s0, s3;
	s0 =	sld [smem:$0x3FA8]  }
0x30: {  	s3 =	sld [smem:$0x3FAB]  }
0x31: {  	[smem:$0x3FB4] =	sst s10  }
0x32: {  	s10 =	sld [smem:$0x3FB2];
	_ =	sdelay $0x3  }
0x33: {  	p0 =	seq.s32 s10, $0x1;
	s10 =	sld [smem:$0x3FB4];
	_ =	sdelay $0x3  }
0x34: {  	[smem:$0x3FB4] =	sst s10  }
0x35: {  	s10 =	sld [smem:$0x3FB3];
	_ =	sdelay $0x3  }
0x36: {  	p1 =	seq.s32 s10, $0x1;
	s10 =	sld [smem:$0x3FB4];
	_ =	sdelay $0x3  }
0x37: {  	[smem:$0x3FB4] =	sst s10  }
0x38: {  	s10 =	sld [smem:$0x3FB5]  }
0x39: {  	_ = 	snop;
	(pc) =	sbr.ind lr, $3  }
0x3a: {  	_ = 	snop  }
0x3b: {  	_ = 	snop  }
0x3c: {  	p2 =	seq.s32 s10, $0x1;
	s10 =	sld [smem:$0x3FB4]  }
0x3d: {  	_ =	shalt  }
0x3e: {  	_ =	shalt  }
0x3f: {  	_ =	shalt  }
0x40: {  	_ =	shalt  }
0x41: {  	_ =	shalt  }
0x42: {  	_ =	shalt  }
0x43: {  	_ =	shalt  }
0x44: {  	_ =	shalt  }
0x45: {  	_ =	shalt  }
0x46: {  	_ =	shalt  }
0x47: {  	_ =	shalt  }
0x48: {  	_ =	shalt  }
0x49: {  	_ =	shalt  }
0x4a: {  	_ =	shalt  }
0x4b: {  	_ =	shalt  }
0x4c: {  	_ =	shalt  }
0x4d: {  	_ =	shalt  }
0x4e: {  	_ =	shalt  }
0x4f: {  	_ =	shalt  }
0x50: {  	_ =	shalt  }
0x51: {  	_ =	shalt  }
0x52: {  	_ =	shalt  }
0x53: {  	_ =	shalt  }
0x54: {  	_ =	shalt  }
0x55: {  	_ =	shalt  }
0x56: {  	_ =	shalt  }
0x57: {  	_ =	shalt  }
0x58: {  	_ =	shalt  }
0x59: {  	_ =	shalt  }
0x5a: {  	_ =	shalt  }
0x5b: {  	_ =	shalt  }
0x5c: {  	_ =	shalt  }
0x5d: {  	_ =	shalt  }
0x5e: {  	_ =	shalt  }
0x5f: {  	_ =	shalt  }
0x60: {  	_ =	shalt  }
0x61: {  	_ =	shalt  }
0x62: {  	_ =	shalt  }
0x63: {  	_ =	shalt  }
0x64: {  	_ =	shalt  }
0x65: {  	_ =	shalt  }
0x66: {  	_ =	shalt  }
0x67: {  	_ =	shalt  }
0x68: {  	_ =	shalt  }
0x69: {  	_ =	shalt  }
0x6a: {  	_ =	shalt  }
0x6b: {  	_ =	shalt  }
0x6c: {  	_ =	shalt  }
0x6d: {  	_ =	shalt  }
0x6e: {  	_ =	shalt  }
0x6f: {  	_ =	shalt  }
0x70: {  	_ =	shalt  }
0x71: {  	_ =	shalt  }
0x72: {  	_ =	shalt  }
0x73: {  	_ =	shalt  }
0x74: {  	_ =	shalt  }
0x75: {  	_ =	shalt  }
0x76: {  	_ =	shalt  }
0x77: {  	_ =	shalt  }
0x78: {  	_ =	shalt  }
0x79: {  	_ =	shalt  }
0x7a: {  	_ =	shalt  }
0x7b: {  	_ =	shalt  }
0x7c: {  	_ =	shalt  }
0x7d: {  	_ =	shalt  }
0x7e: {  	_ =	shalt  }
0x7f: {  	_ =	shalt  }
0x80: {  	_ =	shalt  }
0x81: {  	_ =	shalt  }
0x82: {  	_ =	shalt  }
0x83: {  	_ =	shalt  }
0x84: {  	_ =	shalt  }
0x85: {  	_ =	shalt  }
0x86: {  	_ =	shalt  }
0x87: {  	_ =	shalt  }
.Lfunc_end0:
.L_simem_size_0:
called_computation_lowered:
.L_overlay_start_0:
0x88: {  	s2 =	sld [smem:$0x3FD9]  }
0x89: {  	s3 =	sld [smem:$0x3FFE];
	_ =	sdelay $0x1  }
0x8a: {  	s1 =	srdreg.scid  }
0x8b: {  	s0 =	sand.u32 $0x1, s1  }
0x8c: {  	s14 =	sshll.u32 s0, $0xA;
	s2 =	sadd.s32 s3, s2  }
0x8d: {  	s2 =	sadd.s32 s2, s14  }
0x8e: {  	[smem:$0x3FC0] =	sst s2  }
0x8f: {  	_ = 	snop  }
0x90: {  	s2 =	sld [smem:$0x3FD0];
	_ =	sdelay $0x2  }
0x91: {  	s15 =	simm.s32 $0xA;
	s4 =	simm.s32 $0x10  }
0x92: {  	[smem:s4], [sflag:s15] =	dma.local [hbm:s2], $0x1  }
0x93: {  	_ =	swait.eq [sflag:s15], $0x1  }
0x94: {  	[sflag:s15] =	ssyncset.done $0x0  }
0x95: {  	s16 =	sld [smem:$0x10];
	[sflag:s15] =	ssyncadd.s32 $0xFFFFFFFF  }
0x96: {  	s17 =	sld [smem:$0x11];
	(tm) =	ssettm $0x1  }
0x97: {  	s18 =	sld [smem:$0x3FFB];
	_ =	sdelay $0x3  }
0x98: {  	_ =	strace s18  }
0x99: {  	s4 =	sld [smem:$0x3FFC];
	_ =	sdelay $0x3  }
0x9a: {  	_ =	strace s4  }
0x9b: {  	s4 =	sld [smem:$0x3FFD];
	_ =	sdelay $0x3  }
0x9c: {  	_ =	strace s4  }
0x9d: {  	_ =	strace $0x8FFFFFFF  }
0x9e: {  	s19 =	sld [smem:$0x3FDB];
	_ =	sdelay $0x1  }
0x9f: {  	s5 =	simm.s32 $_scs_section_size  }
0xa0: {  	s6 =	simm.s32 $_size__tile_overlayer_lowered;
	s7 =	simm.s32 $_tile_overlayer_lowered  }
0xa1: {  	s22 =	simm.s32 $0x1BFF;
	s21 =	sshll.u32 s7, $0x1;
	s4 =	sadd.s32 s5, s19  }
0xa2: {  	s8 =	simm.s32 $0x0;
	s20 =	sshll.u32 s6, $0x1;
	s6 =	sadd.s32 s21, s4  }
0xa3: {  	[timem:s8], [sflag:s22] =	dma.local [hbm:s6], s20  }
0xa4: {  	_ =	swait.ge [sflag:s22], s20  }
0xa5: {  	s5 =	ssub.s32 $0x0, s20;
	[sflag:s22] =	ssyncset.done $0x0  }
0xa6: {  	[sflag:s22] =	ssyncadd.s32 s5;
	_ =	sdelay $0x1  }
0xa7: {  	s23 =	simm.s32 $0x1B8B  }
0xa8: {  	_ =	swait.ge [sflag:s23], $0x1  }
0xa9: {  	[sflag:s23] =	ssyncset.done $0x0  }
0xaa: {  	s25 =	simm.s32 $0x1B8E;
	s24 =	sld [smem:$0x3FFE];
	[sflag:s23] =	ssyncadd.s32 $0xFFFFFFFF  }
0xab: {  	s26 =	simm.s32 $execute0_lowered;
	[smem:$0x3FD2] =	sst s25  }
0xac: {  	s6 =	sshll.u32 s26, $0x1;
	_ =	strace $0x80000046;
	[dreg:$0x1] =	wrdreg $0xFFFFFFFF  }
0xad: {  	s28 =	simm.s32 $_size_execute0_lowered;
	s4 =	sadd.s32 s4, s6;
	[dreg:$0x0] =	wrdreg $0x0  }
0xae: {  	s6 =	sshll.u32 s28, $0x1;
	[dreg:$0x2] =	wrdreg s4  }
0xaf: {  	[dreg:$0x3] =	wrdreg s6  }
0xb0: {  	[dreg:$0x4] =	wrdreg $0xC0  }
0xb1: {  	_ =	task [dreg:s8], $0x5FFFF  }
0xb2: {  	[dreg:$0x1] =	wrdreg $0xFFFFFFFF  }
0xb3: {  	[dreg:$0x0] =	wrdreg $0x60  }
0xb4: {  	[dreg:$0x2] =	wrdreg s17  }
0xb5: {  	[dreg:$0x3] =	wrdreg s16  }
0xb6: {  	[dreg:$0x4] =	wrdreg s24  }
0xb7: {  	[dreg:$0x5] =	wrdreg $0x70400  }
0xb8: {  	[dreg:$0x6] =	wrdreg $0x1A8C00  }
0xb9: {  	[dreg:$0x7] =	wrdreg $0x9  }
0xba: {  	_ =	task.clear_ibuf [dreg:s8], $0x8FFFF;
	_ =	strace $0x90000046  }
0xbb: {  	s29 =	simm.s32 $0x9;
	_ =	strace $0x80000048  }
0xbc: {  	_ =	swait.ge [sflag:s29], $0x1  }
0xbd: {  	[sflag:s29] =	ssyncadd.s32 $0xFFFFFFFF  }
0xbe: {  	_ =	strace $0x90000048  }
0xbf: {  	_ =	sfence  }
0xc0: {  	s30 =	sld [smem:$0x0];
	_ =	sdelay $0x2  }
0xc1: {  	s31 =	sshll.u32 s1, $0xD;
	s1 =	sshrl.u32 s1, $0x2  }
0xc2: {  	s3 =	sand.u32 $0x4000, s31;
	s1 =	sadd.s32 s1, s30  }
0xc3: {  	s0 =	sor.u32 s3, s0;
	s1 =	sshll.u32 s1, $0x11  }
0xc4: {  	s0 =	sor.u32 s1, s0  }
0xc5: {  	s0 =	sadd.s32 $0x8F2B, s0  }
0xc6: {  	[sflag:s0] =	ssyncadd.remote.s32 $0x1  }
0xc7: {  	_ =	sfence.sel $0xFFFF  }
0xc8: {  	[dreg:$0x0] =	wrdreg $0xFFFFFFFF;
	(pc) =	sbr.abs _section_cstart, $3  }
0xc9: {  	[dreg:$0x1] =	wrdreg $0xFFFFFFFF  }
0xca: {  	_ =	task.clear_ibuf [dreg:s8], $0x2FFFF;
	_ =	strace $0x9FFFFFFF  }
0xcb: {  	(tm) =	ssettm $0x7FFFFFFF  }
tec
execute0_lowered:
.L_overlay_start_1:
0x0: {  	(tag) =	ssettag $0x1  }
0x1: {  	s1 =	rddreg [dreg:$0x0]  }
0x2: {  	s2 =	rddreg [dreg:$0x1]  }
0x3: {  	s9 =	rddreg [dreg:$0x2]  }
0x4: {  	s3 =	rddreg [dreg:$0x3]  }
0x5: {  	s4 =	rddreg [dreg:$0x4];
	s0 =	srdreg.scid;
	s17 =	simm.s32 $0x0  }
0x6: {  	s18 =	stileid.u32;
	s28 =	simm.s32 $0x10;
	s30 =	simm.s32 $0x6FF0  }
0x7: {  	s11 =	sand.u32 $0x1, s0;
	[smem:$0x7FF] =	sst s17;
	s0 =	smul.u32 $0x1F400, s18  }
0x8: {  	s7 =	sadd.s32 $0x2000, s9;
	s8 =	sadd.s32 $0x7000, s9;
	s14 =	smul.u32 $0x7D000, s18  }
0x9: {  	s12 =	sadd.s32 $0x1E00, s9;
	s17 =	smul.u32 $0xFA00, s18;
	p0 =	sgt.u32 s18, $0x9  }
0xa: {  	s29 =	simm.s32 $0x0;
	s5 =	smul.u32 $0x138800, s11;
	_ =	strace $0x80000047  }
0xb: {  	s10 =	smul.u32 $0x27100, s11;
	[dreg:$0x6] =	wrdreg s12;
	s13 =	ssub.s32 $0x2, s11  }
0xc: {  	s16 =	sshll.u32 s11, $0x4;
	s15 =	sshrl.u32 s13, $0x1;
	s20 =	sshrl.u32 s14, $0x2  }
0xd: {  	s21 =	sshrl.u32 s17, $0x2;
	s6 =	sadd.s32 s0, s5;
	s5 =	smul.u32 $0x3E80, s18  }
0xe: {  	s11 =	ssub.s32 s13, s15;
	s13 =	sadd.s32 s20, s3;
	s23 =	sadd.s32 s21, s4  }
0xf: {  	s0 =	sadd.s32 s0, s3;
	s6 =	sshrl.u32 s6, $0x3;
	[dreg:$0x7] =	wrdreg s13  }
0x10: {  	[dreg:$0x8] =	wrdreg s23;
	s6 =	sadd.s32 s6, s9;
	s19 =	sadd.s32 s5, s10  }
0x11: {  	s10 =	smul.u32 $0x3E8, s18;
	s5 =	sadd.s32 s5, s4;
	s12 =	sshrl.u32 s19, $0x3  }
0x12: {  	s6 =	sadd.s32 $0x15E00, s6;
	s12 =	sadd.s32 s12, s9;
	s9 =	sor.u32 s18, s16  }
0x13: {  	s22 =	sadd.s32 $0x50, s10;
	s26 =	sadd.s32 $0xA0, s10;
	s16 =	sadd.s32 $0xF0, s10  }
0x14: {  	s19 =	sadd.s32 $0x140, s10;
	[smem:$0x7FD] =	sst s6;
	s18 =	sshrl.u32 @!p0 s0, $0x3  }
0x15: {  	s0 =	simm.s32 $0x6;
	s24 =	sshll.u32 s22, $0x7;
	s25 =	sshll.u32 s22, $0x4  }
0x16: {  	s31 =	sshll.u32 s26, $0x7;
	s14 =	sshll.u32 s26, $0x4;
	s17 =	sshll.u32 s16, $0x7  }
0x17: {  	s20 =	sshll.u32 s19, $0x7;
	s21 =	sshll.u32 s19, $0x4;
	s13 =	sadd.s32 s24, s3  }
0x18: {  	s22 =	sadd.s32 $0x190, s10;
	s15 =	sadd.s32 s14, s4;
	[dreg:$0x9] =	wrdreg s13  }
0x19: {  	s19 =	sadd.s32 $0x280, s10;
	s14 =	sadd.s32 s17, s3;
	[dreg:$0xc] =	wrdreg s15  }
0x1a: {  	s23 =	sshll.u32 s22, $0x7;
	s13 =	sadd.s32 s25, s4;
	[dreg:$0xd] =	wrdreg s14  }
0x1b: {  	s14 =	sshll.u32 s22, $0x4;
	s25 =	sadd.s32 $0x1E0, s10;
	s22 =	sshll.u32 s19, $0x4  }
0x1c: {  	[dreg:$0xa] =	wrdreg s13;
	s13 =	sadd.s32 s31, s3;
	s24 =	sadd.s32 s14, s4  }
0x1d: {  	s26 =	sshll.u32 s25, $0x7;
	s31 =	sadd.s32 $0x230, s10;
	[dreg:$0xb] =	wrdreg s13  }
0x1e: {  	s13 =	sshll.u32 s16, $0x4;
	[dreg:$0x12] =	wrdreg s24;
	s14 =	sadd.s32 s26, s3  }
0x1f: {  	s16 =	sshll.u32 s31, $0x7;
	s17 =	sshll.u32 s31, $0x4;
	s26 =	sadd.s32 $0x320, s10  }
0x20: {  	s31 =	sadd.s32 $0x370, s10;
	s13 =	sadd.s32 s13, s4;
	[dreg:$0x13] =	wrdreg s14  }
0x21: {  	[dreg:$0xe] =	wrdreg s13;
	s13 =	sadd.s32 s20, s3;
	s20 =	sshll.u32 s19, $0x7  }
0x22: {  	s19 =	sshll.u32 s31, $0x7;
	[dreg:$0xf] =	wrdreg s13;
	s13 =	sadd.s32 s21, s4  }
0x23: {  	s21 =	sadd.s32 $0x2D0, s10;
	[dreg:$0x10] =	wrdreg s13;
	s13 =	sadd.s32 s23, s3  }
0x24: {  	s23 =	sshll.u32 s21, $0x7;
	[dreg:$0x11] =	wrdreg s13;
	s13 =	sshll.u32 s25, $0x4  }
0x25: {  	s24 =	sadd.s32 s23, s3;
	s25 =	sshll.u32 s21, $0x4;
	s21 =	sshll.u32 s31, $0x4  }
0x26: {  	s13 =	sadd.s32 s13, s4;
	[dreg:$0x19] =	wrdreg s24;
	s23 =	sadd.s32 s21, s4  }
0x27: {  	s21 =	simm.s32 $0x8;
	[dreg:$0x14] =	wrdreg s13;
	s13 =	sadd.s32 s16, s3  }
0x28: {  	[dreg:$0x1e] =	wrdreg s23;
	s16 =	sadd.s32 $0xC000, s12;
	s23 =	simm.s32 $0x65F0  }
0x29: {  	[dreg:$0x15] =	wrdreg s13;
	s13 =	sadd.s32 s17, s4;
	s17 =	sshll.u32 s26, $0x7  }
0x2a: {  	[dreg:$0x16] =	wrdreg s13;
	s13 =	sadd.s32 s20, s3;
	s15 =	sadd.s32 s17, s3  }
0x2b: {  	s20 =	sadd.s32 s19, s3;
	s17 =	smax.u32 s11, $0x1;
	[dreg:$0x17] =	wrdreg s13  }
0x2c: {  	s19 =	sshrl.u32 @!p0 s5, $0x3;
	s13 =	sadd.s32 s22, s4;
	[dreg:$0x1b] =	wrdreg s15  }
0x2d: {  	[dreg:$0x1d] =	wrdreg s20;
	s22 =	sadd.s32 $0x3C0, s10;
	s10 =	smul.u32 $0x2710, s9  }
0x2e: {  	[dreg:$0x18] =	wrdreg s13;
	s13 =	sadd.s32 s25, s4;
	s24 =	sshll.u32 s22, $0x7  }
0x2f: {  	v0 =	vlaneseq.u32;
	s25 =	sshll.u32 s22, $0x4;
	s22 =	simm.s32 $0x15F0;
	[dreg:$0x1a] =	wrdreg s13  }
0x30: {  	v0 =	vmul.u32 $0x10, v0;
	s13 =	sshll.u32 s26, $0x4;
	s9 =	sadd.s32 s24, s3;
	s26 =	sadd.s32 s25, s4  }
0x31: {  	v6 =	vimm.s32 $0x0;
	vm0 =	vcmask $0x300;
	s31 =	sshrl.u32 s10, $0x3;
	s24 =	simm.s32 $0x1;
	[dreg:$0x1f] =	wrdreg s9  }
0x32: {  	v1 =	vimm.f32 $0.0e+00;
	v6 =	vsel vm0, $0x3, v6;
	v2 =	vor.u32 $0x100, v0;
	s13 =	sadd.s32 s13, s4;
	[smem:$0x7FC] =	sst s26;
	s14 =	sadd.s32 s2, s31  }
0x33: {  	v3 =	vor.u32 $0x200, v0;
	v4 =	vor.u32 $0x300, v0;
	v5 =	vor.u32 $0x400, v0;
	s25 =	simm.s32 $0x50;
	[dreg:$0x1c] =	wrdreg s13;
	s20 =	sadd.s32 $0xA, s14  }
.LBB2_1:
0x34: {  	s5 =	simm.s32 $0x0;
	s6 =	rddreg [dreg:$0x6]  }
0x35: {  	[tilespmem:s5], [sflag:$0x8] =	stream.linear.gather [hbm4b:s6+s5], $0x10, $0x38;
	[tilespmem:$0x1CFD0] =	vst v63  }
0x36: {  	_ =	swait.ge [sflag:s21], $0x10  }
0x37: {  	[sflag:s21] =	ssyncset.done $0x0  }
0x38: {  	s5 =	simm.s32 $0x1630;
	[sflag:s21] =	ssyncadd.s32 $0xFFFFFFF0  }
0x39: {  	[tilespmem:s5+$0x20] =	vst v1  }
0x3a: {  	[tilespmem:s5+$0x10] =	vst v1  }
0x3b: {  	[tilespmem:s5+$0x0] =	vst v1  }
0x3c: {  	[tilespmem:s5+$0xFFFFFFF0] =	vst v1  }
0x3d: {  	[tilespmem:s5+$0xFFFFFFE0] =	vst v1  }
0x3e: {  	[tilespmem:s5+$0xFFFFFFD0] =	vst v1  }
0x3f: {  	[tilespmem:s5+$0xFFFFFFC0] =	vst v1  }
0x40: {  	s9 =	simm.s32 $0x0;
	s6 =	simm.s32 $0x40;
	[tilespmem:s5+$0x30] =	vst v1  }
.LBB2_2:
0x41: {  	p1 =	sne.s32 s6, $0x13C0;
	[tilespmem:s9+$0x6AF0] =	vst v1  }
0x42: {  	s5 =	sadd.s32 $0x80, s5;
	[tilespmem:s9+$0x65F0] =	vst v1  }
0x43: {  	[tilespmem:s5+$0x20] =	vst v1  }
0x44: {  	[tilespmem:s5+$0x10] =	vst v1  }
0x45: {  	[tilespmem:s5+$0x0] =	vst v1  }
.Ltmp0:
0x46: {  	[tilespmem:s5+$0xFFFFFFF0] =	vst v1;
	(pc) =	sbr.rel @p1 .LBB2_2-.Ltmp0, $4  }
0x47: {  	[tilespmem:s5+$0xFFFFFFE0] =	vst v1  }
0x48: {  	[tilespmem:s5+$0xFFFFFFD0] =	vst v1  }
0x49: {  	[tilespmem:s5+$0xFFFFFFC0] =	vst v1  }
0x4a: {  	s9 =	sshra.s32 s6, $0x2;
	s6 =	sadd.s32 $0x40, s6;
	[tilespmem:s5+$0x30] =	vst v1  }
.Ltmp1:
0x4b: {  	(pc) =	sbr.rel @p0 .LBB2_5-.Ltmp1, $3  }
0x4c: {  	_ =	sdelay $0x1  }
0x4d: {  	[tilespmem:s9+$0x6AF0] =	vst v1  }
0x4e: {  	[tilespmem:s9+$0x65F0] =	vst v1  }
0x4f: {  	s5 =	rddreg [dreg:$0x7]  }
0x50: {  	s31 =	rddreg [dreg:$0x8]  }
0x51: {  	[spmem:s5] =	stream.linear.scatter [tilespmem:s22], [sflag:$0x1], $0x2800, $0x38;
	[tilespmem:$0x1CFD0] =	vst v63  }
0x52: {  	s6 =	rddreg [dreg:$0x9]  }
0x53: {  	[spmem:s31] =	stream.linear.scatter [tilespmem:s23], [sflag:$0x1], $0x500, $0x38;
	[tilespmem:$0x1CFD0] =	vst v63  }
0x54: {  	s9 =	rddreg [dreg:$0xa]  }
0x55: {  	[spmem:s6] =	stream.linear.scatter [tilespmem:s22], [sflag:$0x1], $0x2800, $0x38;
	[tilespmem:$0x1CFD0] =	vst v63  }
0x56: {  	s11 =	rddreg [dreg:$0xb]  }
0x57: {  	[spmem:s9] =	stream.linear.scatter [tilespmem:s23], [sflag:$0x1], $0x500, $0x38;
	[tilespmem:$0x1CFD0] =	vst v63  }
0x58: {  	s12 =	rddreg [dreg:$0xc]  }
0x59: {  	[spmem:s11] =	stream.linear.scatter [tilespmem:s22], [sflag:$0x1], $0x2800, $0x38;
	[tilespmem:$0x1CFD0] =	vst v63  }
0x5a: {  	s13 =	rddreg [dreg:$0xd]  }
0x5b: {  	[spmem:s12] =	stream.linear.scatter [tilespmem:s23], [sflag:$0x1], $0x500, $0x38;
	[tilespmem:$0x1CFD0] =	vst v63  }
0x5c: {  	s15 =	rddreg [dreg:$0xe]  }
0x5d: {  	[spmem:s13] =	stream.linear.scatter [tilespmem:s22], [sflag:$0x1], $0x2800, $0x38;
	[tilespmem:$0x1CFD0] =	vst v63  }
0x5e: {  	s26 =	rddreg [dreg:$0xf]  }
0x5f: {  	[spmem:s15] =	stream.linear.scatter [tilespmem:s23], [sflag:$0x1], $0x500, $0x38;
	[tilespmem:$0x1CFD0] =	vst v63  }
0x60: {  	s31 =	rddreg [dreg:$0x10]  }
0x61: {  	[spmem:s26] =	stream.linear.scatter [tilespmem:s22], [sflag:$0x1], $0x2800, $0x38;
	[tilespmem:$0x1CFD0] =	vst v63  }
0x62: {  	s6 =	rddreg [dreg:$0x11]  }
0x63: {  	[spmem:s31] =	stream.linear.scatter [tilespmem:s23], [sflag:$0x1], $0x500, $0x38;
	[tilespmem:$0x1CFD0] =	vst v63  }
0x64: {  	s9 =	rddreg [dreg:$0x12]  }
0x65: {  	[spmem:s6] =	stream.linear.scatter [tilespmem:s22], [sflag:$0x1], $0x2800, $0x38;
	[tilespmem:$0x1CFD0] =	vst v63  }
0x66: {  	s11 =	rddreg [dreg:$0x13]  }
0x67: {  	[spmem:s9] =	stream.linear.scatter [tilespmem:s23], [sflag:$0x1], $0x500, $0x38;
	[tilespmem:$0x1CFD0] =	vst v63  }
0x68: {  	s12 =	rddreg [dreg:$0x14]  }
0x69: {  	[spmem:s11] =	stream.linear.scatter [tilespmem:s22], [sflag:$0x1], $0x2800, $0x38;
	[tilespmem:$0x1CFD0] =	vst v63  }
0x6a: {  	s13 =	rddreg [dreg:$0x15]  }
0x6b: {  	[spmem:s12] =	stream.linear.scatter [tilespmem:s23], [sflag:$0x1], $0x500, $0x38;
	[tilespmem:$0x1CFD0] =	vst v63  }
0x6c: {  	s15 =	rddreg [dreg:$0x16]  }
0x6d: {  	[spmem:s13] =	stream.linear.scatter [tilespmem:s22], [sflag:$0x1], $0x2800, $0x38;
	[tilespmem:$0x1CFD0] =	vst v63  }
0x6e: {  	s26 =	rddreg [dreg:$0x17]  }
0x6f: {  	[spmem:s15] =	stream.linear.scatter [tilespmem:s23], [sflag:$0x1], $0x500, $0x38;
	[tilespmem:$0x1CFD0] =	vst v63  }
0x70: {  	s31 =	rddreg [dreg:$0x18]  }
0x71: {  	[spmem:s26] =	stream.linear.scatter [tilespmem:s22], [sflag:$0x1], $0x2800, $0x38;
	[tilespmem:$0x1CFD0] =	vst v63  }
0x72: {  	s6 =	rddreg [dreg:$0x19]  }
0x73: {  	[spmem:s31] =	stream.linear.scatter [tilespmem:s23], [sflag:$0x1], $0x500, $0x38;
	[tilespmem:$0x1CFD0] =	vst v63  }
0x74: {  	s9 =	rddreg [dreg:$0x1a]  }
0x75: {  	[spmem:s6] =	stream.linear.scatter [tilespmem:s22], [sflag:$0x1], $0x2800, $0x38;
	[tilespmem:$0x1CFD0] =	vst v63  }
0x76: {  	s11 =	rddreg [dreg:$0x1b]  }
0x77: {  	[spmem:s9] =	stream.linear.scatter [tilespmem:s23], [sflag:$0x1], $0x500, $0x38;
	[tilespmem:$0x1CFD0] =	vst v63  }
0x78: {  	s12 =	rddreg [dreg:$0x1c]  }
0x79: {  	[spmem:s11] =	stream.linear.scatter [tilespmem:s22], [sflag:$0x1], $0x2800, $0x38;
	[tilespmem:$0x1CFD0] =	vst v63  }
0x7a: {  	s13 =	rddreg [dreg:$0x1d]  }
0x7b: {  	[spmem:s12] =	stream.linear.scatter [tilespmem:s23], [sflag:$0x1], $0x500, $0x38;
	[tilespmem:$0x1CFD0] =	vst v63  }
0x7c: {  	s15 =	rddreg [dreg:$0x1e]  }
0x7d: {  	[spmem:s13] =	stream.linear.scatter [tilespmem:s22], [sflag:$0x1], $0x2800, $0x38;
	[tilespmem:$0x1CFD0] =	vst v63  }
0x7e: {  	s26 =	rddreg [dreg:$0x1f]  }
0x7f: {  	[spmem:s15] =	stream.linear.scatter [tilespmem:s23], [sflag:$0x1], $0x500, $0x38;
	[tilespmem:$0x1CFD0] =	vst v63  }
0x80: {  	s31 =	sld [smem:$0x7FC]  }
0x81: {  	[spmem:s26] =	stream.linear.scatter [tilespmem:s22], [sflag:$0x1], $0x1400, $0x38;
	[tilespmem:$0x1CFD0] =	vst v63  }
0x82: {  	_ = 	snop  }
0x83: {  	[spmem:s31] =	stream.linear.scatter [tilespmem:s23], [sflag:$0x1], $0x280, $0x38;
	[tilespmem:$0x1CFD0] =	vst v63  }
0x84: {  	_ =	swait.ge [sflag:s24], $0x2800  }
0x85: {  	[sflag:s24] =	ssyncset.done $0x0  }
0x86: {  	[sflag:s24] =	ssyncadd.s32 $0xFFFFD800  }
0x87: {  	_ =	swait.ge [sflag:s24], $0x500  }
0x88: {  	[sflag:s24] =	ssyncset.done $0x0  }
0x89: {  	[sflag:s24] =	ssyncadd.s32 $0xFFFFFB00  }
0x8a: {  	_ =	swait.ge [sflag:s24], $0x2800  }
0x8b: {  	[sflag:s24] =	ssyncset.done $0x0  }
0x8c: {  	[sflag:s24] =	ssyncadd.s32 $0xFFFFD800  }
0x8d: {  	_ =	swait.ge [sflag:s24], $0x500  }
0x8e: {  	[sflag:s24] =	ssyncset.done $0x0  }
0x8f: {  	[sflag:s24] =	ssyncadd.s32 $0xFFFFFB00  }
0x90: {  	_ =	swait.ge [sflag:s24], $0x2800  }
0x91: {  	[sflag:s24] =	ssyncset.done $0x0  }
0x92: {  	[sflag:s24] =	ssyncadd.s32 $0xFFFFD800  }
0x93: {  	_ =	swait.ge [sflag:s24], $0x500  }
0x94: {  	[sflag:s24] =	ssyncset.done $0x0  }
0x95: {  	[sflag:s24] =	ssyncadd.s32 $0xFFFFFB00  }
0x96: {  	_ =	swait.ge [sflag:s24], $0x2800  }
0x97: {  	[sflag:s24] =	ssyncset.done $0x0  }
0x98: {  	[sflag:s24] =	ssyncadd.s32 $0xFFFFD800  }
0x99: {  	_ =	swait.ge [sflag:s24], $0x500  }
0x9a: {  	[sflag:s24] =	ssyncset.done $0x0  }
0x9b: {  	[sflag:s24] =	ssyncadd.s32 $0xFFFFFB00  }
0x9c: {  	_ =	swait.ge [sflag:s24], $0x2800  }
0x9d: {  	[sflag:s24] =	ssyncset.done $0x0  }
0x9e: {  	[sflag:s24] =	ssyncadd.s32 $0xFFFFD800  }
0x9f: {  	_ =	swait.ge [sflag:s24], $0x500  }
0xa0: {  	[sflag:s24] =	ssyncset.done $0x0  }
0xa1: {  	[sflag:s24] =	ssyncadd.s32 $0xFFFFFB00  }
0xa2: {  	_ =	swait.ge [sflag:s24], $0x2800  }
0xa3: {  	[sflag:s24] =	ssyncset.done $0x0  }
0xa4: {  	[sflag:s24] =	ssyncadd.s32 $0xFFFFD800  }
0xa5: {  	_ =	swait.ge [sflag:s24], $0x500  }
0xa6: {  	[sflag:s24] =	ssyncset.done $0x0  }
0xa7: {  	[sflag:s24] =	ssyncadd.s32 $0xFFFFFB00  }
0xa8: {  	_ =	swait.ge [sflag:s24], $0x2800  }
0xa9: {  	[sflag:s24] =	ssyncset.done $0x0  }
0xaa: {  	[sflag:s24] =	ssyncadd.s32 $0xFFFFD800  }
0xab: {  	_ =	swait.ge [sflag:s24], $0x500  }
0xac: {  	[sflag:s24] =	ssyncset.done $0x0  }
0xad: {  	[sflag:s24] =	ssyncadd.s32 $0xFFFFFB00  }
0xae: {  	_ =	swait.ge [sflag:s24], $0x2800  }
0xaf: {  	[sflag:s24] =	ssyncset.done $0x0  }
0xb0: {  	[sflag:s24] =	ssyncadd.s32 $0xFFFFD800  }
0xb1: {  	_ =	swait.ge [sflag:s24], $0x500  }
0xb2: {  	[sflag:s24] =	ssyncset.done $0x0  }
0xb3: {  	[sflag:s24] =	ssyncadd.s32 $0xFFFFFB00  }
0xb4: {  	_ =	swait.ge [sflag:s24], $0x2800  }
0xb5: {  	[sflag:s24] =	ssyncset.done $0x0  }
0xb6: {  	[sflag:s24] =	ssyncadd.s32 $0xFFFFD800  }
0xb7: {  	_ =	swait.ge [sflag:s24], $0x500  }
0xb8: {  	[sflag:s24] =	ssyncset.done $0x0  }
0xb9: {  	[sflag:s24] =	ssyncadd.s32 $0xFFFFFB00  }
0xba: {  	_ =	swait.ge [sflag:s24], $0x2800  }
0xbb: {  	[sflag:s24] =	ssyncset.done $0x0  }
0xbc: {  	[sflag:s24] =	ssyncadd.s32 $0xFFFFD800  }
0xbd: {  	_ =	swait.ge [sflag:s24], $0x500  }
0xbe: {  	[sflag:s24] =	ssyncset.done $0x0  }
0xbf: {  	[sflag:s24] =	ssyncadd.s32 $0xFFFFFB00  }
0xc0: {  	_ =	swait.ge [sflag:s24], $0x2800  }
0xc1: {  	[sflag:s24] =	ssyncset.done $0x0  }
0xc2: {  	[sflag:s24] =	ssyncadd.s32 $0xFFFFD800  }
0xc3: {  	_ =	swait.ge [sflag:s24], $0x500  }
0xc4: {  	[sflag:s24] =	ssyncset.done $0x0  }
0xc5: {  	[sflag:s24] =	ssyncadd.s32 $0xFFFFFB00  }
0xc6: {  	_ =	swait.ge [sflag:s24], $0x2800  }
0xc7: {  	[sflag:s24] =	ssyncset.done $0x0  }
0xc8: {  	[sflag:s24] =	ssyncadd.s32 $0xFFFFD800  }
0xc9: {  	_ =	swait.ge [sflag:s24], $0x500  }
0xca: {  	[sflag:s24] =	ssyncset.done $0x0  }
0xcb: {  	[sflag:s24] =	ssyncadd.s32 $0xFFFFFB00  }
0xcc: {  	_ =	swait.ge [sflag:s24], $0x1400  }
0xcd: {  	[sflag:s24] =	ssyncset.done $0x0  }
0xce: {  	[sflag:s24] =	ssyncadd.s32 $0xFFFFEC00  }
0xcf: {  	_ =	swait.ge [sflag:s24], $0x280  }
0xd0: {  	[sflag:s24] =	ssyncset.done $0x0  }
0xd1: {  	[sflag:s24] =	ssyncadd.s32 $0xFFFFFD80  }
.LBB2_5:
0xd2: {  	[bflag:$0x0] =	sbarrier.arrive $0xFFFF;
	s5 =	simm.s32 $0x4E200  }
0xd3: {  	v7 =	vld [tilespmem:$0x0];
	[tilespmem:s28], [sflag:$0x1] =	stream.strided.gather [hbm4b:s14+s25], $0xA0, s5, s25, $0x38  }
0xd4: {  	_ =	swait.ge [sflag:s24], $0xA0  }
0xd5: {  	[sflag:s24] =	ssyncset.done $0x0  }
0xd6: {  	s6 =	simm.s32 $0xB0;
	[sflag:s24] =	ssyncadd.s32 $0xFFFFFF60  }
0xd7: {  	[tilespmem:s6], [sflag:$0x1] =	stream.strided.gather [hbm4b:s20+s25], $0xA0, s5, s25, $0x38;
	[tilespmem:$0x1CFD0] =	vst v63  }
0xd8: {  	_ = 	snop  }
0xd9: {  	[tilespmem:s22], [sflag:$0x2] =	stream.indirect.gather [hbm4b:s1+s25], $0x80, s28, s25, $0xb8;
	[tilespmem:$0x1CFD0] =	vst v63  }
0xda: {  	s15 =	simm.s32 $0x1F0;
	s26 =	simm.s32 $0x60  }
0xdb: {  	[tilespmem:s15], [sflag:$0x4] =	stream.indirect.gather [hbm4b:s7+s25], $0x10, s28, s25, $0xb8;
	[tilespmem:$0x1CFD0] =	vst v63  }
0xdc: {  	s31 =	simm.s32 $0xBF0;
	p1 =	por $0x0, $0x0;
	s6 =	simm.s32 $0x0  }
0xdd: {  	[tilespmem:s31], [sflag:$0x4] =	stream.indirect.gather [hbm4b:s8+s25], $0x10, s26, s25, $0xb8;
	[tilespmem:$0x1CFD0] =	vst v63  }
.LBB2_6:
0xde: {  	s13 =	sand.u32 $0x1, s6;
	p2 =	seq.s32 s6, $0x0  }
0xdf: {  	s5 =	sxor.u32 @!p2 $0x1, s13  }
0xe0: {  	p3 =	seq.s32 @!p2 s6, $0x7C;
	s9 =	sor.u32 @!p2 $0x6, s5  }
0xe1: {  	p3 =	por p2, !p3;
	_ =	swait.ge @!p2 [sflag:s9], $0x2800  }
.Ltmp2:
0xe2: {  	[sflag:s9] =	ssyncset.done @!p2 $0x0;
	(pc) =	sbr.rel @!p3 .LBB2_8-.Ltmp2, $4  }
0xe3: {  	[sflag:s9] =	ssyncadd.s32 @!p2 $0xFFFFD800  }
0xe4: {  	_ =	swait.ge @!p2 [sflag:s9], $0x500  }
0xe5: {  	[sflag:s9] =	ssyncset.done @!p2 $0x0  }
0xe6: {  	[sflag:s9] =	ssyncadd.s32 @!p2 $0xFFFFFB00  }
0xe7: {  	s9 =	sadd.s32 $0x1, s6  }
0xe8: {  	s11 =	sand.u32 $0xFF, s9  }
0xe9: {  	s11 =	smul.u32 $0xAB, s11;
	_ =	sdelay $0x1  }
0xea: {  	s11 =	sshrl.u32 s11, $0x9  }
0xeb: {  	s11 =	smul.u32 $0x3, s11  }
0xec: {  	s5 =	simm.s32 @p2 $0x1;
	p2 =	sgt.u32 s6, $0x7A  }
0xed: {  	s31 =	smul.u32 $0xA000, s5;
	s12 =	sadd.s32 @!p2 $0x2, s6;
	s9 =	ssub.s32 s9, s11  }
0xee: {  	_ =	swait.ge [sflag:s24], $0xA0;
	s15 =	smul.u32 @!p2 $0xAB, s12;
	s9 =	sand.u32 $0xFF, s9  }
0xef: {  	[sflag:s24] =	ssyncset.done $0x0;
	s9 =	smul.u32 $0x280, s9  }
0xf0: {  	s26 =	sor.u32 $0x2, s5;
	[sflag:s24] =	ssyncadd.s32 $0xFFFFFF60;
	s15 =	sshrl.u32 @!p2 s15, $0x9  }
0xf1: {  	s15 =	sand.u32 @!p2 $0x7F, s15;
	s11 =	sshrl.u32 s31, $0x2;
	s9 =	sshrl.u32 s9, $0x2  }
0xf2: {  	s15 =	smul.u32 @!p2 $0x3, s15;
	s11 =	sadd.s32 $0x15F0, s11;
	s31 =	sor.u32 $0x10, s9  }
0xf3: {  	[tilespmem:s11], [sflag:s26] =	stream.indirect.gather [hbm4b:s1+s25], $0x80, s31, s25, $0xb8;
	[tilespmem:$0x1CFD0] =	vst v63  }
0xf4: {  	s11 =	smul.u32 $0x500, s5  }
0xf5: {  	s15 =	ssub.s32 @!p2 s12, s15;
	s12 =	smul.u32 @!p2 $0x50, s12  }
0xf6: {  	s15 =	sand.u32 @!p2 $0xFF, s15;
	s5 =	sor.u32 $0x4, s5;
	s26 =	sadd.s32 $0x1F0, s11  }
0xf7: {  	[tilespmem:s26], [sflag:s5] =	stream.indirect.gather [hbm4b:s7+s25], $0x10, s31, s25, $0xb8;
	[tilespmem:$0x1CFD0] =	vst v63  }
0xf8: {  	s15 =	smul.u32 @!p2 $0x280, s15;
	s9 =	sadd.s32 $0x60, s9;
	s11 =	sadd.s32 $0xBF0, s11  }
0xf9: {  	[tilespmem:s11], [sflag:s5] =	stream.indirect.gather [hbm4b:s8+s25], $0x10, s9, s25, $0xb8;
	[tilespmem:$0x1CFD0] =	vst v63  }
0xfa: {  	s9 =	sadd.s32 @!p2 s10, s12  }
0xfb: {  	s5 =	sshrl.u32 @!p2 s15, $0x2;
	s11 =	simm.s32 @!p2 $0x50;
	s9 =	sshrl.u32 @!p2 s9, $0x3  }
0xfc: {  	s12 =	simm.s32 @!p2 $0x4E200;
	s5 =	sor.u32 @!p2 $0x10, s5;
	s9 =	sadd.s32 @!p2 s2, s9  }
0xfd: {  	[tilespmem:s5], [sflag:$0x1] =	stream.strided.gather @!p2 [hbm4b:s9+s11], $0xA0, s12, s11, $0x38;
	[tilespmem:$0x1CFD0] =	vst v63  }
.LBB2_8:
0xfe: {  	s9 =	sor.u32 $0x4, s13  }
0xff: {  	_ =	swait.ge [sflag:s9], $0x500  }
0x100: {  	[sflag:s9] =	ssyncset.done $0x0  }
0x101: {  	[sflag:s9] =	ssyncadd.s32 $0xFFFFFB00  }
0x102: {  	_ =	swait.ge [sflag:s9], $0x500  }
0x103: {  	s5 =	smul.u32 $0x500, s13;
	[sflag:s9] =	ssyncset.done $0x0  }
0x104: {  	[sflag:s9] =	ssyncadd.s32 $0xFFFFFB00  }
0x105: {  	v8 =	vld.idx.msk [tilespmem:v0+s5+$0x1F0], $0xffff  }
0x106: {  	v9 =	vld.idx.msk [tilespmem:v0+s5+$0xBF0], $0xffff;
	_ =	sdelay $0x4  }
0x107: {  	v8 =	vadd.f32 v9, v8;
	_ =	sdelay $0x1  }
0x108: {  	v9 =	vmul.f32 $2.000000030e-01, v8  }
0x109: {  	vm0 =	vgt.f32 v8, $0.0e+00  }
0x10a: {  	v8 =	vsel vm0, v8, v9  }
0x10b: {  	v8 =	vsub.f32 v8, v7;
	_ =	sdelay $0x1  }
0x10c: {  	v8 =	vmul.f32 $1.442695020e+00, v8;
	_ =	sdelay $0x1  }
0x10d: {  	(erf) = vpow2.f32 v8;
	_ =	sdelay $0x8  }
0x10e: {  	v8 =	vpop (erf)  }
0x10f: {  	[tilespmem:$0x6FF0] =	vst v8  }
0x110: {  	[tilespmem:v0+s5+$0x65F0] =	vst.idx.msk $0xffff, v8  }
0x111: {  	v8 =	vld.idx.msk [tilespmem:v2+s5+$0x1F0], $0xffff  }
0x112: {  	v9 =	vld.idx.msk [tilespmem:v2+s5+$0xBF0], $0xffff;
	_ =	sdelay $0x4  }
0x113: {  	v8 =	vadd.f32 v9, v8;
	_ =	sdelay $0x1  }
0x114: {  	v9 =	vmul.f32 $2.000000030e-01, v8  }
0x115: {  	vm12 =	vgt.f32 v8, $0.0e+00  }
0x116: {  	v8 =	vsel vm12, v8, v9  }
0x117: {  	v8 =	vsub.f32 v8, v7;
	_ =	sdelay $0x1  }
0x118: {  	v8 =	vmul.f32 $1.442695020e+00, v8;
	_ =	sdelay $0x1  }
0x119: {  	(erf) = vpow2.f32 v8;
	_ =	sdelay $0x8  }
0x11a: {  	v8 =	vpop (erf)  }
0x11b: {  	[tilespmem:$0x7000] =	vst v8  }
0x11c: {  	[tilespmem:v2+s5+$0x65F0] =	vst.idx.msk $0xffff, v8  }
0x11d: {  	v8 =	vld.idx.msk [tilespmem:v3+s5+$0x1F0], $0xffff  }
0x11e: {  	v9 =	vld.idx.msk [tilespmem:v3+s5+$0xBF0], $0xffff;
	_ =	sdelay $0x4  }
0x11f: {  	v8 =	vadd.f32 v9, v8;
	_ =	sdelay $0x1  }
0x120: {  	v9 =	vmul.f32 $2.000000030e-01, v8  }
0x121: {  	vm13 =	vgt.f32 v8, $0.0e+00  }
0x122: {  	v8 =	vsel vm13, v8, v9  }
0x123: {  	v8 =	vsub.f32 v8, v7;
	_ =	sdelay $0x1  }
0x124: {  	v8 =	vmul.f32 $1.442695020e+00, v8;
	_ =	sdelay $0x1  }
0x125: {  	(erf) = vpow2.f32 v8;
	_ =	sdelay $0x8  }
0x126: {  	v8 =	vpop (erf)  }
0x127: {  	[tilespmem:$0x7010] =	vst v8  }
0x128: {  	[tilespmem:v3+s5+$0x65F0] =	vst.idx.msk $0xffff, v8  }
0x129: {  	v8 =	vld.idx.msk [tilespmem:v4+s5+$0x1F0], $0xffff  }
0x12a: {  	v9 =	vld.idx.msk [tilespmem:v4+s5+$0xBF0], $0xffff;
	_ =	sdelay $0x4  }
0x12b: {  	v8 =	vadd.f32 v9, v8;
	_ =	sdelay $0x1  }
0x12c: {  	v9 =	vmul.f32 $2.000000030e-01, v8  }
0x12d: {  	vm14 =	vgt.f32 v8, $0.0e+00  }
0x12e: {  	v8 =	vsel vm14, v8, v9  }
0x12f: {  	v8 =	vsub.f32 v8, v7;
	_ =	sdelay $0x1  }
0x130: {  	v8 =	vmul.f32 $1.442695020e+00, v8;
	_ =	sdelay $0x1  }
0x131: {  	(erf) = vpow2.f32 v8;
	_ =	sdelay $0x8  }
0x132: {  	v8 =	vpop (erf)  }
0x133: {  	[tilespmem:$0x7020] =	vst v8  }
0x134: {  	[tilespmem:v4+s5+$0x65F0] =	vst.idx.msk $0xffff, v8  }
0x135: {  	v8 =	vld.idx.msk [tilespmem:v5+s5+$0x1F0], $0xffff  }
0x136: {  	v9 =	vld.idx.msk [tilespmem:v5+s5+$0xBF0], $0xffff;
	_ =	sdelay $0x4  }
0x137: {  	v8 =	vadd.f32 v9, v8;
	_ =	sdelay $0x1  }
0x138: {  	v9 =	vmul.f32 $2.000000030e-01, v8  }
0x139: {  	vm15 =	vgt.f32 v8, $0.0e+00  }
0x13a: {  	v8 =	vsel vm15, v8, v9  }
0x13b: {  	v8 =	vsub.f32 v8, v7;
	_ =	sdelay $0x1  }
0x13c: {  	v8 =	vmul.f32 $1.442695020e+00, v8;
	_ =	sdelay $0x1  }
0x13d: {  	s11 =	smul.u32 $0xAB, s6;
	(erf) = vpow2.f32 v8;
	_ =	sdelay $0x1  }
0x13e: {  	s9 =	sshrl.u32 s11, $0x9  }
0x13f: {  	s9 =	sand.u32 $0x7F, s9  }
0x140: {  	s9 =	smul.u32 $0x3, s9;
	_ =	sdelay $0x1  }
0x141: {  	s12 =	simm.s32 $0x1;
	s11 =	simm.s32 $0x0;
	s9 =	ssub.s32 s6, s9  }
0x142: {  	s9 =	sand.u32 $0xFF, s9;
	v9 =	vmov s12;
	v8 =	vmov s11  }
0x143: {  	s9 =	smul.u32 $0x280, s9;
	v9 =	vshrl.u32 v9, $0x3;
	v8 =	vshrl.u32 v8, $0x3  }
0x144: {  	v9 =	vshll.u32 v9, v6;
	v8 =	vshll.u32 v8, v6;
	v10 =	vpop (erf)  }
0x145: {  	s26 =	sor.u32 $0x2, s13;
	s15 =	sadd.s32 $0x65F0, s5;
	s9 =	sshrl.u32 s9, $0x2;
	v9 =	vadd.s32 $0x1, v9;
	v8 =	vbroadcast v8, $0x0;
	[tilespmem:$0x7030] =	vst v10  }
0x146: {  	s31 =	sadd.s32 $0x60, s9;
	s9 =	simm.s32 $0x1;
	v9 =	vbroadcast v9, $0x0;
	s11 =	sor.u32 $0x6, s13;
	[tilespmem:v5+s5+$0x65F0] =	vst.idx.msk $0xffff, v10  }
0x147: {  	[spmem:s4] =	stream.indirect.scatter.add.f32 [tilespmem:s15], [sflag:s11], $0x10, s31, s25, $0xb8;
	[tilespmem:$0x1CFD0] =	vst v63  }
0x148: {  	s9 =	simm.s32 @!p1 $0x0;
	s12 =	simm.s32 $0x7;
	_ =	swait.ge [sflag:s26], $0x2800  }
0x149: {  	s9 =	smul.u32 $0xA000, s9;
	v11 =	vmov s12;
	[sflag:s26] =	ssyncset.done $0x0  }
0x14a: {  	v11 =	vshrl.u32 v11, $0x3;
	[sflag:s26] =	ssyncadd.s32 $0xFFFFD800  }
0x14b: {  	s12 =	sshrl.u32 s9, $0x2;
	v10 =	vshll.u32 v11, v6;
	v11 =	vld.idx.msk [tilespmem:v8+s30+$0x0], $0xffff  }
0x14c: {  	s12 =	sadd.s32 $0x17F0, s12;
	v9 =	vld.idx.msk [tilespmem:v9+s30+$0x0], $0xffff  }
0x14d: {  	v10 =	vadd.s32 $0x7, v10;
	v12 =	vld [tilespmem:s12+$0xFFFFFE10]  }
0x14e: {  	v10 =	vbroadcast v10, $0x0;
	v13 =	vld [tilespmem:s12+$0xFFFFFE20]  }
0x14f: {  	v14 =	vld [tilespmem:s12+$0xFFFFFE30]  }
0x150: {  	v15 =	vld [tilespmem:s12+$0xFFFFFE40]  }
0x151: {  	v16 =	vld [tilespmem:s12+$0xFFFFFE50]  }
0x152: {  	v18 =	vld [tilespmem:s12+$0xFFFFFE60]  }
0x153: {  	v19 =	vld [tilespmem:s12+$0x1F0]  }
0x154: {  	v8 =	vld.idx.msk [tilespmem:v10+s30+$0x0], $0xffff  }
0x155: {  	v10 =	vld [tilespmem:s12+$0xFFFFFE00]  }
0x156: {  	v23 =	vld [tilespmem:s12+$0xFFFFFEB0]  }
0x157: {  	v20 =	vld [tilespmem:s12+$0xFFFFFE80];
	v12 =	vmul.f32 v12, v11  }
0x158: {  	v21 =	vld [tilespmem:s12+$0xFFFFFE90];
	v13 =	vmul.f32 v13, v11  }
0x159: {  	s15 =	simm.s32 $0x2;
	v22 =	vld [tilespmem:s12+$0xFFFFFEA0];
	v14 =	vmul.f32 v14, v11;
	[tilespmem:s12+$0xFFFFFE10] =	vst v12  }
0x15a: {  	v17 =	vmov s15;
	v24 =	vld [tilespmem:s12+$0xFFFFFEC0];
	[tilespmem:s12+$0xFFFFFE20] =	vst v13;
	v10 =	vmul.f32 v10, v11  }
0x15b: {  	v17 =	vshrl.u32 v17, $0x3;
	v23 =	vmul.f32 v23, v9;
	v12 =	vld [tilespmem:s12+$0xFFFFFEE0];
	[tilespmem:s12+$0xFFFFFE30] =	vst v14  }
0x15c: {  	v13 =	vmul.f32 v15, v11;
	v15 =	vld [tilespmem:s12+$0xFFFFFEF0];
	v19 =	vmul.f32 v19, v8;
	[tilespmem:s12+$0xFFFFFE00] =	vst v10;
	v10 =	vshll.u32 v17, v6  }
0x15d: {  	s26 =	simm.s32 $0x3;
	v14 =	vmul.f32 v16, v11;
	v16 =	vld [tilespmem:s12+$0xFFFFFF00];
	[tilespmem:s12+$0xFFFFFEB0] =	vst v23;
	v10 =	vadd.s32 $0x2, v10  }
0x15e: {  	v25 =	vmov s26;
	v17 =	vld [tilespmem:s12+$0xFFFFFE70];
	[tilespmem:s12+$0x1F0] =	vst v19;
	v19 =	vmul.f32 v20, v9;
	v10 =	vbroadcast v10, $0x0  }
0x15f: {  	v25 =	vshrl.u32 v25, $0x3;
	v23 =	vld [tilespmem:s12+$0xFFFFFF80];
	[tilespmem:s12+$0xFFFFFE40] =	vst v13  }
0x160: {  	v13 =	vmul.f32 v18, v11;
	v18 =	vld [tilespmem:s12+$0xFFFFFF10];
	[tilespmem:s12+$0xFFFFFE80] =	vst v19;
	v19 =	vshll.u32 v25, v6  }
0x161: {  	v20 =	vld [tilespmem:s12+$0xFFFFFED0];
	v19 =	vadd.s32 $0x3, v19  }
0x162: {  	[tilespmem:s12+$0xFFFFFE50] =	vst v14;
	v14 =	vld [tilespmem:s12+$0xFFFFFF20];
	v19 =	vbroadcast v19, $0x0  }
0x163: {  	[tilespmem:s12+$0xFFFFFE60] =	vst v13;
	v13 =	vmul.f32 v21, v9;
	v21 =	vld [tilespmem:s12+$0xFFFFFF40];
	v11 =	vmul.f32 v17, v11  }
0x164: {  	v24 =	vmul.f32 v24, v9;
	v10 =	vld.idx.msk [tilespmem:v10+s30+$0x0], $0xffff  }
0x165: {  	v12 =	vmul.f32 v12, v9;
	v17 =	vld [tilespmem:s12+$0xFFFFFF30];
	[tilespmem:s12+$0xFFFFFE70] =	vst v11;
	v11 =	vmul.f32 v22, v9  }
0x166: {  	[tilespmem:s12+$0xFFFFFE90] =	vst v13;
	v20 =	vmul.f32 v20, v9;
	v9 =	vmul.f32 v15, v9;
	v15 =	vld [tilespmem:s12+$0xFFFFFF90]  }
0x167: {  	[tilespmem:s12+$0xFFFFFEA0] =	vst v11;
	v11 =	vld [tilespmem:s12+$0xFFFFFF60]  }
0x168: {  	[tilespmem:s12+$0xFFFFFEE0] =	vst v12;
	v19 =	vld.idx.msk [tilespmem:v19+s30+$0x0], $0xffff  }
0x169: {  	s9 =	simm.s32 $0x4;
	[tilespmem:s12+$0xFFFFFED0] =	vst v20;
	v20 =	vld [tilespmem:s12+$0xFFFFFFD0];
	v13 =	vmul.f32 v16, v10  }
0x16a: {  	v22 =	vmov s9;
	[tilespmem:s12+$0xFFFFFEF0] =	vst v9;
	v16 =	vld [tilespmem:s12+$0xFFFFFF50];
	v12 =	vmul.f32 v18, v10  }
0x16b: {  	v22 =	vshrl.u32 v22, $0x3;
	v18 =	vld [tilespmem:s12+$0xFFFFFFA0];
	v9 =	vmul.f32 v14, v10;
	[tilespmem:s12+$0xFFFFFF00] =	vst v13  }
0x16c: {  	s15 =	simm.s32 $0x5;
	v14 =	vld [tilespmem:s12+$0xFFFFFFB0];
	v21 =	vmul.f32 v21, v10;
	v11 =	vmul.f32 v11, v10;
	v13 =	vshll.u32 v22, v6;
	[tilespmem:s12+$0xFFFFFF10] =	vst v12  }
0x16d: {  	v22 =	vld [tilespmem:s12+$0xFFFFFF70];
	[tilespmem:s12+$0xFFFFFF20] =	vst v9;
	v9 =	vmul.f32 v23, v19;
	v23 =	vmov s15;
	v13 =	vadd.s32 $0x4, v13  }
0x16e: {  	v12 =	vmul.f32 v17, v10;
	v17 =	vld [tilespmem:s12+$0xFFFFFFC0];
	[tilespmem:s12+$0xFFFFFF40] =	vst v21;
	v23 =	vshrl.u32 v23, $0x3;
	v13 =	vbroadcast v13, $0x0  }
0x16f: {  	v21 =	vld [tilespmem:s12+$0xFFFFFFF0];
	[tilespmem:s12+$0xFFFFFF80] =	vst v9;
	v9 =	vshll.u32 v23, v6  }
0x170: {  	[tilespmem:s12+$0xFFFFFF60] =	vst v11;
	v11 =	vmul.f32 v15, v19;
	v15 =	vld [tilespmem:s12+$0x10];
	v9 =	vadd.s32 $0x5, v9  }
0x171: {  	[tilespmem:s12+$0xFFFFFF30] =	vst v12;
	v12 =	vld [tilespmem:s12+$0xFFFFFFE0];
	v16 =	vmul.f32 v16, v10;
	v9 =	vbroadcast v9, $0x0  }
0x172: {  	[tilespmem:s12+$0xFFFFFF90] =	vst v11;
	v11 =	vmul.f32 v14, v19;
	v14 =	vld [tilespmem:s12+$0x30];
	v10 =	vmul.f32 v22, v10  }
0x173: {  	[tilespmem:s12+$0xFFFFFF50] =	vst v16;
	v16 =	vld [tilespmem:s12+$0x0]  }
0x174: {  	[tilespmem:s12+$0xFFFFFF70] =	vst v10;
	v10 =	vmul.f32 v18, v19;
	v13 =	vld.idx.msk [tilespmem:v13+s30+$0x0], $0xffff  }
0x175: {  	[tilespmem:s12+$0xFFFFFEC0] =	vst v24;
	v20 =	vmul.f32 v20, v19;
	v18 =	vld [tilespmem:s12+$0x20]  }
0x176: {  	[tilespmem:s12+$0xFFFFFFA0] =	vst v10;
	v10 =	vmul.f32 v17, v19;
	v17 =	vld [tilespmem:s12+$0x40]  }
0x177: {  	[tilespmem:s12+$0xFFFFFFD0] =	vst v20;
	v23 =	vld.idx.msk [tilespmem:v9+s30+$0x0], $0xffff  }
0x178: {  	s26 =	simm.s32 $0x6;
	[tilespmem:s12+$0xFFFFFFB0] =	vst v11;
	v9 =	vmul.f32 v12, v19;
	v12 =	vmul.f32 v21, v19;
	v19 =	vld [tilespmem:s12+$0x70]  }
0x179: {  	v22 =	vmov s26;
	v21 =	vld [tilespmem:s12+$0xE0];
	[tilespmem:s12+$0xFFFFFFC0] =	vst v10;
	v11 =	vmul.f32 v16, v13  }
0x17a: {  	v22 =	vshrl.u32 v22, $0x3;
	v10 =	vld [tilespmem:s12+$0x60];
	[tilespmem:s12+$0xFFFFFFE0] =	vst v9  }
0x17b: {  	v16 =	vld [tilespmem:s12+$0x50];
	v9 =	vmul.f32 v15, v13;
	[tilespmem:s12+$0x0] =	vst v11;
	v11 =	vshll.u32 v22, v6  }
0x17c: {  	[tilespmem:s12+$0xFFFFFFF0] =	vst v12;
	v15 =	vld [tilespmem:s12+$0x80];
	v12 =	vmul.f32 v18, v13;
	v11 =	vadd.s32 $0x6, v11  }
0x17d: {  	v18 =	vld [tilespmem:s12+$0x90];
	[tilespmem:s12+$0x10] =	vst v9;
	v9 =	vmul.f32 v14, v13;
	v11 =	vbroadcast v11, $0x0  }
0x17e: {  	v14 =	vld [tilespmem:s12+$0xA0];
	[tilespmem:s12+$0x20] =	vst v12;
	v12 =	vmul.f32 v17, v13  }
0x17f: {  	v17 =	vld [tilespmem:s12+$0xB0];
	v10 =	vmul.f32 v10, v13;
	[tilespmem:s12+$0x30] =	vst v9  }
0x180: {  	v22 =	vld [tilespmem:s12+$0x100];
	[tilespmem:s12+$0x40] =	vst v12;
	v9 =	vmul.f32 v16, v13  }
0x181: {  	s9 =	simm.s32 $0x8;
	s15 =	simm.s32 $0x9;
	v16 =	vld [tilespmem:s12+$0xC0];
	v12 =	vmul.f32 v15, v23;
	[tilespmem:s12+$0x60] =	vst v10  }
0x182: {  	v20 =	vmov s9;
	s26 =	simm.s32 $0xA;
	v15 =	vld [tilespmem:s12+$0xD0];
	v10 =	vmov s15;
	v18 =	vmul.f32 v18, v23;
	[tilespmem:s12+$0x50] =	vst v9  }
0x183: {  	v10 =	vshrl.u32 v10, $0x3;
	[tilespmem:s12+$0x80] =	vst v12;
	v12 =	vmov s26;
	v14 =	vmul.f32 v14, v23;
	v9 =	vld.idx.msk [tilespmem:v11+s30+$0x0], $0xffff  }
0x184: {  	s9 =	simm.s32 $0xD;
	[tilespmem:s12+$0x90] =	vst v18;
	v17 =	vmul.f32 v17, v23;
	v12 =	vshrl.u32 v12, $0x3;
	v11 =	vmul.f32 v19, v13;
	v19 =	vld [tilespmem:s12+$0xF0]  }
0x185: {  	v58 =	vmov s9;
	s26 =	simm.s32 $0xC;
	v18 =	vld [tilespmem:s12+$0x110];
	v60 =	vshll.u32 v10, v6;
	[tilespmem:s12+$0xA0] =	vst v14;
	v12 =	vshll.u32 v12, v6  }
0x186: {  	[tilespmem:s12+$0xB0] =	vst v17;
	v17 =	vld [tilespmem:s12+$0x130];
	v13 =	vshrl.u32 v20, $0x3;
	v20 =	vmov s26;
	v14 =	vmul.f32 v16, v23  }
0x187: {  	s15 =	simm.s32 $0xB;
	v16 =	vld [tilespmem:s12+$0x120];
	v15 =	vmul.f32 v15, v23;
	v63 =	vadd.s32 $0x2, v12;
	v13 =	vshll.u32 v13, v6;
	[tilespmem:s12+$0x70] =	vst v11  }
0x188: {  	v20 =	vshrl.u32 v20, $0x3;
	v11 =	vmov s15;
	[tilespmem:s12+$0xC0] =	vst v14;
	v14 =	vmul.f32 v21, v23  }
0x189: {  	s15 =	simm.s32 $0xE;
	v21 =	vld [tilespmem:s12+$0x140];
	[tilespmem:s12+$0xD0] =	vst v15;
	v20 =	vshll.u32 v20, v6;
	v15 =	vmul.f32 v19, v23;
	v19 =	vmul.f32 v22, v9  }
0x18a: {  	v59 =	vmov s15;
	v26 =	vshrl.u32 v11, $0x3;
	v11 =	vbroadcast v13, $0x0;
	[tilespmem:s12+$0xE0] =	vst v14;
	v23 =	vld [tilespmem:s12+$0x150]  }
0x18b: {  	v61 =	vld [tilespmem:s12+$0x160];
	v13 =	vshrl.u32 v58, $0x3;
	v14 =	vshll.u32 v26, v6;
	v18 =	vmul.f32 v18, v9;
	[tilespmem:s12+$0x100] =	vst v19  }
0x18c: {  	v10 =	vld [tilespmem:s12+$0x170];
	v22 =	vshrl.u32 v59, $0x3;
	v16 =	vmul.f32 v16, v9;
	v17 =	vmul.f32 v17, v9;
	[tilespmem:s12+$0xF0] =	vst v15  }
0x18d: {  	s26 =	smul.u32 $0xA000, s13;
	v62 =	vshll.u32 v22, v6;
	v22 =	vadd.s32 $0x3, v14;
	v15 =	vshll.u32 v13, v6;
	[tilespmem:s12+$0x110] =	vst v18;
	v13 =	vld [tilespmem:s12+$0x180]  }
0x18e: {  	v14 =	vld [tilespmem:s12+$0x190];
	v19 =	vadd.s32 $0x1, v60;
	v18 =	vadd.s32 $0x4, v20;
	[tilespmem:s12+$0x120] =	vst v16;
	v16 =	vmul.f32 v21, v9  }
0x18f: {  	s5 =	sshrl.u32 s26, $0x2;
	[tilespmem:s12+$0x130] =	vst v17;
	v12 =	vbroadcast v19, $0x0;
	v19 =	vadd.s32 $0x5, v15;
	v15 =	vld [tilespmem:s12+$0x1A0];
	v21 =	vmul.f32 v23, v9  }
0x190: {  	s9 =	simm.s32 $0xF;
	s13 =	sadd.s32 $0x15F0, s5;
	s5 =	simm.s32 $0x10;
	v17 =	vbroadcast v63, $0x0;
	v20 =	vadd.s32 $0x6, v62;
	[tilespmem:s12+$0x140] =	vst v16;
	v16 =	vld [tilespmem:s12+$0x1B0];
	v23 =	vmul.f32 v61, v9  }
.LBB2_9:
0x191: {  	p2 =	slt.u32 s5, $0x48;
	v22 =	vbroadcast v22, $0x0;
	v24 =	vmov s9;
	[tilespmem:s12+$0x150] =	vst v21;
	v9 =	vmul.f32 v10, v9;
	v10 =	vld [tilespmem:s12+$0x1C0]  }
0x192: {  	v18 =	vbroadcast v18, $0x0;
	v21 =	vshrl.u32 v24, $0x3;
	[tilespmem:s12+$0x160] =	vst v23;
	v13 =	vmul.f32 v13, v8;
	v23 =	vld [tilespmem:s12+$0x1D0]  }
0x193: {  	v19 =	vbroadcast v19, $0x0;
	v21 =	vshll.u32 v21, v6;
	[tilespmem:s12+$0x170] =	vst v9;
	v9 =	vmul.f32 v14, v8;
	v14 =	vld [tilespmem:s12+$0x1E0]  }
0x194: {  	v20 =	vbroadcast v20, $0x0;
	v24 =	vld.idx.msk [tilespmem:v11+s30+$0x0], $0xffff;
	v11 =	vadd.s32 $0x7, v21;
	[tilespmem:s12+$0x180] =	vst v13;
	v13 =	vmul.f32 v15, v8  }
0x195: {  	v15 =	vld.idx.msk [tilespmem:v12+s30+$0x0], $0xffff;
	v21 =	vbroadcast v11, $0x0;
	[tilespmem:s12+$0x190] =	vst v9;
	v9 =	vmul.f32 v16, v8  }
0x196: {  	v16 =	vld.idx.msk [tilespmem:v17+s30+$0x0], $0xffff;
	[tilespmem:s12+$0x1A0] =	vst v13;
	v10 =	vmul.f32 v10, v8  }
0x197: {  	v12 =	vld.idx.msk [tilespmem:v22+s30+$0x0], $0xffff;
	[tilespmem:s12+$0x1B0] =	vst v9;
	v9 =	vmul.f32 v23, v8  }
0x198: {  	v11 =	vld.idx.msk [tilespmem:v18+s30+$0x0], $0xffff;
	[tilespmem:s12+$0x1C0] =	vst v10;
	v8 =	vmul.f32 v14, v8  }
0x199: {  	v10 =	vld.idx.msk [tilespmem:v19+s30+$0x0], $0xffff;
	[tilespmem:s12+$0x1D0] =	vst v9  }
0x19a: {  	v9 =	vld.idx.msk [tilespmem:v20+s30+$0x0], $0xffff;
	[tilespmem:s12+$0x1E0] =	vst v8  }
0x19b: {  	s12 =	sadd.s32 $0x400, s12;
	v8 =	vld.idx.msk [tilespmem:v21+s30+$0x0], $0xffff  }
0x19c: {  	v13 =	vld [tilespmem:s12+$0x1F0]  }
0x19d: {  	v14 =	vld [tilespmem:s12+$0xFFFFFE00]  }
0x19e: {  	v17 =	vld [tilespmem:s12+$0xFFFFFE10]  }
0x19f: {  	v18 =	vld [tilespmem:s12+$0xFFFFFE20]  }
0x1a0: {  	v19 =	vld [tilespmem:s12+$0xFFFFFE30]  }
0x1a1: {  	v20 =	vld [tilespmem:s12+$0xFFFFFE40];
	v13 =	vmul.f32 v13, v8  }
0x1a2: {  	v14 =	vmul.f32 v14, v24;
	v21 =	vld [tilespmem:s12+$0xFFFFFE50]  }
0x1a3: {  	v17 =	vmul.f32 v17, v24;
	v22 =	vld [tilespmem:s12+$0xFFFFFE60];
	[tilespmem:s12+$0x1F0] =	vst v13  }
0x1a4: {  	[tilespmem:s12+$0xFFFFFE00] =	vst v14;
	v13 =	vmul.f32 v18, v24;
	v14 =	vld [tilespmem:s12+$0xFFFFFE70]  }
0x1a5: {  	[tilespmem:s12+$0xFFFFFE10] =	vst v17;
	v17 =	vmul.f32 v19, v24;
	v18 =	vld [tilespmem:s12+$0xFFFFFE80]  }
0x1a6: {  	[tilespmem:s12+$0xFFFFFE20] =	vst v13;
	v13 =	vmul.f32 v20, v24;
	v19 =	vld [tilespmem:s12+$0xFFFFFE90]  }
0x1a7: {  	[tilespmem:s12+$0xFFFFFE30] =	vst v17;
	v17 =	vmul.f32 v21, v24;
	v20 =	vld [tilespmem:s12+$0xFFFFFEA0]  }
0x1a8: {  	[tilespmem:s12+$0xFFFFFE40] =	vst v13;
	v13 =	vmul.f32 v22, v24;
	v21 =	vld [tilespmem:s12+$0xFFFFFEB0]  }
0x1a9: {  	[tilespmem:s12+$0xFFFFFE50] =	vst v17;
	v14 =	vmul.f32 v14, v24;
	v17 =	vld [tilespmem:s12+$0xFFFFFEC0]  }
0x1aa: {  	[tilespmem:s12+$0xFFFFFE60] =	vst v13;
	v13 =	vmul.f32 v18, v15;
	v18 =	vld [tilespmem:s12+$0xFFFFFED0]  }
0x1ab: {  	[tilespmem:s12+$0xFFFFFE70] =	vst v14;
	v14 =	vmul.f32 v19, v15;
	v19 =	vld [tilespmem:s12+$0xFFFFFEE0]  }
0x1ac: {  	[tilespmem:s12+$0xFFFFFE80] =	vst v13;
	v13 =	vmul.f32 v20, v15;
	v20 =	vld [tilespmem:s12+$0xFFFFFEF0]  }
0x1ad: {  	[tilespmem:s12+$0xFFFFFE90] =	vst v14;
	v14 =	vmul.f32 v21, v15;
	v21 =	vld [tilespmem:s12+$0xFFFFFF00]  }
0x1ae: {  	[tilespmem:s12+$0xFFFFFEA0] =	vst v13;
	v13 =	vmul.f32 v17, v15;
	v17 =	vld [tilespmem:s12+$0xFFFFFF10]  }
0x1af: {  	[tilespmem:s12+$0xFFFFFEB0] =	vst v14;
	v14 =	vmul.f32 v18, v15;
	v18 =	vld [tilespmem:s12+$0xFFFFFF20]  }
0x1b0: {  	[tilespmem:s12+$0xFFFFFEC0] =	vst v13;
	v13 =	vmul.f32 v19, v15;
	v19 =	vld [tilespmem:s12+$0xFFFFFF30]  }
0x1b1: {  	[tilespmem:s12+$0xFFFFFED0] =	vst v14;
	v14 =	vmul.f32 v20, v15;
	v15 =	vld [tilespmem:s12+$0xFFFFFF40]  }
0x1b2: {  	[tilespmem:s12+$0xFFFFFEE0] =	vst v13;
	v13 =	vmul.f32 v21, v16;
	v20 =	vld [tilespmem:s12+$0xFFFFFF50]  }
0x1b3: {  	[tilespmem:s12+$0xFFFFFEF0] =	vst v14;
	v14 =	vmul.f32 v17, v16;
	v17 =	vld [tilespmem:s12+$0xFFFFFF60]  }
0x1b4: {  	[tilespmem:s12+$0xFFFFFF00] =	vst v13;
	v13 =	vmul.f32 v18, v16;
	v18 =	vld [tilespmem:s12+$0xFFFFFF70]  }
0x1b5: {  	[tilespmem:s12+$0xFFFFFF10] =	vst v14;
	v14 =	vmul.f32 v19, v16;
	v19 =	vld [tilespmem:s12+$0xFFFFFF80]  }
0x1b6: {  	[tilespmem:s12+$0xFFFFFF20] =	vst v13;
	v13 =	vmul.f32 v15, v16;
	v15 =	vld [tilespmem:s12+$0xFFFFFF90]  }
0x1b7: {  	[tilespmem:s12+$0xFFFFFF30] =	vst v14;
	v14 =	vmul.f32 v20, v16;
	v20 =	vld [tilespmem:s12+$0xFFFFFFA0]  }
0x1b8: {  	[tilespmem:s12+$0xFFFFFF40] =	vst v13;
	v13 =	vmul.f32 v17, v16;
	v17 =	vld [tilespmem:s12+$0xFFFFFFB0]  }
0x1b9: {  	[tilespmem:s12+$0xFFFFFF50] =	vst v14;
	v14 =	vmul.f32 v18, v16;
	v16 =	vld [tilespmem:s12+$0xFFFFFFC0]  }
0x1ba: {  	[tilespmem:s12+$0xFFFFFF60] =	vst v13;
	v13 =	vmul.f32 v19, v12;
	v18 =	vld [tilespmem:s12+$0xFFFFFFD0]  }
0x1bb: {  	[tilespmem:s12+$0xFFFFFF70] =	vst v14;
	v14 =	vmul.f32 v15, v12;
	v15 =	vld [tilespmem:s12+$0xFFFFFFE0]  }
0x1bc: {  	[tilespmem:s12+$0xFFFFFF80] =	vst v13;
	v13 =	vmul.f32 v20, v12;
	v19 =	vld [tilespmem:s12+$0xFFFFFFF0]  }
0x1bd: {  	[tilespmem:s12+$0xFFFFFF90] =	vst v14;
	v14 =	vmul.f32 v17, v12;
	v17 =	vld [tilespmem:s12+$0x0]  }
0x1be: {  	[tilespmem:s12+$0xFFFFFFA0] =	vst v13;
	v13 =	vmul.f32 v16, v12;
	v16 =	vld [tilespmem:s12+$0x10]  }
0x1bf: {  	[tilespmem:s12+$0xFFFFFFB0] =	vst v14;
	v14 =	vmul.f32 v18, v12;
	v18 =	vld [tilespmem:s12+$0x20]  }
0x1c0: {  	[tilespmem:s12+$0xFFFFFFC0] =	vst v13;
	v13 =	vmul.f32 v15, v12;
	v15 =	vld [tilespmem:s12+$0x30]  }
0x1c1: {  	[tilespmem:s12+$0xFFFFFFD0] =	vst v14;
	v12 =	vmul.f32 v19, v12;
	v14 =	vld [tilespmem:s12+$0x40]  }
0x1c2: {  	[tilespmem:s12+$0xFFFFFFE0] =	vst v13;
	v13 =	vmul.f32 v17, v11;
	v17 =	vld [tilespmem:s12+$0x50]  }
0x1c3: {  	[tilespmem:s12+$0xFFFFFFF0] =	vst v12;
	v12 =	vmul.f32 v16, v11;
	v16 =	vld [tilespmem:s12+$0x60]  }
0x1c4: {  	[tilespmem:s12+$0x0] =	vst v13;
	v13 =	vmul.f32 v18, v11;
	v18 =	vld [tilespmem:s12+$0x70]  }
0x1c5: {  	[tilespmem:s12+$0x10] =	vst v12;
	v12 =	vmul.f32 v15, v11;
	v15 =	vld [tilespmem:s12+$0x80]  }
0x1c6: {  	[tilespmem:s12+$0x20] =	vst v13;
	v13 =	vmul.f32 v14, v11;
	v14 =	vld [tilespmem:s12+$0x90]  }
0x1c7: {  	[tilespmem:s12+$0x30] =	vst v12;
	v12 =	vmul.f32 v17, v11;
	v17 =	vld [tilespmem:s12+$0xA0]  }
0x1c8: {  	[tilespmem:s12+$0x40] =	vst v13;
	v13 =	vmul.f32 v16, v11;
	v16 =	vld [tilespmem:s12+$0xB0]  }
0x1c9: {  	v19 =	vmov s5;
	[tilespmem:s12+$0x50] =	vst v12;
	v11 =	vmul.f32 v18, v11;
	v12 =	vld [tilespmem:s12+$0xC0]  }
0x1ca: {  	s9 =	sadd.s32 $0x1, s5;
	s15 =	sadd.s32 $0x2, s5;
	v18 =	vshrl.u32 v19, $0x3;
	[tilespmem:s12+$0x60] =	vst v13;
	v13 =	vmul.f32 v15, v10;
	v15 =	vld [tilespmem:s12+$0xD0]  }
0x1cb: {  	v20 =	vmov s15;
	s15 =	sadd.s32 $0x4, s5;
	v19 =	vmov s9;
	s9 =	sadd.s32 $0x3, s5;
	[tilespmem:s12+$0x70] =	vst v11;
	v11 =	vmul.f32 v14, v10;
	v14 =	vld [tilespmem:s12+$0xE0]  }
0x1cc: {  	v22 =	vmov s15;
	s15 =	sadd.s32 $0x6, s5;
	v21 =	vmov s9;
	s9 =	sadd.s32 $0x5, s5;
	[tilespmem:s12+$0x80] =	vst v13;
	v13 =	vmul.f32 v17, v10;
	v17 =	vld [tilespmem:s12+$0xF0]  }
0x1cd: {  	v24 =	vmov s15;
	v23 =	vmov s9;
	[tilespmem:s12+$0x90] =	vst v11;
	v11 =	vmul.f32 v16, v10;
	v16 =	vld [tilespmem:s12+$0x100]  }
0x1ce: {  	v18 =	vshll.u32 v18, v6;
	v19 =	vshrl.u32 v19, $0x3;
	[tilespmem:s12+$0xA0] =	vst v13;
	v12 =	vmul.f32 v12, v10;
	v13 =	vld [tilespmem:s12+$0x110]  }
0x1cf: {  	v20 =	vshrl.u32 v20, $0x3;
	v21 =	vshrl.u32 v21, $0x3;
	[tilespmem:s12+$0xB0] =	vst v11;
	v15 =	vmul.f32 v15, v10;
	v25 =	vld [tilespmem:s12+$0x120]  }
0x1d0: {  	v22 =	vshrl.u32 v22, $0x3;
	v23 =	vshrl.u32 v23, $0x3;
	[tilespmem:s12+$0xC0] =	vst v12;
	v12 =	vmul.f32 v14, v10;
	v14 =	vld [tilespmem:s12+$0x130]  }
0x1d1: {  	v11 =	vbroadcast v18, $0x0;
	v18 =	vshrl.u32 v24, $0x3;
	[tilespmem:s12+$0xD0] =	vst v15;
	v10 =	vmul.f32 v17, v10;
	v15 =	vld [tilespmem:s12+$0x140]  }
0x1d2: {  	v17 =	vshll.u32 v19, v6;
	v19 =	vshll.u32 v20, v6;
	[tilespmem:s12+$0xE0] =	vst v12;
	v12 =	vmul.f32 v16, v9;
	v16 =	vld [tilespmem:s12+$0x150]  }
0x1d3: {  	v20 =	vshll.u32 v21, v6;
	v21 =	vshll.u32 v22, v6;
	[tilespmem:s12+$0xF0] =	vst v10;
	v13 =	vmul.f32 v13, v9;
	v24 =	vld [tilespmem:s12+$0x160]  }
.Ltmp3:
0x1d4: {  	v23 =	vshll.u32 v23, v6;
	v26 =	vshll.u32 v18, v6;
	[tilespmem:s12+$0x100] =	vst v12;
	v12 =	vmul.f32 v25, v9;
	v10 =	vld [tilespmem:s12+$0x170];
	(pc) =	sbr.rel @p2 .LBB2_9-.Ltmp3, $4  }
0x1d5: {  	v17 =	vadd.s32 $0x1, v17;
	v25 =	vadd.s32 $0x2, v19;
	[tilespmem:s12+$0x110] =	vst v13;
	v27 =	vmul.f32 v14, v9;
	v13 =	vld [tilespmem:s12+$0x180]  }
0x1d6: {  	v22 =	vadd.s32 $0x3, v20;
	v18 =	vadd.s32 $0x4, v21;
	[tilespmem:s12+$0x120] =	vst v12;
	v28 =	vmul.f32 v15, v9;
	v14 =	vld [tilespmem:s12+$0x190]  }
0x1d7: {  	v19 =	vadd.s32 $0x5, v23;
	v12 =	vbroadcast v17, $0x0;
	[tilespmem:s12+$0x130] =	vst v27;
	v21 =	vmul.f32 v16, v9;
	v15 =	vld [tilespmem:s12+$0x1A0]  }
0x1d8: {  	s9 =	sadd.s32 $0x7, s5;
	s5 =	sadd.s32 $0x8, s5;
	v20 =	vadd.s32 $0x6, v26;
	v17 =	vbroadcast v25, $0x0;
	[tilespmem:s12+$0x140] =	vst v28;
	v23 =	vmul.f32 v24, v9;
	v16 =	vld [tilespmem:s12+$0x1B0]  }
0x1d9: {  	_ = 	snop  }
0x1da: {  	v25 =	vld [tilespmem:s12+$0x1C0]  }
0x1db: {  	v26 =	vld [tilespmem:s12+$0x1D0]  }
0x1dc: {  	v27 =	vld [tilespmem:s12+$0x1E0]  }
0x1dd: {  	v28 =	vld.idx.msk [tilespmem:v11+s30+$0x0], $0xffff  }
0x1de: {  	v51 =	vld.idx.msk [tilespmem:v12+s30+$0x0], $0xffff  }
0x1df: {  	s5 =	sadd.s32 $0x400, s12;
	v17 =	vld.idx.msk [tilespmem:v17+s30+$0x0], $0xffff  }
0x1e0: {  	v53 =	vld [tilespmem:s5+$0x1F0]  }
0x1e1: {  	v55 =	vld [tilespmem:s5+$0xFFFFFE00]  }
0x1e2: {  	[tilespmem:s12+$0x150] =	vst v21;
	v9 =	vmul.f32 v10, v9;
	v57 =	vld [tilespmem:s5+$0xFFFFFE10]  }
0x1e3: {  	[tilespmem:s12+$0x160] =	vst v23;
	v13 =	vmul.f32 v13, v8;
	v59 =	vld [tilespmem:s5+$0xFFFFFE20]  }
0x1e4: {  	v18 =	vbroadcast v18, $0x0;
	v60 =	vld [tilespmem:s5+$0xFFFFFE30];
	[tilespmem:s12+$0x170] =	vst v9;
	v14 =	vmul.f32 v14, v8  }
0x1e5: {  	v24 =	vmov s9;
	v61 =	vld [tilespmem:s5+$0xFFFFFE40];
	[tilespmem:s12+$0x180] =	vst v13;
	v52 =	vmul.f32 v15, v8  }
0x1e6: {  	v24 =	vshrl.u32 v24, $0x3;
	v62 =	vld [tilespmem:s5+$0xFFFFFE50];
	[tilespmem:s12+$0x190] =	vst v14;
	v54 =	vmul.f32 v16, v8  }
0x1e7: {  	v63 =	vld [tilespmem:s5+$0xFFFFFE60];
	v24 =	vshll.u32 v24, v6;
	[tilespmem:s12+$0x1A0] =	vst v52;
	v56 =	vmul.f32 v25, v8  }
0x1e8: {  	v23 =	vld [tilespmem:s5+$0xFFFFFE70];
	v50 =	vadd.s32 $0x7, v24;
	v58 =	vmul.f32 v26, v8;
	[tilespmem:s12+$0x1B0] =	vst v54  }
0x1e9: {  	v30 =	vld [tilespmem:s5+$0xFFFFFEB0];
	v29 =	vbroadcast v50, $0x0;
	v8 =	vmul.f32 v27, v8;
	[tilespmem:s12+$0x1C0] =	vst v56  }
0x1ea: {  	v12 =	vld.idx.msk [tilespmem:v18+s30+$0x0], $0xffff;
	v18 =	vmul.f32 v57, v28;
	[tilespmem:s12+$0x1D0] =	vst v58  }
0x1eb: {  	v32 =	vld [tilespmem:s5+$0xFFFFFEC0];
	[tilespmem:s12+$0x1E0] =	vst v8;
	v8 =	vmul.f32 v55, v28  }
0x1ec: {  	v33 =	vld [tilespmem:s5+$0xFFFFFED0];
	v13 =	vmul.f32 v60, v28;
	[tilespmem:s5+$0xFFFFFE10] =	vst v18  }
0x1ed: {  	v35 =	vld [tilespmem:s5+$0xFFFFFEE0];
	[tilespmem:s5+$0xFFFFFE00] =	vst v8;
	v8 =	vmul.f32 v59, v28  }
0x1ee: {  	v25 =	vld [tilespmem:s5+$0xFFFFFE80];
	v27 =	vmul.f32 v62, v28;
	[tilespmem:s5+$0xFFFFFE30] =	vst v13  }
0x1ef: {  	v9 =	vld.idx.msk [tilespmem:v29+s30+$0x0], $0xffff;
	[tilespmem:s5+$0xFFFFFE20] =	vst v8;
	v8 =	vmul.f32 v61, v28  }
0x1f0: {  	v31 =	vmul.f32 v23, v28;
	[tilespmem:s5+$0xFFFFFE50] =	vst v27;
	v29 =	vld [tilespmem:s5+$0xFFFFFEA0]  }
0x1f1: {  	v36 =	vld [tilespmem:s5+$0xFFFFFEF0];
	[tilespmem:s5+$0xFFFFFE40] =	vst v8;
	v8 =	vmul.f32 v63, v28  }
0x1f2: {  	v38 =	vld [tilespmem:s5+$0xFFFFFF00];
	v37 =	vmul.f32 v30, v51;
	[tilespmem:s5+$0xFFFFFE70] =	vst v31  }
0x1f3: {  	v39 =	vld [tilespmem:s5+$0xFFFFFF10];
	[tilespmem:s5+$0xFFFFFE60] =	vst v8;
	v8 =	vmul.f32 v25, v51  }
0x1f4: {  	v41 =	vld [tilespmem:s5+$0xFFFFFF20];
	v40 =	vmul.f32 v33, v51;
	[tilespmem:s5+$0xFFFFFEB0] =	vst v37  }
0x1f5: {  	v42 =	vld [tilespmem:s5+$0xFFFFFF30];
	[tilespmem:s5+$0xFFFFFE80] =	vst v8;
	v8 =	vmul.f32 v29, v51  }
0x1f6: {  	v22 =	vbroadcast v22, $0x0;
	v44 =	vld [tilespmem:s5+$0xFFFFFF40];
	v43 =	vmul.f32 v36, v51;
	[tilespmem:s5+$0xFFFFFED0] =	vst v40  }
0x1f7: {  	v45 =	vld [tilespmem:s5+$0xFFFFFF50];
	[tilespmem:s5+$0xFFFFFEA0] =	vst v8;
	v8 =	vmul.f32 v32, v51  }
0x1f8: {  	v20 =	vbroadcast v20, $0x0;
	v47 =	vld [tilespmem:s5+$0xFFFFFF60];
	v46 =	vmul.f32 v39, v17;
	[tilespmem:s5+$0xFFFFFEF0] =	vst v43  }
0x1f9: {  	v48 =	vld [tilespmem:s5+$0xFFFFFF70];
	[tilespmem:s5+$0xFFFFFEC0] =	vst v8;
	v8 =	vmul.f32 v35, v51  }
0x1fa: {  	v50 =	vld [tilespmem:s5+$0xFFFFFF80];
	v49 =	vmul.f32 v42, v17;
	[tilespmem:s5+$0xFFFFFF10] =	vst v46  }
0x1fb: {  	v26 =	vld [tilespmem:s5+$0xFFFFFE90];
	[tilespmem:s5+$0xFFFFFEE0] =	vst v8;
	v8 =	vmul.f32 v38, v17  }
0x1fc: {  	v22 =	vld.idx.msk [tilespmem:v22+s30+$0x0], $0xffff;
	v52 =	vmul.f32 v45, v17;
	[tilespmem:s5+$0xFFFFFF30] =	vst v49  }
0x1fd: {  	v54 =	vld [tilespmem:s5+$0xFFFFFFB0];
	[tilespmem:s5+$0xFFFFFF00] =	vst v8;
	v8 =	vmul.f32 v41, v17  }
0x1fe: {  	v10 =	vld.idx.msk [tilespmem:v20+s30+$0x0], $0xffff;
	v55 =	vmul.f32 v48, v17;
	[tilespmem:s5+$0xFFFFFF50] =	vst v52  }
0x1ff: {  	v57 =	vld [tilespmem:s5+$0xFFFFFFD0];
	[tilespmem:s5+$0xFFFFFF20] =	vst v8;
	v8 =	vmul.f32 v44, v17  }
0x200: {  	[tilespmem:s5+$0xFFFFFF70] =	vst v55;
	v34 =	vmul.f32 v26, v51;
	v15 =	vmul.f32 v53, v9;
	v53 =	vld [tilespmem:s5+$0xFFFFFFA0]  }
0x201: {  	v60 =	vld [tilespmem:s5+$0xFFFFFFF0];
	[tilespmem:s5+$0xFFFFFF40] =	vst v8;
	v8 =	vmul.f32 v47, v17  }
0x202: {  	v56 =	vld [tilespmem:s5+$0xFFFFFFC0];
	v61 =	vmul.f32 v54, v22;
	[tilespmem:s5+$0xFFFFFE90] =	vst v34  }
0x203: {  	v23 =	vld [tilespmem:s5+$0x30];
	[tilespmem:s5+$0xFFFFFF60] =	vst v8;
	v8 =	vmul.f32 v50, v22  }
0x204: {  	v59 =	vld [tilespmem:s5+$0xFFFFFFE0];
	v20 =	vmul.f32 v57, v22;
	[tilespmem:s5+$0xFFFFFFB0] =	vst v61  }
0x205: {  	v19 =	vbroadcast v19, $0x0;
	v48 =	vld [tilespmem:s5+$0x150];
	[tilespmem:s5+$0xFFFFFF80] =	vst v8;
	v8 =	vmul.f32 v53, v22  }
0x206: {  	v62 =	vld [tilespmem:s5+$0x0];
	v24 =	vmul.f32 v60, v22;
	[tilespmem:s5+$0xFFFFFFD0] =	vst v20  }
0x207: {  	v43 =	vld [tilespmem:s5+$0x110];
	[tilespmem:s5+$0xFFFFFFA0] =	vst v8;
	v8 =	vmul.f32 v56, v22  }
0x208: {  	v21 =	vld [tilespmem:s5+$0x20];
	v30 =	vmul.f32 v23, v12;
	[tilespmem:s5+$0xFFFFFFF0] =	vst v24  }
0x209: {  	v46 =	vld [tilespmem:s5+$0x130];
	[tilespmem:s5+$0xFFFFFFC0] =	vst v8;
	v8 =	vmul.f32 v59, v22  }
0x20a: {  	v55 =	vmul.f32 v48, v10;
	[tilespmem:s5+$0x30] =	vst v30;
	v25 =	vld [tilespmem:s5+$0x40]  }
0x20b: {  	v11 =	vld.idx.msk [tilespmem:v19+s30+$0x0], $0xffff;
	[tilespmem:s5+$0xFFFFFFE0] =	vst v8;
	v8 =	vmul.f32 v62, v12  }
0x20c: {  	v28 =	vld [tilespmem:s5+$0x60];
	v49 =	vmul.f32 v43, v10;
	[tilespmem:s5+$0x150] =	vst v55  }
0x20d: {  	v26 =	vld [tilespmem:s5+$0x50];
	[tilespmem:s5+$0x0] =	vst v8;
	v8 =	vmul.f32 v21, v12  }
0x20e: {  	v31 =	vld [tilespmem:s5+$0x80];
	v52 =	vmul.f32 v46, v10;
	[tilespmem:s5+$0x110] =	vst v49  }
0x20f: {  	v54 =	vld [tilespmem:s5+$0x190];
	[tilespmem:s5+$0x20] =	vst v8;
	v8 =	vmul.f32 v25, v12  }
0x210: {  	v34 =	vld [tilespmem:s5+$0xA0];
	[tilespmem:s5+$0x130] =	vst v52  }
0x211: {  	v63 =	vld [tilespmem:s5+$0x10];
	[tilespmem:s5+$0x40] =	vst v8;
	v8 =	vmul.f32 v28, v12  }
0x212: {  	v36 =	vld [tilespmem:s5+$0xC0];
	v33 =	vmul.f32 v26, v12;
	[tilespmem:s5+$0x1F0] =	vst v15  }
0x213: {  	v32 =	vld [tilespmem:s5+$0x90];
	[tilespmem:s5+$0x60] =	vst v8;
	v8 =	vmul.f32 v31, v11  }
0x214: {  	v39 =	vld [tilespmem:s5+$0xE0];
	v60 =	vmul.f32 v54, v9;
	[tilespmem:s5+$0x50] =	vst v33  }
0x215: {  	v51 =	vld [tilespmem:s5+$0xFFFFFF90];
	[tilespmem:s5+$0x80] =	vst v8;
	v8 =	vmul.f32 v34, v11  }
0x216: {  	v42 =	vld [tilespmem:s5+$0x100];
	v27 =	vmul.f32 v63, v12;
	[tilespmem:s5+$0x190] =	vst v60  }
0x217: {  	v35 =	vld [tilespmem:s5+$0xB0];
	[tilespmem:s5+$0xA0] =	vst v8;
	v8 =	vmul.f32 v36, v11  }
0x218: {  	v45 =	vld [tilespmem:s5+$0x120];
	[tilespmem:s5+$0x10] =	vst v27;
	v38 =	vmul.f32 v32, v11  }
0x219: {  	v37 =	vld [tilespmem:s5+$0xD0];
	[tilespmem:s5+$0xC0] =	vst v8;
	v8 =	vmul.f32 v39, v11  }
0x21a: {  	v58 =	vmul.f32 v51, v22;
	[tilespmem:s5+$0x90] =	vst v38;
	v47 =	vld [tilespmem:s5+$0x140]  }
0x21b: {  	v57 =	vld [tilespmem:s5+$0x1B0];
	[tilespmem:s5+$0xE0] =	vst v8;
	v8 =	vmul.f32 v42, v10  }
0x21c: {  	v41 =	vmul.f32 v35, v11;
	[tilespmem:s5+$0xFFFFFF90] =	vst v58;
	v50 =	vld [tilespmem:s5+$0x160]  }
0x21d: {  	v59 =	vld [tilespmem:s5+$0x1D0];
	[tilespmem:s5+$0x100] =	vst v8;
	v8 =	vmul.f32 v45, v10  }
0x21e: {  	v44 =	vmul.f32 v37, v11;
	[tilespmem:s5+$0xB0] =	vst v41;
	v53 =	vld [tilespmem:s5+$0x180]  }
0x21f: {  	v29 =	vld [tilespmem:s5+$0x70];
	[tilespmem:s5+$0x120] =	vst v8;
	v8 =	vmul.f32 v47, v10  }
0x220: {  	[tilespmem:s5+$0xD0] =	vst v44;
	v56 =	vld [tilespmem:s5+$0x1A0];
	v62 =	vmul.f32 v57, v9  }
0x221: {  	v40 =	vld [tilespmem:s5+$0xF0];
	[tilespmem:s5+$0x140] =	vst v8;
	v8 =	vmul.f32 v50, v10  }
0x222: {  	v58 =	vld [tilespmem:s5+$0x1C0];
	[tilespmem:s5+$0x1B0] =	vst v62;
	v63 =	vmul.f32 v59, v9  }
0x223: {  	v51 =	vld [tilespmem:s5+$0x170];
	[tilespmem:s5+$0x160] =	vst v8;
	v8 =	vmul.f32 v53, v9  }
0x224: {  	v61 =	vld [tilespmem:s5+$0x1E0];
	[tilespmem:s5+$0x1D0] =	vst v63;
	v12 =	vmul.f32 v29, v12  }
0x225: {  	[tilespmem:s5+$0x180] =	vst v8;
	v8 =	vmul.f32 v56, v9  }
0x226: {  	s6 =	sadd.s32 $0x1, s6;
	[tilespmem:s5+$0x70] =	vst v12;
	v11 =	vmul.f32 v40, v11  }
0x227: {  	p2 =	sne.s32 s6, $0x7D;
	[tilespmem:s5+$0x1A0] =	vst v8;
	v8 =	vmul.f32 v58, v9  }
.Ltmp4:
0x228: {  	[tilespmem:s5+$0xF0] =	vst v11;
	v10 =	vmul.f32 v51, v10;
	(pc) =	sbr.rel @p2 .LBB2_6-.Ltmp4, $4  }
0x229: {  	[tilespmem:s5+$0x1C0] =	vst v8;
	v8 =	vmul.f32 v61, v9  }
0x22a: {  	[tilespmem:s5+$0x170] =	vst v10  }
0x22b: {  	p1 =	por !p1, !p1;
	[tilespmem:s5+$0x1E0] =	vst v8  }
0x22c: {  	[spmem:s3] =	stream.indirect.scatter.add.f32 [tilespmem:s13], [sflag:s11], $0x80, s31, s25, $0xb8;
	[tilespmem:$0x1CFD0] =	vst v63  }
0x22d: {  	_ =	swait.ge [sflag:s0], $0x2800  }
0x22e: {  	[sflag:s0] =	ssyncset.done $0x0  }
0x22f: {  	[sflag:s0] =	ssyncadd.s32 $0xFFFFD800  }
0x230: {  	_ =	swait.ge [sflag:s0], $0x500  }
0x231: {  	[sflag:s0] =	ssyncset.done $0x0  }
0x232: {  	[sflag:s0] =	ssyncadd.s32 $0xFFFFFB00  }
0x233: {  	[bflag:$0x0] =	sbarrier.arrive $0xFFFF  }
0x234: {  	s5 =	stileid.u32;
	s6 =	sld [smem:$0x7FD]  }
0x235: {  	s5 =	sshll.u32 @!p0 s5, $0x6  }
0x236: {  	s5 =	sor.u32 @!p0 $0x1C08, s5  }
0x237: {  	[hbm:s6], [sflag:s5] =	dma.local @!p0 [spmem:s18], $0x3E80  }
0x238: {  	s6 =	simm.s32 @!p0 $0x8  }
0x239: {  	s29 =	sadd.s32 $0x1, s29;
	_ =	swait.ge @!p0 [sflag:s6], $0x3E80  }
0x23a: {  	p1 =	sne.s32 s29, s17;
	[sflag:s6] =	ssyncset.done @!p0 $0x0  }
.Ltmp5:
0x23b: {  	[sflag:s6] =	ssyncadd.s32 @!p0 $0xFFFFC180;
	(pc) =	sbr.rel @p1 .LBB2_1-.Ltmp5, $4  }
0x23c: {  	[hbm:s16], [sflag:s5] =	dma.local @!p0 [spmem:s19], $0x7D0  }
0x23d: {  	_ =	swait.ge @!p0 [sflag:s6], $0x7D0  }
0x23e: {  	[sflag:s6] =	ssyncset.done @!p0 $0x0  }
0x23f: {  	[sflag:s6] =	ssyncadd.s32 @!p0 $0xFFFFF830  }
0x240: {  	_ =	sfence.sel $0x180000  }
0x241: {  	[bflag:$0x0] =	sbarrier.arrive $0xFFFF  }
0x242: {  	_ =	strace $0x90000047  }
0x243: {  	s0 =	stileid.u32;
	[bflag:$0x2] =	sbarrier.arrive $0xFFFF  }
0x244: {  	p0 =	sne.s32 s0, $0x0;
	s0 =	rddreg [dreg:$0x5]  }
0x245: {  	s0 =	sadd.s32 @!p0 $0x100000, s0  }
0x246: {  	[sflag:s0] =	ssyncadd.tile.s32 @!p0 $0x1;
	_ =	shalt  }
.Lfunc_end2:
_tile_overlayer_lowered:
.L_overlay_start_2:
0x247: {  	(tag) =	ssettag $0x2  }
0x248: {  	s0 =	rddreg [dreg:$0x0];
	s2 =	stileid.u32  }
0x249: {  	s1 =	rddreg [dreg:$0x1];
	p0 =	sne.s32 s2, $0x0  }
0x24a: {  	s3 =	rddreg [dreg:$0x2];
	[bflag:$0x3] =	sbarrier.arrive $0xFFFF;
	s2 =	simm.s32 @!p0 $0x1C08  }
0x24b: {  	[timem:s3], [sflag:s2] =	dma.local @!p0 [hbm:s0], s1  }
0x24c: {  	s0 =	simm.s32 @!p0 $0x8  }
0x24d: {  	_ =	swait.ge @!p0 [sflag:s0], s1  }
0x24e: {  	s1 =	ssub.s32 @!p0 $0x0, s1;
	[sflag:s0] =	ssyncset.done @!p0 $0x0  }
0x24f: {  	[sflag:s0] =	ssyncadd.s32 @!p0 s1  }
0x250: {  	[bflag:$0x3] =	sbarrier.arrive $0xFFFF  }
0x251: {  	_ =	shalt  }

</sc_bundles>
